<compile_context>
chip_gen: v7x
topology: tpu7x:2x2x1
jax: 0.10.2.dev20260603
libtpu: 0.0.44.dev20260713+nightly
codegen_flags: <defaults>
</compile_context>

<pallas_src>
import functools

import jax
import jax.numpy as jnp
from jax import lax
from jax.experimental import pallas as pl
from jax.experimental.pallas import tpu as pltpu
from jax.experimental.pallas import tpu_sc as plsc

IN_DIM = 1000
EMBED = 512
HID = 512
T = 200
B = 128
N = T * B
VPAD = 1008
_HH = HID // 2

_TA = 96
_TB = T - _TA
_NA = _TA * B
_NB = _TB * B


def _table_body(emb_ref, w_ref, bih_ref, bhh_ref, out_ref):
    res = (
        lax.dot_general(
            emb_ref[...], w_ref[...], (((1,), (1,)), ((), ())),
            preferred_element_type=jnp.float32,
        )
        + bih_ref[...]
        + bhh_ref[...]
    )
    lo = lax.bitcast_convert_type(res[:, :_HH], jnp.uint32)
    hi = lax.bitcast_convert_type(res[:, _HH:], jnp.uint32)
    lo_t = (lo + 0x8000) >> 16
    hi_t = (hi + 0x8000) & jnp.uint32(0xFFFF0000)
    out_ref[...] = lax.bitcast_convert_type(hi_t | lo_t, jnp.float32)


def _make_table(embed, w_ih, bih2d, bhh2d):
    return pl.pallas_call(
        _table_body,
        grid=(1,),
        in_specs=[
            pl.BlockSpec((VPAD, EMBED), lambda i: (0, 0)),
            pl.BlockSpec((HID, EMBED), lambda i: (0, 0)),
            pl.BlockSpec((1, HID), lambda i: (0, 0)),
            pl.BlockSpec((1, HID), lambda i: (0, 0)),
        ],
        out_specs=pl.BlockSpec((VPAD, _HH), lambda i: (0, 0)),
        out_shape=jax.ShapeDtypeStruct((VPAD, _HH), jnp.float32),
    )(embed, w_ih, bih2d, bhh2d)


_NC = 2
_NS = 16
_NW = _NC * _NS


@functools.cache
def _build_gather(nh, off):
    bpw = nh // _NW
    nchunk = 8 if (bpw // 8) % 8 == 0 else 4
    ch = bpw // nchunk
    mesh = plsc.VectorSubcoreMesh(core_axis_name="c", subcore_axis_name="s")

    @functools.partial(
        pl.kernel,
        out_type=jax.ShapeDtypeStruct((nh, _HH), jnp.float32),
        mesh=mesh,
        scratch_types=[
            pltpu.VMEM((bpw,), jnp.int32),
        ]
        + [pltpu.VMEM((ch, _HH), jnp.float32) for _ in range(nchunk)]
        + [pltpu.SemaphoreType.DMA for _ in range(nchunk)]
        + [pltpu.SemaphoreType.DMA for _ in range(nchunk)],
    )
    def _gather(table_hbm, idx_hbm, out_hbm, idx_v, *bufsem):
        bufs = bufsem[:nchunk]
        gsems = bufsem[nchunk:2 * nchunk]
        wsems = bufsem[2 * nchunk:]
        wid = lax.axis_index("s") * _NC + lax.axis_index("c")
        base = wid * bpw
        pltpu.sync_copy(idx_hbm.at[pl.ds(off + base, bpw)], idx_v)
        copies = [
            pltpu.async_copy(
                table_hbm.at[idx_v.at[pl.ds(c * ch, ch)]], bufs[c], gsems[c]
            )
            for c in range(nchunk)
        ]
        writes = []
        for c in range(nchunk):
            copies[c].wait()
            writes.append(
                pltpu.async_copy(
                    bufs[c], out_hbm.at[pl.ds(base + c * ch, ch)], wsems[c]
                )
            )
        for w in writes:
            w.wait()

    return _gather


_UT = 8
_GA = _TA // _UT
_GB = _TB // _UT


def _fused_body(t_off, len_ref, xp_ref, whh_ref, wout_ref, b_ref, *rest):
    if t_off == 0:
        out_ref, hout_ref, h_ref = rest
    else:
        hin_ref, _outal_ref, out_ref, h_ref = rest
    i = pl.program_id(0)

    @pl.when(i == 0)
    def _():
        if t_off == 0:
            h_ref[...] = jnp.zeros_like(h_ref)
        else:
            h_ref[...] = hin_ref[...]

    h = h_ref[...]
    recs = []
    for j in range(_UT):
        t = t_off + i * _UT + j
        w = lax.bitcast_convert_type(xp_ref[pl.ds(j * B, B), :], jnp.uint32)
        x = jnp.concatenate(
            [
                lax.bitcast_convert_type(w << 16, jnp.float32),
                lax.bitcast_convert_type(w & jnp.uint32(0xFFFF0000), jnp.float32),
            ],
            axis=1,
        )
        h_new = jnp.maximum(
            x
            + jnp.dot(
                h.astype(jnp.bfloat16), whh_ref[...],
                preferred_element_type=jnp.float32,
            ),
            0.0,
        )
        mask = len_ref[...] > t
        h = jnp.where(mask, h_new, h)
        recs.append(jnp.where(mask, h_new, 0.0).astype(jnp.bfloat16))
    h_ref[...] = h
    if t_off == 0:
        hout_ref[...] = h

    rec = jnp.concatenate(recs, axis=0)
    xt = rec.T
    logits = (
        jnp.dot(wout_ref[...], xt, preferred_element_type=jnp.float32)
        + b_ref[...]
    )
    m = jnp.max(logits, axis=0, keepdims=True)
    e = jnp.exp(logits - m)
    s = jnp.sum(e, axis=0, keepdims=True)
    res = logits - m - jnp.log(s)
    for j in range(_UT):
        out_ref[j] = res[:, j * B:(j + 1) * B]


_W_SPECS = [
    pl.BlockSpec((B, 1), lambda i: (0, 0)),
    pl.BlockSpec((_UT * B, _HH), lambda i: (i, 0)),
    pl.BlockSpec((HID, HID), lambda i: (0, 0)),
    pl.BlockSpec((IN_DIM, HID), lambda i: (0, 0)),
    pl.BlockSpec((IN_DIM, 1), lambda i: (0, 0)),
]


def _run_fused_a(lengths2d, xp1, w_hh_bf16, w_out_bf16, b_out2d):
    return pl.pallas_call(
        functools.partial(_fused_body, 0),
        grid=(_GA,),
        in_specs=_W_SPECS,
        out_specs=[
            pl.BlockSpec((_UT, IN_DIM, B), lambda i: (i, 0, 0)),
            pl.BlockSpec((B, HID), lambda i: (0, 0)),
        ],
        out_shape=[
            jax.ShapeDtypeStruct((T, IN_DIM, B), jnp.float32),
            jax.ShapeDtypeStruct((B, HID), jnp.float32),
        ],
        scratch_shapes=[pltpu.VMEM((B, HID), jnp.float32)],
    )(lengths2d, xp1, w_hh_bf16, w_out_bf16, b_out2d)


def _run_fused_b(lengths2d, xp2, w_hh_bf16, w_out_bf16, b_out2d, h_mid, out_alias):
    return pl.pallas_call(
        functools.partial(_fused_body, _TA),
        grid=(_GB,),
        in_specs=_W_SPECS
        + [
            pl.BlockSpec((B, HID), lambda i: (0, 0)),
            pl.BlockSpec(memory_space=pl.ANY),
        ],
        out_specs=pl.BlockSpec((_UT, IN_DIM, B), lambda i: (i + _GA, 0, 0)),
        out_shape=jax.ShapeDtypeStruct((T, IN_DIM, B), jnp.float32),
        input_output_aliases={6: 0},
        scratch_shapes=[pltpu.VMEM((B, HID), jnp.float32)],
    )(lengths2d, xp2, w_hh_bf16, w_out_bf16, b_out2d, h_mid, out_alias)


def kernel(inputs, lengths, embed, W_ih, W_hh, b_ih, b_hh, W_out, b_out):
    table = _make_table(
        embed, W_ih, b_ih.reshape(1, HID), b_hh.reshape(1, HID)
    )

    idx = inputs.reshape(N).astype(jnp.int32)
    xp1 = _build_gather(_NA, 0)(table, idx)
    xp2 = _build_gather(_NB, _NA)(table, idx)

    lengths2d = lengths.reshape(B, 1).astype(jnp.int32)
    w_hh_bf16 = W_hh.T.astype(jnp.bfloat16)
    w_out_bf16 = W_out.astype(jnp.bfloat16)
    b_out2d = b_out.reshape(IN_DIM, 1)

    out_a, h_mid = _run_fused_a(lengths2d, xp1, w_hh_bf16, w_out_bf16, b_out2d)
    out_tvb = _run_fused_b(
        lengths2d, xp2, w_hh_bf16, w_out_bf16, b_out2d, h_mid, out_a
    )
    return out_tvb.transpose(0, 2, 1)

# --- scband reference (transcript-rebuilt; emitter-appended) ---
"""Pipeline reference for scband-rnnlm-3496103379303 (READ-ONLY COPY).

The authoritative reference and input builder live on the scoring server;
editing this copy changes nothing except your own understanding.
"""

import jax, jax.numpy as jnp
import numpy as np

IN_DIM = 1000
EMBED = 512
HID = 512
T = 200
B = 128


def setup_inputs(seed: int = 0) -> dict:
    key = jax.random.key(seed)
    ks = jax.random.split(key, 10)
    inputs = jax.random.randint(ks[0], (T, B), 0, IN_DIM)
    # lengths must be descending (torch pack_padded_sequence, enforce_sorted=True)
    # and >= 1; max length set to T so padded output matches inputs' time dim.
    lengths = jnp.sort(jax.random.randint(ks[1], (B,), 1, T + 1))[::-1]
    lengths = lengths.at[0].set(T)
    embed = jax.random.normal(ks[2], (IN_DIM + 1, EMBED), dtype=jnp.float32) * 0.02
    embed = embed.at[IN_DIM].set(0.0)  # padding_idx row
    W_ih = jax.random.normal(ks[3], (HID, EMBED), dtype=jnp.float32) * 0.04
    W_hh = jax.random.normal(ks[4], (HID, HID), dtype=jnp.float32) * 0.04
    b_ih = jax.random.uniform(ks[5], (HID,), dtype=jnp.float32) * 0.01
    b_hh = jax.random.uniform(ks[6], (HID,), dtype=jnp.float32) * 0.01
    W_out = jax.random.normal(ks[7], (IN_DIM, HID), dtype=jnp.float32) * 0.04
    b_out = jax.random.uniform(ks[8], (IN_DIM,), dtype=jnp.float32) * 0.01
    return {"inputs": inputs, "lengths": lengths, "embed": embed,
            "W_ih": W_ih, "W_hh": W_hh, "b_ih": b_ih, "b_hh": b_hh,
            "W_out": W_out, "b_out": b_out}


def reference(inputs, lengths, embed, W_ih, W_hh, b_ih, b_hh, W_out, b_out):
    # Embedding lookup (gather)
    emb = jnp.take(embed, inputs, axis=0)            # (T, B, E)
    # Packing emulation: positions t >= lengths[b] do not update hidden state
    # and produce 0 in the padded output (pad_packed_sequence pads with 0).
    mask = jnp.arange(T)[:, None] < lengths[None, :]  # (T, B) bool

    h0 = jnp.zeros((B, HID), dtype=emb.dtype)

    def step(h, xm):
        x_t, m_t = xm
        h_new = jax.nn.relu(x_t @ W_ih.T + b_ih + h @ W_hh.T + b_hh)
        m = m_t[:, None]
        h = jnp.where(m, h_new, h)
        out_t = jnp.where(m, h_new, 0.0)
        return h, out_t

    _, rec = jax.lax.scan(step, h0, (emb, mask))      # rec: (T, B, HID)

    flat_rec = rec.reshape(T * B, HID)
    logits = flat_rec @ W_out.T + b_out               # (T*B, IN_DIM)
    flat_out = jax.nn.log_softmax(logits, axis=-1)    # LogSoftmax over vocab
    out = flat_out.reshape(T, B, IN_DIM)
    return out

if __name__ == "__main__":
    import jax
    _d = setup_inputs()
    print(jax.jit(kernel)(*tuple(_d.values())))

</pallas_src>

<mosaic_0001>
#map = affine_map<(d0, d1) -> (0, 0)>
#map1 = affine_map<(d0, d1) -> (0)>
module attributes {stable_mosaic.version = 14 : i64} {
  func.func @_gather(%arg0: i32, %arg1: i32, %arg2: memref<1008x256xf32, #tpu.memory_space<hbm>>, %arg3: memref<25600xi32, #tpu.memory_space<hbm>>, %arg4: memref<13312x256xf32, #tpu.memory_space<hbm>>, %arg5: memref<416xi32, #tpu.memory_space<vmem>>, %arg6: memref<104x256xf32, #tpu.memory_space<vmem>>, %arg7: memref<104x256xf32, #tpu.memory_space<vmem>>, %arg8: memref<104x256xf32, #tpu.memory_space<vmem>>, %arg9: memref<104x256xf32, #tpu.memory_space<vmem>>, %arg10: memref<!tpu.dma_semaphore, #tpu.memory_space<semaphore_mem>>, %arg11: memref<!tpu.dma_semaphore, #tpu.memory_space<semaphore_mem>>, %arg12: memref<!tpu.dma_semaphore, #tpu.memory_space<semaphore_mem>>, %arg13: memref<!tpu.dma_semaphore, #tpu.memory_space<semaphore_mem>>, %arg14: memref<!tpu.dma_semaphore, #tpu.memory_space<semaphore_mem>>, %arg15: memref<!tpu.dma_semaphore, #tpu.memory_space<semaphore_mem>>, %arg16: memref<!tpu.dma_semaphore, #tpu.memory_space<semaphore_mem>>, %arg17: memref<!tpu.dma_semaphore, #tpu.memory_space<semaphore_mem>>) attributes {dimension_semantics = [#tpu.dimension_semantics<core_parallel>, #tpu.dimension_semantics<subcore_parallel>], iteration_bounds = array<i64: 2, 16>, scalar_prefetch = 0 : i64, scratch_operands = 13 : i64, tpu.core_type = #tpu.core_type<sc_vector_subcore>, window_params = [{transform_indices = #map}, {transform_indices = #map1}, {transform_indices = #map}]} {
    %mul3A = arith.constant 2 : i32
    %mul3A_0 = arith.muli %arg1, %mul3A : i32
    %add3A = arith.addi %mul3A_0, %arg0 : i32
    %mul3A_1 = arith.constant 416 : i32
    %mul3A_2 = arith.muli %add3A, %mul3A_1 : i32
    %add3A_3 = arith.constant 12288 : i32
    %add3A_4 = arith.addi %add3A_3, %mul3A_2 : i32
    "tpu.region"() ({
      %run_scoped3A = tpu.sem_alloc : memref<!tpu.dma_semaphore, #tpu.memory_space<semaphore_mem>>
      %dma_start3A_83 = tpu.memref_slice %arg3[%add3A_4] : memref<25600xi32, #tpu.memory_space<hbm>> -> memref<416xi32, #tpu.memory_space<hbm>>
      %dma_start3A_84 = tpu.memref_slice %arg3[%add3A_4] : memref<25600xi32, #tpu.memory_space<hbm>> -> memref<416xi32, #tpu.memory_space<hbm>>
      tpu.enqueue_dma source(%dma_start3A_84 : memref<416xi32, #tpu.memory_space<hbm>>) target(%arg5 : memref<416xi32, #tpu.memory_space<vmem>>) target_semaphore(%run_scoped3A : memref<!tpu.dma_semaphore, #tpu.memory_space<semaphore_mem>>)
      %dma_wait3A_85 = tpu.memref_slice %arg3[%add3A_4] : memref<25600xi32, #tpu.memory_space<hbm>> -> memref<416xi32, #tpu.memory_space<hbm>>
      %dma_wait3A_86 = tpu.memref_slice %arg3[%add3A_4] : memref<25600xi32, #tpu.memory_space<hbm>> -> memref<416xi32, #tpu.memory_space<hbm>>
      tpu.wait_dma2 semaphore(%run_scoped3A : memref<!tpu.dma_semaphore, #tpu.memory_space<semaphore_mem>>) src(%dma_wait3A_86 : memref<416xi32, #tpu.memory_space<hbm>>) dst(%arg5 : memref<416xi32, #tpu.memory_space<vmem>>)
      tpu.yield
    }) : () -> ()
    %dma_start3A = arith.constant 0 : i32
    %dma_start3A_5 = tpu.memref_slice %arg5[%dma_start3A] : memref<416xi32, #tpu.memory_space<vmem>> -> memref<104xi32, #tpu.memory_space<vmem>>
    %dma_start3A_6 = arith.constant 0 : i32
    %dma_start3A_7 = arith.constant 0 : i32
    %dma_start3A_8 = tpu.memref_slice %arg2[%dma_start3A_6, %dma_start3A_7] : memref<1008x256xf32, #tpu.memory_space<hbm>> -> memref<1008x256xf32, #tpu.memory_space<hbm>>
    tpu.enqueue_indirect_dma source(%dma_start3A_8 : memref<1008x256xf32, #tpu.memory_space<hbm>>) target(%arg6 : memref<104x256xf32, #tpu.memory_space<vmem>>) offsets(%dma_start3A_5 : memref<104xi32, #tpu.memory_space<vmem>>) semaphore(%arg10 : memref<!tpu.dma_semaphore, #tpu.memory_space<semaphore_mem>>)
    %dma_start3A_9 = arith.constant 104 : i32
    %dma_start3A_10 = tpu.memref_slice %arg5[%dma_start3A_9] : memref<416xi32, #tpu.memory_space<vmem>> -> memref<104xi32, #tpu.memory_space<vmem>>
    %dma_start3A_11 = arith.constant 0 : i32
    %dma_start3A_12 = arith.constant 0 : i32
    %dma_start3A_13 = tpu.memref_slice %arg2[%dma_start3A_11, %dma_start3A_12] : memref<1008x256xf32, #tpu.memory_space<hbm>> -> memref<1008x256xf32, #tpu.memory_space<hbm>>
    tpu.enqueue_indirect_dma source(%dma_start3A_13 : memref<1008x256xf32, #tpu.memory_space<hbm>>) target(%arg7 : memref<104x256xf32, #tpu.memory_space<vmem>>) offsets(%dma_start3A_10 : memref<104xi32, #tpu.memory_space<vmem>>) semaphore(%arg11 : memref<!tpu.dma_semaphore, #tpu.memory_space<semaphore_mem>>)
    %dma_start3A_14 = arith.constant 208 : i32
    %dma_start3A_15 = tpu.memref_slice %arg5[%dma_start3A_14] : memref<416xi32, #tpu.memory_space<vmem>> -> memref<104xi32, #tpu.memory_space<vmem>>
    %dma_start3A_16 = arith.constant 0 : i32
    %dma_start3A_17 = arith.constant 0 : i32
    %dma_start3A_18 = tpu.memref_slice %arg2[%dma_start3A_16, %dma_start3A_17] : memref<1008x256xf32, #tpu.memory_space<hbm>> -> memref<1008x256xf32, #tpu.memory_space<hbm>>
    tpu.enqueue_indirect_dma source(%dma_start3A_18 : memref<1008x256xf32, #tpu.memory_space<hbm>>) target(%arg8 : memref<104x256xf32, #tpu.memory_space<vmem>>) offsets(%dma_start3A_15 : memref<104xi32, #tpu.memory_space<vmem>>) semaphore(%arg12 : memref<!tpu.dma_semaphore, #tpu.memory_space<semaphore_mem>>)
    %dma_start3A_19 = arith.constant 312 : i32
    %dma_start3A_20 = tpu.memref_slice %arg5[%dma_start3A_19] : memref<416xi32, #tpu.memory_space<vmem>> -> memref<104xi32, #tpu.memory_space<vmem>>
    %dma_start3A_21 = arith.constant 0 : i32
    %dma_start3A_22 = arith.constant 0 : i32
    %dma_start3A_23 = tpu.memref_slice %arg2[%dma_start3A_21, %dma_start3A_22] : memref<1008x256xf32, #tpu.memory_space<hbm>> -> memref<1008x256xf32, #tpu.memory_space<hbm>>
    tpu.enqueue_indirect_dma source(%dma_start3A_23 : memref<1008x256xf32, #tpu.memory_space<hbm>>) target(%arg9 : memref<104x256xf32, #tpu.memory_space<vmem>>) offsets(%dma_start3A_20 : memref<104xi32, #tpu.memory_space<vmem>>) semaphore(%arg13 : memref<!tpu.dma_semaphore, #tpu.memory_space<semaphore_mem>>)
    %dma_wait3A = arith.constant 0 : i32
    %dma_wait3A_24 = tpu.memref_slice %arg5[%dma_wait3A] : memref<416xi32, #tpu.memory_space<vmem>> -> memref<104xi32, #tpu.memory_space<vmem>>
    %dma_wait3A_25 = arith.constant 0 : i32
    %dma_wait3A_26 = arith.constant 0 : i32
    %dma_wait3A_27 = tpu.memref_slice %arg2[%dma_wait3A_25, %dma_wait3A_26] : memref<1008x256xf32, #tpu.memory_space<hbm>> -> memref<1008x256xf32, #tpu.memory_space<hbm>>
    tpu.wait_indirect_dma semaphore(%arg10 : memref<!tpu.dma_semaphore, #tpu.memory_space<semaphore_mem>>) src(%dma_wait3A_27 : memref<1008x256xf32, #tpu.memory_space<hbm>>) dst(%arg6 : memref<104x256xf32, #tpu.memory_space<vmem>>)
    %add3A_28 = arith.constant 0 : i32
    %add3A_29 = arith.addi %mul3A_2, %add3A_28 : i32
    %dma_start3A_30 = arith.constant 0 : i32
    %dma_start3A_31 = tpu.memref_slice %arg4[%add3A_29, %dma_start3A_30] : memref<13312x256xf32, #tpu.memory_space<hbm>> -> memref<104x256xf32, #tpu.memory_space<hbm>>
    %dma_start3A_32 = arith.constant 0 : i32
    %dma_start3A_33 = tpu.memref_slice %arg4[%add3A_29, %dma_start3A_32] : memref<13312x256xf32, #tpu.memory_space<hbm>> -> memref<104x256xf32, #tpu.memory_space<hbm>>
    tpu.enqueue_dma source(%arg6 : memref<104x256xf32, #tpu.memory_space<vmem>>) target(%dma_start3A_33 : memref<104x256xf32, #tpu.memory_space<hbm>>) target_semaphore(%arg14 : memref<!tpu.dma_semaphore, #tpu.memory_space<semaphore_mem>>)
    %dma_wait3A_34 = arith.constant 104 : i32
    %dma_wait3A_35 = tpu.memref_slice %arg5[%dma_wait3A_34] : memref<416xi32, #tpu.memory_space<vmem>> -> memref<104xi32, #tpu.memory_space<vmem>>
    %dma_wait3A_36 = arith.constant 0 : i32
    %dma_wait3A_37 = arith.constant 0 : i32
    %dma_wait3A_38 = tpu.memref_slice %arg2[%dma_wait3A_36, %dma_wait3A_37] : memref<1008x256xf32, #tpu.memory_space<hbm>> -> memref<1008x256xf32, #tpu.memory_space<hbm>>
    tpu.wait_indirect_dma semaphore(%arg11 : memref<!tpu.dma_semaphore, #tpu.memory_space<semaphore_mem>>) src(%dma_wait3A_38 : memref<1008x256xf32, #tpu.memory_space<hbm>>) dst(%arg7 : memref<104x256xf32, #tpu.memory_space<vmem>>)
    %add3A_39 = arith.constant 104 : i32
    %add3A_40 = arith.addi %mul3A_2, %add3A_39 : i32
    %dma_start3A_41 = arith.constant 0 : i32
    %dma_start3A_42 = tpu.memref_slice %arg4[%add3A_40, %dma_start3A_41] : memref<13312x256xf32, #tpu.memory_space<hbm>> -> memref<104x256xf32, #tpu.memory_space<hbm>>
    %dma_start3A_43 = arith.constant 0 : i32
    %dma_start3A_44 = tpu.memref_slice %arg4[%add3A_40, %dma_start3A_43] : memref<13312x256xf32, #tpu.memory_space<hbm>> -> memref<104x256xf32, #tpu.memory_space<hbm>>
    tpu.enqueue_dma source(%arg7 : memref<104x256xf32, #tpu.memory_space<vmem>>) target(%dma_start3A_44 : memref<104x256xf32, #tpu.memory_space<hbm>>) target_semaphore(%arg15 : memref<!tpu.dma_semaphore, #tpu.memory_space<semaphore_mem>>)
    %dma_wait3A_45 = arith.constant 208 : i32
    %dma_wait3A_46 = tpu.memref_slice %arg5[%dma_wait3A_45] : memref<416xi32, #tpu.memory_space<vmem>> -> memref<104xi32, #tpu.memory_space<vmem>>
    %dma_wait3A_47 = arith.constant 0 : i32
    %dma_wait3A_48 = arith.constant 0 : i32
    %dma_wait3A_49 = tpu.memref_slice %arg2[%dma_wait3A_47, %dma_wait3A_48] : memref<1008x256xf32, #tpu.memory_space<hbm>> -> memref<1008x256xf32, #tpu.memory_space<hbm>>
    tpu.wait_indirect_dma semaphore(%arg12 : memref<!tpu.dma_semaphore, #tpu.memory_space<semaphore_mem>>) src(%dma_wait3A_49 : memref<1008x256xf32, #tpu.memory_space<hbm>>) dst(%arg8 : memref<104x256xf32, #tpu.memory_space<vmem>>)
    %add3A_50 = arith.constant 208 : i32
    %add3A_51 = arith.addi %mul3A_2, %add3A_50 : i32
    %dma_start3A_52 = arith.constant 0 : i32
    %dma_start3A_53 = tpu.memref_slice %arg4[%add3A_51, %dma_start3A_52] : memref<13312x256xf32, #tpu.memory_space<hbm>> -> memref<104x256xf32, #tpu.memory_space<hbm>>
    %dma_start3A_54 = arith.constant 0 : i32
    %dma_start3A_55 = tpu.memref_slice %arg4[%add3A_51, %dma_start3A_54] : memref<13312x256xf32, #tpu.memory_space<hbm>> -> memref<104x256xf32, #tpu.memory_space<hbm>>
    tpu.enqueue_dma source(%arg8 : memref<104x256xf32, #tpu.memory_space<vmem>>) target(%dma_start3A_55 : memref<104x256xf32, #tpu.memory_space<hbm>>) target_semaphore(%arg16 : memref<!tpu.dma_semaphore, #tpu.memory_space<semaphore_mem>>)
    %dma_wait3A_56 = arith.constant 312 : i32
    %dma_wait3A_57 = tpu.memref_slice %arg5[%dma_wait3A_56] : memref<416xi32, #tpu.memory_space<vmem>> -> memref<104xi32, #tpu.memory_space<vmem>>
    %dma_wait3A_58 = arith.constant 0 : i32
    %dma_wait3A_59 = arith.constant 0 : i32
    %dma_wait3A_60 = tpu.memref_slice %arg2[%dma_wait3A_58, %dma_wait3A_59] : memref<1008x256xf32, #tpu.memory_space<hbm>> -> memref<1008x256xf32, #tpu.memory_space<hbm>>
    tpu.wait_indirect_dma semaphore(%arg13 : memref<!tpu.dma_semaphore, #tpu.memory_space<semaphore_mem>>) src(%dma_wait3A_60 : memref<1008x256xf32, #tpu.memory_space<hbm>>) dst(%arg9 : memref<104x256xf32, #tpu.memory_space<vmem>>)
    %add3A_61 = arith.constant 312 : i32
    %add3A_62 = arith.addi %mul3A_2, %add3A_61 : i32
    %dma_start3A_63 = arith.constant 0 : i32
    %dma_start3A_64 = tpu.memref_slice %arg4[%add3A_62, %dma_start3A_63] : memref<13312x256xf32, #tpu.memory_space<hbm>> -> memref<104x256xf32, #tpu.memory_space<hbm>>
    %dma_start3A_65 = arith.constant 0 : i32
    %dma_start3A_66 = tpu.memref_slice %arg4[%add3A_62, %dma_start3A_65] : memref<13312x256xf32, #tpu.memory_space<hbm>> -> memref<104x256xf32, #tpu.memory_space<hbm>>
    tpu.enqueue_dma source(%arg9 : memref<104x256xf32, #tpu.memory_space<vmem>>) target(%dma_start3A_66 : memref<104x256xf32, #tpu.memory_space<hbm>>) target_semaphore(%arg17 : memref<!tpu.dma_semaphore, #tpu.memory_space<semaphore_mem>>)
    %dma_wait3A_67 = arith.constant 0 : i32
    %dma_wait3A_68 = tpu.memref_slice %arg4[%add3A_29, %dma_wait3A_67] : memref<13312x256xf32, #tpu.memory_space<hbm>> -> memref<104x256xf32, #tpu.memory_space<hbm>>
    %dma_wait3A_69 = arith.constant 0 : i32
    %dma_wait3A_70 = tpu.memref_slice %arg4[%add3A_29, %dma_wait3A_69] : memref<13312x256xf32, #tpu.memory_space<hbm>> -> memref<104x256xf32, #tpu.memory_space<hbm>>
    tpu.wait_dma2 semaphore(%arg14 : memref<!tpu.dma_semaphore, #tpu.memory_space<semaphore_mem>>) src(%arg6 : memref<104x256xf32, #tpu.memory_space<vmem>>) dst(%dma_wait3A_70 : memref<104x256xf32, #tpu.memory_space<hbm>>)
    %dma_wait3A_71 = arith.constant 0 : i32
    %dma_wait3A_72 = tpu.memref_slice %arg4[%add3A_40, %dma_wait3A_71] : memref<13312x256xf32, #tpu.memory_space<hbm>> -> memref<104x256xf32, #tpu.memory_space<hbm>>
    %dma_wait3A_73 = arith.constant 0 : i32
    %dma_wait3A_74 = tpu.memref_slice %arg4[%add3A_40, %dma_wait3A_73] : memref<13312x256xf32, #tpu.memory_space<hbm>> -> memref<104x256xf32, #tpu.memory_space<hbm>>
    tpu.wait_dma2 semaphore(%arg15 : memref<!tpu.dma_semaphore, #tpu.memory_space<semaphore_mem>>) src(%arg7 : memref<104x256xf32, #tpu.memory_space<vmem>>) dst(%dma_wait3A_74 : memref<104x256xf32, #tpu.memory_space<hbm>>)
    %dma_wait3A_75 = arith.constant 0 : i32
    %dma_wait3A_76 = tpu.memref_slice %arg4[%add3A_51, %dma_wait3A_75] : memref<13312x256xf32, #tpu.memory_space<hbm>> -> memref<104x256xf32, #tpu.memory_space<hbm>>
    %dma_wait3A_77 = arith.constant 0 : i32
    %dma_wait3A_78 = tpu.memref_slice %arg4[%add3A_51, %dma_wait3A_77] : memref<13312x256xf32, #tpu.memory_space<hbm>> -> memref<104x256xf32, #tpu.memory_space<hbm>>
    tpu.wait_dma2 semaphore(%arg16 : memref<!tpu.dma_semaphore, #tpu.memory_space<semaphore_mem>>) src(%arg8 : memref<104x256xf32, #tpu.memory_space<vmem>>) dst(%dma_wait3A_78 : memref<104x256xf32, #tpu.memory_space<hbm>>)
    %dma_wait3A_79 = arith.constant 0 : i32
    %dma_wait3A_80 = tpu.memref_slice %arg4[%add3A_62, %dma_wait3A_79] : memref<13312x256xf32, #tpu.memory_space<hbm>> -> memref<104x256xf32, #tpu.memory_space<hbm>>
    %dma_wait3A_81 = arith.constant 0 : i32
    %dma_wait3A_82 = tpu.memref_slice %arg4[%add3A_62, %dma_wait3A_81] : memref<13312x256xf32, #tpu.memory_space<hbm>> -> memref<104x256xf32, #tpu.memory_space<hbm>>
    tpu.wait_dma2 semaphore(%arg17 : memref<!tpu.dma_semaphore, #tpu.memory_space<semaphore_mem>>) src(%arg9 : memref<104x256xf32, #tpu.memory_space<vmem>>) dst(%dma_wait3A_82 : memref<104x256xf32, #tpu.memory_space<hbm>>)
    return
  }
}

#map = affine_map<(d0, d1) -> (0, 0)>
#map1 = affine_map<(d0, d1) -> (0)>
module attributes {stable_mosaic.version = 14 : i64} {
  func.func @_gather(%arg0: i32, %arg1: i32, %arg2: memref<1008x256xf32, #tpu.memory_space<hbm>>, %arg3: memref<25600xi32, #tpu.memory_space<hbm>>, %arg4: memref<12288x256xf32, #tpu.memory_space<hbm>>, %arg5: memref<384xi32, #tpu.memory_space<vmem>>, %arg6: memref<48x256xf32, #tpu.memory_space<vmem>>, %arg7: memref<48x256xf32, #tpu.memory_space<vmem>>, %arg8: memref<48x256xf32, #tpu.memory_space<vmem>>, %arg9: memref<48x256xf32, #tpu.memory_space<vmem>>, %arg10: memref<48x256xf32, #tpu.memory_space<vmem>>, %arg11: memref<48x256xf32, #tpu.memory_space<vmem>>, %arg12: memref<48x256xf32, #tpu.memory_space<vmem>>, %arg13: memref<48x256xf32, #tpu.memory_space<vmem>>, %arg14: memref<!tpu.dma_semaphore, #tpu.memory_space<semaphore_mem>>, %arg15: memref<!tpu.dma_semaphore, #tpu.memory_space<semaphore_mem>>, %arg16: memref<!tpu.dma_semaphore, #tpu.memory_space<semaphore_mem>>, %arg17: memref<!tpu.dma_semaphore, #tpu.memory_space<semaphore_mem>>, %arg18: memref<!tpu.dma_semaphore, #tpu.memory_space<semaphore_mem>>, %arg19: memref<!tpu.dma_semaphore, #tpu.memory_space<semaphore_mem>>, %arg20: memref<!tpu.dma_semaphore, #tpu.memory_space<semaphore_mem>>, %arg21: memref<!tpu.dma_semaphore, #tpu.memory_space<semaphore_mem>>, %arg22: memref<!tpu.dma_semaphore, #tpu.memory_space<semaphore_mem>>, %arg23: memref<!tpu.dma_semaphore, #tpu.memory_space<semaphore_mem>>, %arg24: memref<!tpu.dma_semaphore, #tpu.memory_space<semaphore_mem>>, %arg25: memref<!tpu.dma_semaphore, #tpu.memory_space<semaphore_mem>>, %arg26: memref<!tpu.dma_semaphore, #tpu.memory_space<semaphore_mem>>, %arg27: memref<!tpu.dma_semaphore, #tpu.memory_space<semaphore_mem>>, %arg28: memref<!tpu.dma_semaphore, #tpu.memory_space<semaphore_mem>>, %arg29: memref<!tpu.dma_semaphore, #tpu.memory_space<semaphore_mem>>) attributes {dimension_semantics = [#tpu.dimension_semantics<core_parallel>, #tpu.dimension_semantics<subcore_parallel>], iteration_bounds = array<i64: 2, 16>, scalar_prefetch = 0 : i64, scratch_operands = 25 : i64, tpu.core_type = #tpu.core_type<sc_vector_subcore>, window_params = [{transform_indices = #map}, {transform_indices = #map1}, {transform_indices = #map}]} {
    %mul3A = arith.constant 2 : i32
    %mul3A_0 = arith.muli %arg1, %mul3A : i32
    %add3A = arith.addi %mul3A_0, %arg0 : i32
    %mul3A_1 = arith.constant 384 : i32
    %mul3A_2 = arith.muli %add3A, %mul3A_1 : i32
    %add3A_3 = arith.constant 0 : i32
    %add3A_4 = arith.addi %add3A_3, %mul3A_2 : i32
    "tpu.region"() ({
      %run_scoped3A = tpu.sem_alloc : memref<!tpu.dma_semaphore, #tpu.memory_space<semaphore_mem>>
      %dma_start3A_163 = tpu.memref_slice %arg3[%add3A_4] : memref<25600xi32, #tpu.memory_space<hbm>> -> memref<384xi32, #tpu.memory_space<hbm>>
      %dma_start3A_164 = tpu.memref_slice %arg3[%add3A_4] : memref<25600xi32, #tpu.memory_space<hbm>> -> memref<384xi32, #tpu.memory_space<hbm>>
      tpu.enqueue_dma source(%dma_start3A_164 : memref<384xi32, #tpu.memory_space<hbm>>) target(%arg5 : memref<384xi32, #tpu.memory_space<vmem>>) target_semaphore(%run_scoped3A : memref<!tpu.dma_semaphore, #tpu.memory_space<semaphore_mem>>)
      %dma_wait3A_165 = tpu.memref_slice %arg3[%add3A_4] : memref<25600xi32, #tpu.memory_space<hbm>> -> memref<384xi32, #tpu.memory_space<hbm>>
      %dma_wait3A_166 = tpu.memref_slice %arg3[%add3A_4] : memref<25600xi32, #tpu.memory_space<hbm>> -> memref<384xi32, #tpu.memory_space<hbm>>
      tpu.wait_dma2 semaphore(%run_scoped3A : memref<!tpu.dma_semaphore, #tpu.memory_space<semaphore_mem>>) src(%dma_wait3A_166 : memref<384xi32, #tpu.memory_space<hbm>>) dst(%arg5 : memref<384xi32, #tpu.memory_space<vmem>>)
      tpu.yield
    }) : () -> ()
    %dma_start3A = arith.constant 0 : i32
    %dma_start3A_5 = tpu.memref_slice %arg5[%dma_start3A] : memref<384xi32, #tpu.memory_space<vmem>> -> memref<48xi32, #tpu.memory_space<vmem>>
    %dma_start3A_6 = arith.constant 0 : i32
    %dma_start3A_7 = arith.constant 0 : i32
    %dma_start3A_8 = tpu.memref_slice %arg2[%dma_start3A_6, %dma_start3A_7] : memref<1008x256xf32, #tpu.memory_space<hbm>> -> memref<1008x256xf32, #tpu.memory_space<hbm>>
    tpu.enqueue_indirect_dma source(%dma_start3A_8 : memref<1008x256xf32, #tpu.memory_space<hbm>>) target(%arg6 : memref<48x256xf32, #tpu.memory_space<vmem>>) offsets(%dma_start3A_5 : memref<48xi32, #tpu.memory_space<vmem>>) semaphore(%arg14 : memref<!tpu.dma_semaphore, #tpu.memory_space<semaphore_mem>>)
    %dma_start3A_9 = arith.constant 48 : i32
    %dma_start3A_10 = tpu.memref_slice %arg5[%dma_start3A_9] : memref<384xi32, #tpu.memory_space<vmem>> -> memref<48xi32, #tpu.memory_space<vmem>>
    %dma_start3A_11 = arith.constant 0 : i32
    %dma_start3A_12 = arith.constant 0 : i32
    %dma_start3A_13 = tpu.memref_slice %arg2[%dma_start3A_11, %dma_start3A_12] : memref<1008x256xf32, #tpu.memory_space<hbm>> -> memref<1008x256xf32, #tpu.memory_space<hbm>>
    tpu.enqueue_indirect_dma source(%dma_start3A_13 : memref<1008x256xf32, #tpu.memory_space<hbm>>) target(%arg7 : memref<48x256xf32, #tpu.memory_space<vmem>>) offsets(%dma_start3A_10 : memref<48xi32, #tpu.memory_space<vmem>>) semaphore(%arg15 : memref<!tpu.dma_semaphore, #tpu.memory_space<semaphore_mem>>)
    %dma_start3A_14 = arith.constant 96 : i32
    %dma_start3A_15 = tpu.memref_slice %arg5[%dma_start3A_14] : memref<384xi32, #tpu.memory_space<vmem>> -> memref<48xi32, #tpu.memory_space<vmem>>
    %dma_start3A_16 = arith.constant 0 : i32
    %dma_start3A_17 = arith.constant 0 : i32
    %dma_start3A_18 = tpu.memref_slice %arg2[%dma_start3A_16, %dma_start3A_17] : memref<1008x256xf32, #tpu.memory_space<hbm>> -> memref<1008x256xf32, #tpu.memory_space<hbm>>
    tpu.enqueue_indirect_dma source(%dma_start3A_18 : memref<1008x256xf32, #tpu.memory_space<hbm>>) target(%arg8 : memref<48x256xf32, #tpu.memory_space<vmem>>) offsets(%dma_start3A_15 : memref<48xi32, #tpu.memory_space<vmem>>) semaphore(%arg16 : memref<!tpu.dma_semaphore, #tpu.memory_space<semaphore_mem>>)
    %dma_start3A_19 = arith.constant 144 : i32
    %dma_start3A_20 = tpu.memref_slice %arg5[%dma_start3A_19] : memref<384xi32, #tpu.memory_space<vmem>> -> memref<48xi32, #tpu.memory_space<vmem>>
    %dma_start3A_21 = arith.constant 0 : i32
    %dma_start3A_22 = arith.constant 0 : i32
    %dma_start3A_23 = tpu.memref_slice %arg2[%dma_start3A_21, %dma_start3A_22] : memref<1008x256xf32, #tpu.memory_space<hbm>> -> memref<1008x256xf32, #tpu.memory_space<hbm>>
    tpu.enqueue_indirect_dma source(%dma_start3A_23 : memref<1008x256xf32, #tpu.memory_space<hbm>>) target(%arg9 : memref<48x256xf32, #tpu.memory_space<vmem>>) offsets(%dma_start3A_20 : memref<48xi32, #tpu.memory_space<vmem>>) semaphore(%arg17 : memref<!tpu.dma_semaphore, #tpu.memory_space<semaphore_mem>>)
    %dma_start3A_24 = arith.constant 192 : i32
    %dma_start3A_25 = tpu.memref_slice %arg5[%dma_start3A_24] : memref<384xi32, #tpu.memory_space<vmem>> -> memref<48xi32, #tpu.memory_space<vmem>>
    %dma_start3A_26 = arith.constant 0 : i32
    %dma_start3A_27 = arith.constant 0 : i32
    %dma_start3A_28 = tpu.memref_slice %arg2[%dma_start3A_26, %dma_start3A_27] : memref<1008x256xf32, #tpu.memory_space<hbm>> -> memref<1008x256xf32, #tpu.memory_space<hbm>>
    tpu.enqueue_indirect_dma source(%dma_start3A_28 : memref<1008x256xf32, #tpu.memory_space<hbm>>) target(%arg10 : memref<48x256xf32, #tpu.memory_space<vmem>>) offsets(%dma_start3A_25 : memref<48xi32, #tpu.memory_space<vmem>>) semaphore(%arg18 : memref<!tpu.dma_semaphore, #tpu.memory_space<semaphore_mem>>)
    %dma_start3A_29 = arith.constant 240 : i32
    %dma_start3A_30 = tpu.memref_slice %arg5[%dma_start3A_29] : memref<384xi32, #tpu.memory_space<vmem>> -> memref<48xi32, #tpu.memory_space<vmem>>
    %dma_start3A_31 = arith.constant 0 : i32
    %dma_start3A_32 = arith.constant 0 : i32
    %dma_start3A_33 = tpu.memref_slice %arg2[%dma_start3A_31, %dma_start3A_32] : memref<1008x256xf32, #tpu.memory_space<hbm>> -> memref<1008x256xf32, #tpu.memory_space<hbm>>
    tpu.enqueue_indirect_dma source(%dma_start3A_33 : memref<1008x256xf32, #tpu.memory_space<hbm>>) target(%arg11 : memref<48x256xf32, #tpu.memory_space<vmem>>) offsets(%dma_start3A_30 : memref<48xi32, #tpu.memory_space<vmem>>) semaphore(%arg19 : memref<!tpu.dma_semaphore, #tpu.memory_space<semaphore_mem>>)
    %dma_start3A_34 = arith.constant 288 : i32
    %dma_start3A_35 = tpu.memref_slice %arg5[%dma_start3A_34] : memref<384xi32, #tpu.memory_space<vmem>> -> memref<48xi32, #tpu.memory_space<vmem>>
    %dma_start3A_36 = arith.constant 0 : i32
    %dma_start3A_37 = arith.constant 0 : i32
    %dma_start3A_38 = tpu.memref_slice %arg2[%dma_start3A_36, %dma_start3A_37] : memref<1008x256xf32, #tpu.memory_space<hbm>> -> memref<1008x256xf32, #tpu.memory_space<hbm>>
    tpu.enqueue_indirect_dma source(%dma_start3A_38 : memref<1008x256xf32, #tpu.memory_space<hbm>>) target(%arg12 : memref<48x256xf32, #tpu.memory_space<vmem>>) offsets(%dma_start3A_35 : memref<48xi32, #tpu.memory_space<vmem>>) semaphore(%arg20 : memref<!tpu.dma_semaphore, #tpu.memory_space<semaphore_mem>>)
    %dma_start3A_39 = arith.constant 336 : i32
    %dma_start3A_40 = tpu.memref_slice %arg5[%dma_start3A_39] : memref<384xi32, #tpu.memory_space<vmem>> -> memref<48xi32, #tpu.memory_space<vmem>>
    %dma_start3A_41 = arith.constant 0 : i32
    %dma_start3A_42 = arith.constant 0 : i32
    %dma_start3A_43 = tpu.memref_slice %arg2[%dma_start3A_41, %dma_start3A_42] : memref<1008x256xf32, #tpu.memory_space<hbm>> -> memref<1008x256xf32, #tpu.memory_space<hbm>>
    tpu.enqueue_indirect_dma source(%dma_start3A_43 : memref<1008x256xf32, #tpu.memory_space<hbm>>) target(%arg13 : memref<48x256xf32, #tpu.memory_space<vmem>>) offsets(%dma_start3A_40 : memref<48xi32, #tpu.memory_space<vmem>>) semaphore(%arg21 : memref<!tpu.dma_semaphore, #tpu.memory_space<semaphore_mem>>)
    %dma_wait3A = arith.constant 0 : i32
    %dma_wait3A_44 = tpu.memref_slice %arg5[%dma_wait3A] : memref<384xi32, #tpu.memory_space<vmem>> -> memref<48xi32, #tpu.memory_space<vmem>>
    %dma_wait3A_45 = arith.constant 0 : i32
    %dma_wait3A_46 = arith.constant 0 : i32
    %dma_wait3A_47 = tpu.memref_slice %arg2[%dma_wait3A_45, %dma_wait3A_46] : memref<1008x256xf32, #tpu.memory_space<hbm>> -> memref<1008x256xf32, #tpu.memory_space<hbm>>
    tpu.wait_indirect_dma semaphore(%arg14 : memref<!tpu.dma_semaphore, #tpu.memory_space<semaphore_mem>>) src(%dma_wait3A_47 : memref<1008x256xf32, #tpu.memory_space<hbm>>) dst(%arg6 : memref<48x256xf32, #tpu.memory_space<vmem>>)
    %add3A_48 = arith.constant 0 : i32
    %add3A_49 = arith.addi %mul3A_2, %add3A_48 : i32
    %dma_start3A_50 = arith.constant 0 : i32
    %dma_start3A_51 = tpu.memref_slice %arg4[%add3A_49, %dma_start3A_50] : memref<12288x256xf32, #tpu.memory_space<hbm>> -> memref<48x256xf32, #tpu.memory_space<hbm>>
    %dma_start3A_52 = arith.constant 0 : i32
    %dma_start3A_53 = tpu.memref_slice %arg4[%add3A_49, %dma_start3A_52] : memref<12288x256xf32, #tpu.memory_space<hbm>> -> memref<48x256xf32, #tpu.memory_space<hbm>>
    tpu.enqueue_dma source(%arg6 : memref<48x256xf32, #tpu.memory_space<vmem>>) target(%dma_start3A_53 : memref<48x256xf32, #tpu.memory_space<hbm>>) target_semaphore(%arg22 : memref<!tpu.dma_semaphore, #tpu.memory_space<semaphore_mem>>)
    %dma_wait3A_54 = arith.constant 48 : i32
    %dma_wait3A_55 = tpu.memref_slice %arg5[%dma_wait3A_54] : memref<384xi32, #tpu.memory_space<vmem>> -> memref<48xi32, #tpu.memory_space<vmem>>
    %dma_wait3A_56 = arith.constant 0 : i32
    %dma_wait3A_57 = arith.constant 0 : i32
    %dma_wait3A_58 = tpu.memref_slice %arg2[%dma_wait3A_56, %dma_wait3A_57] : memref<1008x256xf32, #tpu.memory_space<hbm>> -> memref<1008x256xf32, #tpu.memory_space<hbm>>
    tpu.wait_indirect_dma semaphore(%arg15 : memref<!tpu.dma_semaphore, #tpu.memory_space<semaphore_mem>>) src(%dma_wait3A_58 : memref<1008x256xf32, #tpu.memory_space<hbm>>) dst(%arg7 : memref<48x256xf32, #tpu.memory_space<vmem>>)
    %add3A_59 = arith.constant 48 : i32
    %add3A_60 = arith.addi %mul3A_2, %add3A_59 : i32
    %dma_start3A_61 = arith.constant 0 : i32
    %dma_start3A_62 = tpu.memref_slice %arg4[%add3A_60, %dma_start3A_61] : memref<12288x256xf32, #tpu.memory_space<hbm>> -> memref<48x256xf32, #tpu.memory_space<hbm>>
    %dma_start3A_63 = arith.constant 0 : i32
    %dma_start3A_64 = tpu.memref_slice %arg4[%add3A_60, %dma_start3A_63] : memref<12288x256xf32, #tpu.memory_space<hbm>> -> memref<48x256xf32, #tpu.memory_space<hbm>>
    tpu.enqueue_dma source(%arg7 : memref<48x256xf32, #tpu.memory_space<vmem>>) target(%dma_start3A_64 : memref<48x256xf32, #tpu.memory_space<hbm>>) target_semaphore(%arg23 : memref<!tpu.dma_semaphore, #tpu.memory_space<semaphore_mem>>)
    %dma_wait3A_65 = arith.constant 96 : i32
    %dma_wait3A_66 = tpu.memref_slice %arg5[%dma_wait3A_65] : memref<384xi32, #tpu.memory_space<vmem>> -> memref<48xi32, #tpu.memory_space<vmem>>
    %dma_wait3A_67 = arith.constant 0 : i32
    %dma_wait3A_68 = arith.constant 0 : i32
    %dma_wait3A_69 = tpu.memref_slice %arg2[%dma_wait3A_67, %dma_wait3A_68] : memref<1008x256xf32, #tpu.memory_space<hbm>> -> memref<1008x256xf32, #tpu.memory_space<hbm>>
    tpu.wait_indirect_dma semaphore(%arg16 : memref<!tpu.dma_semaphore, #tpu.memory_space<semaphore_mem>>) src(%dma_wait3A_69 : memref<1008x256xf32, #tpu.memory_space<hbm>>) dst(%arg8 : memref<48x256xf32, #tpu.memory_space<vmem>>)
    %add3A_70 = arith.constant 96 : i32
    %add3A_71 = arith.addi %mul3A_2, %add3A_70 : i32
    %dma_start3A_72 = arith.constant 0 : i32
    %dma_start3A_73 = tpu.memref_slice %arg4[%add3A_71, %dma_start3A_72] : memref<12288x256xf32, #tpu.memory_space<hbm>> -> memref<48x256xf32, #tpu.memory_space<hbm>>
    %dma_start3A_74 = arith.constant 0 : i32
    %dma_start3A_75 = tpu.memref_slice %arg4[%add3A_71, %dma_start3A_74] : memref<12288x256xf32, #tpu.memory_space<hbm>> -> memref<48x256xf32, #tpu.memory_space<hbm>>
    tpu.enqueue_dma source(%arg8 : memref<48x256xf32, #tpu.memory_space<vmem>>) target(%dma_start3A_75 : memref<48x256xf32, #tpu.memory_space<hbm>>) target_semaphore(%arg24 : memref<!tpu.dma_semaphore, #tpu.memory_space<semaphore_mem>>)
    %dma_wait3A_76 = arith.constant 144 : i32
    %dma_wait3A_77 = tpu.memref_slice %arg5[%dma_wait3A_76] : memref<384xi32, #tpu.memory_space<vmem>> -> memref<48xi32, #tpu.memory_space<vmem>>
    %dma_wait3A_78 = arith.constant 0 : i32
    %dma_wait3A_79 = arith.constant 0 : i32
    %dma_wait3A_80 = tpu.memref_slice %arg2[%dma_wait3A_78, %dma_wait3A_79] : memref<1008x256xf32, #tpu.memory_space<hbm>> -> memref<1008x256xf32, #tpu.memory_space<hbm>>
    tpu.wait_indirect_dma semaphore(%arg17 : memref<!tpu.dma_semaphore, #tpu.memory_space<semaphore_mem>>) src(%dma_wait3A_80 : memref<1008x256xf32, #tpu.memory_space<hbm>>) dst(%arg9 : memref<48x256xf32, #tpu.memory_space<vmem>>)
    %add3A_81 = arith.constant 144 : i32
    %add3A_82 = arith.addi %mul3A_2, %add3A_81 : i32
    %dma_start3A_83 = arith.constant 0 : i32
    %dma_start3A_84 = tpu.memref_slice %arg4[%add3A_82, %dma_start3A_83] : memref<12288x256xf32, #tpu.memory_space<hbm>> -> memref<48x256xf32, #tpu.memory_space<hbm>>
    %dma_start3A_85 = arith.constant 0 : i32
    %dma_start3A_86 = tpu.memref_slice %arg4[%add3A_82, %dma_start3A_85] : memref<12288x256xf32, #tpu.memory_space<hbm>> -> memref<48x256xf32, #tpu.memory_space<hbm>>
    tpu.enqueue_dma source(%arg9 : memref<48x256xf32, #tpu.memory_space<vmem>>) target(%dma_start3A_86 : memref<48x256xf32, #tpu.memory_space<hbm>>) target_semaphore(%arg25 : memref<!tpu.dma_semaphore, #tpu.memory_space<semaphore_mem>>)
    %dma_wait3A_87 = arith.constant 192 : i32
    %dma_wait3A_88 = tpu.memref_slice %arg5[%dma_wait3A_87] : memref<384xi32, #tpu.memory_space<vmem>> -> memref<48xi32, #tpu.memory_space<vmem>>
    %dma_wait3A_89 = arith.constant 0 : i32
    %dma_wait3A_90 = arith.constant 0 : i32
    %dma_wait3A_91 = tpu.memref_slice %arg2[%dma_wait3A_89, %dma_wait3A_90] : memref<1008x256xf32, #tpu.memory_space<hbm>> -> memref<1008x256xf32, #tpu.memory_space<hbm>>
    tpu.wait_indirect_dma semaphore(%arg18 : memref<!tpu.dma_semaphore, #tpu.memory_space<semaphore_mem>>) src(%dma_wait3A_91 : memref<1008x256xf32, #tpu.memory_space<hbm>>) dst(%arg10 : memref<48x256xf32, #tpu.memory_space<vmem>>)
    %add3A_92 = arith.constant 192 : i32
    %add3A_93 = arith.addi %mul3A_2, %add3A_92 : i32
    %dma_start3A_94 = arith.constant 0 : i32
    %dma_start3A_95 = tpu.memref_slice %arg4[%add3A_93, %dma_start3A_94] : memref<12288x256xf32, #tpu.memory_space<hbm>> -> memref<48x256xf32, #tpu.memory_space<hbm>>
    %dma_start3A_96 = arith.constant 0 : i32
    %dma_start3A_97 = tpu.memref_slice %arg4[%add3A_93, %dma_start3A_96] : memref<12288x256xf32, #tpu.memory_space<hbm>> -> memref<48x256xf32, #tpu.memory_space<hbm>>
    tpu.enqueue_dma source(%arg10 : memref<48x256xf32, #tpu.memory_space<vmem>>) target(%dma_start3A_97 : memref<48x256xf32, #tpu.memory_space<hbm>>) target_semaphore(%arg26 : memref<!tpu.dma_semaphore, #tpu.memory_space<semaphore_mem>>)
    %dma_wait3A_98 = arith.constant 240 : i32
    %dma_wait3A_99 = tpu.memref_slice %arg5[%dma_wait3A_98] : memref<384xi32, #tpu.memory_space<vmem>> -> memref<48xi32, #tpu.memory_space<vmem>>
    %dma_wait3A_100 = arith.constant 0 : i32
    %dma_wait3A_101 = arith.constant 0 : i32
    %dma_wait3A_102 = tpu.memref_slice %arg2[%dma_wait3A_100, %dma_wait3A_101] : memref<1008x256xf32, #tpu.memory_space<hbm>> -> memref<1008x256xf32, #tpu.memory_space<hbm>>
    tpu.wait_indirect_dma semaphore(%arg19 : memref<!tpu.dma_semaphore, #tpu.memory_space<semaphore_mem>>) src(%dma_wait3A_102 : memref<1008x256xf32, #tpu.memory_space<hbm>>) dst(%arg11 : memref<48x256xf32, #tpu.memory_space<vmem>>)
    %add3A_103 = arith.constant 240 : i32
    %add3A_104 = arith.addi %mul3A_2, %add3A_103 : i32
    %dma_start3A_105 = arith.constant 0 : i32
    %dma_start3A_106 = tpu.memref_slice %arg4[%add3A_104, %dma_start3A_105] : memref<12288x256xf32, #tpu.memory_space<hbm>> -> memref<48x256xf32, #tpu.memory_space<hbm>>
    %dma_start3A_107 = arith.constant 0 : i32
    %dma_start3A_108 = tpu.memref_slice %arg4[%add3A_104, %dma_start3A_107] : memref<12288x256xf32, #tpu.memory_space<hbm>> -> memref<48x256xf32, #tpu.memory_space<hbm>>
    tpu.enqueue_dma source(%arg11 : memref<48x256xf32, #tpu.memory_space<vmem>>) target(%dma_start3A_108 : memref<48x256xf32, #tpu.memory_space<hbm>>) target_semaphore(%arg27 : memref<!tpu.dma_semaphore, #tpu.memory_space<semaphore_mem>>)
    %dma_wait3A_109 = arith.constant 288 : i32
    %dma_wait3A_110 = tpu.memref_slice %arg5[%dma_wait3A_109] : memref<384xi32, #tpu.memory_space<vmem>> -> memref<48xi32, #tpu.memory_space<vmem>>
    %dma_wait3A_111 = arith.constant 0 : i32
    %dma_wait3A_112 = arith.constant 0 : i32
    %dma_wait3A_113 = tpu.memref_slice %arg2[%dma_wait3A_111, %dma_wait3A_112] : memref<1008x256xf32, #tpu.memory_space<hbm>> -> memref<1008x256xf32, #tpu.memory_space<hbm>>
    tpu.wait_indirect_dma semaphore(%arg20 : memref<!tpu.dma_semaphore, #tpu.memory_space<semaphore_mem>>) src(%dma_wait3A_113 : memref<1008x256xf32, #tpu.memory_space<hbm>>) dst(%arg12 : memref<48x256xf32, #tpu.memory_space<vmem>>)
    %add3A_114 = arith.constant 288 : i32
    %add3A_115 = arith.addi %mul3A_2, %add3A_114 : i32
    %dma_start3A_116 = arith.constant 0 : i32
    %dma_start3A_117 = tpu.memref_slice %arg4[%add3A_115, %dma_start3A_116] : memref<12288x256xf32, #tpu.memory_space<hbm>> -> memref<48x256xf32, #tpu.memory_space<hbm>>
    %dma_start3A_118 = arith.constant 0 : i32
    %dma_start3A_119 = tpu.memref_slice %arg4[%add3A_115, %dma_start3A_118] : memref<12288x256xf32, #tpu.memory_space<hbm>> -> memref<48x256xf32, #tpu.memory_space<hbm>>
    tpu.enqueue_dma source(%arg12 : memref<48x256xf32, #tpu.memory_space<vmem>>) target(%dma_start3A_119 : memref<48x256xf32, #tpu.memory_space<hbm>>) target_semaphore(%arg28 : memref<!tpu.dma_semaphore, #tpu.memory_space<semaphore_mem>>)
    %dma_wait3A_120 = arith.constant 336 : i32
    %dma_wait3A_121 = tpu.memref_slice %arg5[%dma_wait3A_120] : memref<384xi32, #tpu.memory_space<vmem>> -> memref<48xi32, #tpu.memory_space<vmem>>
    %dma_wait3A_122 = arith.constant 0 : i32
    %dma_wait3A_123 = arith.constant 0 : i32
    %dma_wait3A_124 = tpu.memref_slice %arg2[%dma_wait3A_122, %dma_wait3A_123] : memref<1008x256xf32, #tpu.memory_space<hbm>> -> memref<1008x256xf32, #tpu.memory_space<hbm>>
    tpu.wait_indirect_dma semaphore(%arg21 : memref<!tpu.dma_semaphore, #tpu.memory_space<semaphore_mem>>) src(%dma_wait3A_124 : memref<1008x256xf32, #tpu.memory_space<hbm>>) dst(%arg13 : memref<48x256xf32, #tpu.memory_space<vmem>>)
    %add3A_125 = arith.constant 336 : i32
    %add3A_126 = arith.addi %mul3A_2, %add3A_125 : i32
    %dma_start3A_127 = arith.constant 0 : i32
    %dma_start3A_128 = tpu.memref_slice %arg4[%add3A_126, %dma_start3A_127] : memref<12288x256xf32, #tpu.memory_space<hbm>> -> memref<48x256xf32, #tpu.memory_space<hbm>>
    %dma_start3A_129 = arith.constant 0 : i32
    %dma_start3A_130 = tpu.memref_slice %arg4[%add3A_126, %dma_start3A_129] : memref<12288x256xf32, #tpu.memory_space<hbm>> -> memref<48x256xf32, #tpu.memory_space<hbm>>
    tpu.enqueue_dma source(%arg13 : memref<48x256xf32, #tpu.memory_space<vmem>>) target(%dma_start3A_130 : memref<48x256xf32, #tpu.memory_space<hbm>>) target_semaphore(%arg29 : memref<!tpu.dma_semaphore, #tpu.memory_space<semaphore_mem>>)
    %dma_wait3A_131 = arith.constant 0 : i32
    %dma_wait3A_132 = tpu.memref_slice %arg4[%add3A_49, %dma_wait3A_131] : memref<12288x256xf32, #tpu.memory_space<hbm>> -> memref<48x256xf32, #tpu.memory_space<hbm>>
    %dma_wait3A_133 = arith.constant 0 : i32
    %dma_wait3A_134 = tpu.memref_slice %arg4[%add3A_49, %dma_wait3A_133] : memref<12288x256xf32, #tpu.memory_space<hbm>> -> memref<48x256xf32, #tpu.memory_space<hbm>>
    tpu.wait_dma2 semaphore(%arg22 : memref<!tpu.dma_semaphore, #tpu.memory_space<semaphore_mem>>) src(%arg6 : memref<48x256xf32, #tpu.memory_space<vmem>>) dst(%dma_wait3A_134 : memref<48x256xf32, #tpu.memory_space<hbm>>)
    %dma_wait3A_135 = arith.constant 0 : i32
    %dma_wait3A_136 = tpu.memref_slice %arg4[%add3A_60, %dma_wait3A_135] : memref<12288x256xf32, #tpu.memory_space<hbm>> -> memref<48x256xf32, #tpu.memory_space<hbm>>
    %dma_wait3A_137 = arith.constant 0 : i32
    %dma_wait3A_138 = tpu.memref_slice %arg4[%add3A_60, %dma_wait3A_137] : memref<12288x256xf32, #tpu.memory_space<hbm>> -> memref<48x256xf32, #tpu.memory_space<hbm>>
    tpu.wait_dma2 semaphore(%arg23 : memref<!tpu.dma_semaphore, #tpu.memory_space<semaphore_mem>>) src(%arg7 : memref<48x256xf32, #tpu.memory_space<vmem>>) dst(%dma_wait3A_138 : memref<48x256xf32, #tpu.memory_space<hbm>>)
    %dma_wait3A_139 = arith.constant 0 : i32
    %dma_wait3A_140 = tpu.memref_slice %arg4[%add3A_71, %dma_wait3A_139] : memref<12288x256xf32, #tpu.memory_space<hbm>> -> memref<48x256xf32, #tpu.memory_space<hbm>>
    %dma_wait3A_141 = arith.constant 0 : i32
    %dma_wait3A_142 = tpu.memref_slice %arg4[%add3A_71, %dma_wait3A_141] : memref<12288x256xf32, #tpu.memory_space<hbm>> -> memref<48x256xf32, #tpu.memory_space<hbm>>
    tpu.wait_dma2 semaphore(%arg24 : memref<!tpu.dma_semaphore, #tpu.memory_space<semaphore_mem>>) src(%arg8 : memref<48x256xf32, #tpu.memory_space<vmem>>) dst(%dma_wait3A_142 : memref<48x256xf32, #tpu.memory_space<hbm>>)
    %dma_wait3A_143 = arith.constant 0 : i32
    %dma_wait3A_144 = tpu.memref_slice %arg4[%add3A_82, %dma_wait3A_143] : memref<12288x256xf32, #tpu.memory_space<hbm>> -> memref<48x256xf32, #tpu.memory_space<hbm>>
    %dma_wait3A_145 = arith.constant 0 : i32
    %dma_wait3A_146 = tpu.memref_slice %arg4[%add3A_82, %dma_wait3A_145] : memref<12288x256xf32, #tpu.memory_space<hbm>> -> memref<48x256xf32, #tpu.memory_space<hbm>>
    tpu.wait_dma2 semaphore(%arg25 : memref<!tpu.dma_semaphore, #tpu.memory_space<semaphore_mem>>) src(%arg9 : memref<48x256xf32, #tpu.memory_space<vmem>>) dst(%dma_wait3A_146 : memref<48x256xf32, #tpu.memory_space<hbm>>)
    %dma_wait3A_147 = arith.constant 0 : i32
    %dma_wait3A_148 = tpu.memref_slice %arg4[%add3A_93, %dma_wait3A_147] : memref<12288x256xf32, #tpu.memory_space<hbm>> -> memref<48x256xf32, #tpu.memory_space<hbm>>
    %dma_wait3A_149 = arith.constant 0 : i32
    %dma_wait3A_150 = tpu.memref_slice %arg4[%add3A_93, %dma_wait3A_149] : memref<12288x256xf32, #tpu.memory_space<hbm>> -> memref<48x256xf32, #tpu.memory_space<hbm>>
    tpu.wait_dma2 semaphore(%arg26 : memref<!tpu.dma_semaphore, #tpu.memory_space<semaphore_mem>>) src(%arg10 : memref<48x256xf32, #tpu.memory_space<vmem>>) dst(%dma_wait3A_150 : memref<48x256xf32, #tpu.memory_space<hbm>>)
    %dma_wait3A_151 = arith.constant 0 : i32
    %dma_wait3A_152 = tpu.memref_slice %arg4[%add3A_104, %dma_wait3A_151] : memref<12288x256xf32, #tpu.memory_space<hbm>> -> memref<48x256xf32, #tpu.memory_space<hbm>>
    %dma_wait3A_153 = arith.constant 0 : i32
    %dma_wait3A_154 = tpu.memref_slice %arg4[%add3A_104, %dma_wait3A_153] : memref<12288x256xf32, #tpu.memory_space<hbm>> -> memref<48x256xf32, #tpu.memory_space<hbm>>
    tpu.wait_dma2 semaphore(%arg27 : memref<!tpu.dma_semaphore, #tpu.memory_space<semaphore_mem>>) src(%arg11 : memref<48x256xf32, #tpu.memory_space<vmem>>) dst(%dma_wait3A_154 : memref<48x256xf32, #tpu.memory_space<hbm>>)
    %dma_wait3A_155 = arith.constant 0 : i32
    %dma_wait3A_156 = tpu.memref_slice %arg4[%add3A_115, %dma_wait3A_155] : memref<12288x256xf32, #tpu.memory_space<hbm>> -> memref<48x256xf32, #tpu.memory_space<hbm>>
    %dma_wait3A_157 = arith.constant 0 : i32
    %dma_wait3A_158 = tpu.memref_slice %arg4[%add3A_115, %dma_wait3A_157] : memref<12288x256xf32, #tpu.memory_space<hbm>> -> memref<48x256xf32, #tpu.memory_space<hbm>>
    tpu.wait_dma2 semaphore(%arg28 : memref<!tpu.dma_semaphore, #tpu.memory_space<semaphore_mem>>) src(%arg12 : memref<48x256xf32, #tpu.memory_space<vmem>>) dst(%dma_wait3A_158 : memref<48x256xf32, #tpu.memory_space<hbm>>)
    %dma_wait3A_159 = arith.constant 0 : i32
    %dma_wait3A_160 = tpu.memref_slice %arg4[%add3A_126, %dma_wait3A_159] : memref<12288x256xf32, #tpu.memory_space<hbm>> -> memref<48x256xf32, #tpu.memory_space<hbm>>
    %dma_wait3A_161 = arith.constant 0 : i32
    %dma_wait3A_162 = tpu.memref_slice %arg4[%add3A_126, %dma_wait3A_161] : memref<12288x256xf32, #tpu.memory_space<hbm>> -> memref<48x256xf32, #tpu.memory_space<hbm>>
    tpu.wait_dma2 semaphore(%arg29 : memref<!tpu.dma_semaphore, #tpu.memory_space<semaphore_mem>>) src(%arg13 : memref<48x256xf32, #tpu.memory_space<vmem>>) dst(%dma_wait3A_162 : memref<48x256xf32, #tpu.memory_space<hbm>>)
    return
  }
}

module attributes {stable_mosaic.version = 14 : i64} {
  func.func @_table_body(%arg0: i32, %arg1: memref<1008x512xf32, #tpu.memory_space<vmem>>, %arg2: memref<512x512xf32, #tpu.memory_space<vmem>>, %arg3: memref<1x512xf32, #tpu.memory_space<vmem>>, %arg4: memref<1x512xf32, #tpu.memory_space<vmem>>, %arg5: memref<1008x256xf32, #tpu.memory_space<vmem>>) attributes {dimension_semantics = [#tpu.dimension_semantics<arbitrary>], iteration_bounds = array<i64: 1>, scalar_prefetch = 0 : i64, scratch_operands = 0 : i64, tpu.core_type = #tpu.core_type<tc>, window_params = [{transform_indices = @transform_0, window_bounds = array<i64: 1008, 512>}, {pipeline_mode = #tpu.pipeline_mode<synchronous>, transform_indices = @transform_1, window_bounds = array<i64: 512, 512>}, {pipeline_mode = #tpu.pipeline_mode<synchronous>, transform_indices = @transform_2, window_bounds = array<i64: 1, 512>}, {pipeline_mode = #tpu.pipeline_mode<synchronous>, transform_indices = @transform_3, window_bounds = array<i64: 1, 512>}, {pipeline_mode = #tpu.pipeline_mode<synchronous>, transform_indices = @transform_4, window_bounds = array<i64: 1008, 256>}]} {
    %get3A = arith.constant 0 : index
    %get3A_0 = arith.constant 0 : index
    %get3A_1 = vector.load %arg1[%get3A, %get3A_0] : memref<1008x512xf32, #tpu.memory_space<vmem>>, vector<1008x512xf32>
    %get3A_2 = arith.constant 0 : index
    %get3A_3 = arith.constant 0 : index
    %get3A_4 = vector.load %arg2[%get3A_2, %get3A_3] : memref<512x512xf32, #tpu.memory_space<vmem>>, vector<512x512xf32>
    %dot_general3A = arith.constant dense<0.000000e+00> : vector<1008x512xf32>
    %dot_general3A_5 = tpu.matmul %get3A_1, %get3A_4, %dot_general3A {dimension_numbers = #tpu.dot_dimension_numbers<[1], [1], [0], [0], [0, 0, 1, 0], [], []>, transpose_lhs_hint = false} : vector<1008x512xf32>, vector<512x512xf32>, vector<1008x512xf32> -> vector<1008x512xf32>
    %get3A_6 = arith.constant 0 : index
    %get3A_7 = arith.constant 0 : index
    %get3A_8 = vector.load %arg3[%get3A_6, %get3A_7] : memref<1x512xf32, #tpu.memory_space<vmem>>, vector<1x512xf32>
    %add3A = vector.broadcast %get3A_8 : vector<1x512xf32> to vector<1008x512xf32>
    %add3A_9 = arith.addf %dot_general3A_5, %add3A : vector<1008x512xf32>
    %get3A_10 = arith.constant 0 : index
    %get3A_11 = arith.constant 0 : index
    %get3A_12 = vector.load %arg4[%get3A_10, %get3A_11] : memref<1x512xf32, #tpu.memory_space<vmem>>, vector<1x512xf32>
    %add3A_13 = vector.broadcast %get3A_12 : vector<1x512xf32> to vector<1008x512xf32>
    %add3A_14 = arith.addf %add3A_9, %add3A_13 : vector<1008x512xf32>
    %slice3A = vector.extract_strided_slice %add3A_14 {offsets = [0, 0], sizes = [1008, 256], strides = [1, 1]} : vector<1008x512xf32> to vector<1008x256xf32>
    %bitcast_convert_type3A = tpu.bitcast %slice3A : vector<1008x256xf32> -> vector<1008x256xi32>
    %slice3A_15 = vector.extract_strided_slice %add3A_14 {offsets = [0, 256], sizes = [1008, 256], strides = [1, 1]} : vector<1008x512xf32> to vector<1008x256xf32>
    %bitcast_convert_type3A_16 = tpu.bitcast %slice3A_15 : vector<1008x256xf32> -> vector<1008x256xi32>
    %add3A_17 = arith.constant 32768 : i32
    %add3A_18 = vector.broadcast %add3A_17 : i32 to vector<1008x256xi32>
    %add3A_19 = arith.addi %bitcast_convert_type3A, %add3A_18 : vector<1008x256xi32>
    %shift_right_logical3A = arith.constant 16 : i32
    %shift_right_logical3A_20 = vector.broadcast %shift_right_logical3A : i32 to vector<1008x256xi32>
    %shift_right_logical3A_21 = arith.shrui %add3A_19, %shift_right_logical3A_20 : vector<1008x256xi32>
    %add3A_22 = arith.constant 32768 : i32
    %add3A_23 = vector.broadcast %add3A_22 : i32 to vector<1008x256xi32>
    %add3A_24 = arith.addi %bitcast_convert_type3A_16, %add3A_23 : vector<1008x256xi32>
    %and3A = arith.constant -65536 : i32
    %and3A_25 = vector.broadcast %and3A : i32 to vector<1008x256xi32>
    %and3A_26 = arith.andi %add3A_24, %and3A_25 : vector<1008x256xi32>
    %or3A = arith.ori %and3A_26, %shift_right_logical3A_21 : vector<1008x256xi32>
    %bitcast_convert_type3A_27 = tpu.bitcast %or3A : vector<1008x256xi32> -> vector<1008x256xf32>
    %swap3A = arith.constant 0 : index
    %swap3A_28 = arith.constant 0 : index
    %swap3A_29 = vector.load %arg5[%swap3A, %swap3A_28] : memref<1008x256xf32, #tpu.memory_space<vmem>>, vector<1008x256xf32>
    tpu.vector_store %arg5[%swap3A, %swap3A_28], %bitcast_convert_type3A_27 {strides = array<i32>} : memref<1008x256xf32, #tpu.memory_space<vmem>>, vector<1008x256xf32>,
    return
  }
  func.func @transform_0(%arg0: i32) -> (i32, i32) {
    %c0_i32 = arith.constant 0 : i32
    %c0_i32_0 = arith.constant 0 : i32
    %c0_i32_1 = arith.constant 0 : i32
    return %c0_i32, %c0_i32_0 : i32, i32
  }
  func.func @transform_1(%arg0: i32) -> (i32, i32) {
    %c0_i32 = arith.constant 0 : i32
    %c0_i32_0 = arith.constant 0 : i32
    %c0_i32_1 = arith.constant 0 : i32
    return %c0_i32, %c0_i32_0 : i32, i32
  }
  func.func @transform_2(%arg0: i32) -> (i32, i32) {
    %c0_i32 = arith.constant 0 : i32
    %c0_i32_0 = arith.constant 0 : i32
    %c0_i32_1 = arith.constant 0 : i32
    return %c0_i32, %c0_i32_0 : i32, i32
  }
  func.func @transform_3(%arg0: i32) -> (i32, i32) {
    %c0_i32 = arith.constant 0 : i32
    %c0_i32_0 = arith.constant 0 : i32
    %c0_i32_1 = arith.constant 0 : i32
    return %c0_i32, %c0_i32_0 : i32, i32
  }
  func.func @transform_4(%arg0: i32) -> (i32, i32) {
    %c0_i32 = arith.constant 0 : i32
    %c0_i32_0 = arith.constant 0 : i32
    %c0_i32_1 = arith.constant 0 : i32
    return %c0_i32, %c0_i32_0 : i32, i32
  }
}

module attributes {stable_mosaic.version = 14 : i64} {
  func.func @_fused_body(%arg0: i32, %arg1: memref<128x1xi32, #tpu.memory_space<vmem>>, %arg2: memref<1024x256xf32, #tpu.memory_space<vmem>>, %arg3: memref<512x512xbf16, #tpu.memory_space<vmem>>, %arg4: memref<1000x512xbf16, #tpu.memory_space<vmem>>, %arg5: memref<1000x1xf32, #tpu.memory_space<vmem>>, %arg6: memref<8x1000x128xf32, #tpu.memory_space<vmem>>, %arg7: memref<128x512xf32, #tpu.memory_space<vmem>>, %arg8: memref<128x512xf32, #tpu.memory_space<vmem>>) attributes {dimension_semantics = [#tpu.dimension_semantics<arbitrary>], iteration_bounds = array<i64: 12>, scalar_prefetch = 0 : i64, scratch_operands = 1 : i64, tpu.core_type = #tpu.core_type<tc>, window_params = [{pipeline_mode = #tpu.pipeline_mode<synchronous>, transform_indices = @transform_0, window_bounds = array<i64: 128, 1>}, {transform_indices = @transform_1, window_bounds = array<i64: 1024, 256>}, {pipeline_mode = #tpu.pipeline_mode<synchronous>, transform_indices = @transform_2, window_bounds = array<i64: 512, 512>}, {pipeline_mode = #tpu.pipeline_mode<synchronous>, transform_indices = @transform_3, window_bounds = array<i64: 1000, 512>}, {pipeline_mode = #tpu.pipeline_mode<synchronous>, transform_indices = @transform_4, window_bounds = array<i64: 1000, 1>}, {transform_indices = @transform_5, window_bounds = array<i64: 8, 1000, 128>}, {pipeline_mode = #tpu.pipeline_mode<synchronous>, transform_indices = @transform_6, window_bounds = array<i64: 128, 512>}]} {
    %eq3A = arith.constant 0 : i32
    %eq3A_0 = arith.cmpi eq, %arg0, %eq3A : i32
    %convert_element_type3A = arith.extui %eq3A_0 : i1 to i32
    %cond3A = arith.constant 0 : i32
    %cond3A_1 = arith.cmpi ne, %convert_element_type3A, %cond3A : i32
    scf.if %cond3A_1 {
      %broadcast_in_dim3A_416 = arith.constant 0.000000e+00 : f32
      %broadcast_in_dim3A_417 = vector.broadcast %broadcast_in_dim3A_416 : f32 to vector<128x512xf32>
      %swap3A_418 = arith.constant 0 : index
      %swap3A_419 = arith.constant 0 : index
      %swap3A_420 = vector.load %arg8[%swap3A_418, %swap3A_419] : memref<128x512xf32, #tpu.memory_space<vmem>>, vector<128x512xf32>
      tpu.vector_store %arg8[%swap3A_418, %swap3A_419], %broadcast_in_dim3A_417 {strides = array<i32>} : memref<128x512xf32, #tpu.memory_space<vmem>>, vector<128x512xf32>,
    } else {
    }
    %get3A = arith.constant 0 : index
    %get3A_2 = arith.constant 0 : index
    %get3A_3 = vector.load %arg8[%get3A, %get3A_2] : memref<128x512xf32, #tpu.memory_space<vmem>>, vector<128x512xf32>
    %mul3A = arith.constant 8 : i32
    %mul3A_4 = arith.muli %arg0, %mul3A : i32
    %add3A = arith.constant 0 : i32
    %add3A_5 = arith.addi %add3A, %mul3A_4 : i32
    %add3A_6 = arith.constant 0 : i32
    %add3A_7 = arith.addi %add3A_5, %add3A_6 : i32
    %get3A_8 = arith.constant 0 : index
    %get3A_9 = arith.constant 0 : index
    %get3A_10 = vector.load %arg2[%get3A_8, %get3A_9] : memref<1024x256xf32, #tpu.memory_space<vmem>>, vector<128x256xf32>
    %bitcast_convert_type3A = tpu.bitcast %get3A_10 : vector<128x256xf32> -> vector<128x256xi32>
    %shift_left3A = arith.constant 16 : i32
    %shift_left3A_11 = vector.broadcast %shift_left3A : i32 to vector<128x256xi32>
    %shift_left3A_12 = arith.shli %bitcast_convert_type3A, %shift_left3A_11 : vector<128x256xi32>
    %bitcast_convert_type3A_13 = tpu.bitcast %shift_left3A_12 : vector<128x256xi32> -> vector<128x256xf32>
    %and3A = arith.constant -65536 : i32
    %and3A_14 = vector.broadcast %and3A : i32 to vector<128x256xi32>
    %and3A_15 = arith.andi %bitcast_convert_type3A, %and3A_14 : vector<128x256xi32>
    %bitcast_convert_type3A_16 = tpu.bitcast %and3A_15 : vector<128x256xi32> -> vector<128x256xf32>
    %concatenate3A = tpu.concatenate %bitcast_convert_type3A_13, %bitcast_convert_type3A_16 in 1 : vector<128x256xf32>, vector<128x256xf32> -> vector<128x512xf32>
    %convert_element_type3A_17 = arith.truncf %get3A_3 : vector<128x512xf32> to vector<128x512xbf16>
    %get3A_18 = arith.constant 0 : index
    %get3A_19 = arith.constant 0 : index
    %get3A_20 = vector.load %arg3[%get3A_18, %get3A_19] : memref<512x512xbf16, #tpu.memory_space<vmem>>, vector<512x512xbf16>
    %dot_general3A = arith.constant dense<0.000000e+00> : vector<128x512xf32>
    %dot_general3A_21 = tpu.matmul %convert_element_type3A_17, %get3A_20, %dot_general3A {dimension_numbers = #tpu.dot_dimension_numbers<[1], [0], [0], [1], [0, 0, 1, 1], [], []>, transpose_lhs_hint = false} : vector<128x512xbf16>, vector<512x512xbf16>, vector<128x512xf32> -> vector<128x512xf32>
    %add3A_22 = arith.addf %concatenate3A, %dot_general3A_21 : vector<128x512xf32>
    %max3A = arith.constant 0.000000e+00 : f32
    %max3A_23 = vector.broadcast %max3A : f32 to vector<128x512xf32>
    %max3A_24 = arith.maximumf %add3A_22, %max3A_23 : vector<128x512xf32>
    %get3A_25 = arith.constant 0 : index
    %get3A_26 = arith.constant 0 : index
    %get3A_27 = vector.load %arg1[%get3A_25, %get3A_26] : memref<128x1xi32, #tpu.memory_space<vmem>>, vector<128x1xi32>
    %gt3A = vector.broadcast %add3A_7 : i32 to vector<128x1xi32>
    %gt3A_28 = arith.cmpi sgt, %get3A_27, %gt3A : vector<128x1xi32>
    %broadcast_in_dim3A = vector.shape_cast %gt3A_28 : vector<128x1xi1> to vector<128x1xi1>
    %broadcast_in_dim3A_29 = vector.broadcast %broadcast_in_dim3A : vector<128x1xi1> to vector<128x512xi1>
    %select_n3A = arith.select %broadcast_in_dim3A_29, %max3A_24, %get3A_3 : vector<128x512xi1>, vector<128x512xf32>
    %jit3A = arith.constant 0.000000e+00 : f32
    %broadcast_in_dim3A_30 = vector.shape_cast %gt3A_28 : vector<128x1xi1> to vector<128x1xi1>
    %broadcast_in_dim3A_31 = vector.broadcast %broadcast_in_dim3A_30 : vector<128x1xi1> to vector<128x512xi1>
    %broadcast_in_dim3A_32 = vector.broadcast %jit3A : f32 to vector<128x512xf32>
    %select_n3A_33 = arith.select %broadcast_in_dim3A_31, %max3A_24, %broadcast_in_dim3A_32 : vector<128x512xi1>, vector<128x512xf32>
    %convert_element_type3A_34 = arith.truncf %select_n3A_33 : vector<128x512xf32> to vector<128x512xbf16>
    %mul3A_35 = arith.constant 8 : i32
    %mul3A_36 = arith.muli %arg0, %mul3A_35 : i32
    %add3A_37 = arith.constant 0 : i32
    %add3A_38 = arith.addi %add3A_37, %mul3A_36 : i32
    %add3A_39 = arith.constant 1 : i32
    %add3A_40 = arith.addi %add3A_38, %add3A_39 : i32
    %get3A_41 = arith.constant 128 : index
    %get3A_42 = arith.constant 0 : index
    %get3A_43 = vector.load %arg2[%get3A_41, %get3A_42] : memref<1024x256xf32, #tpu.memory_space<vmem>>, vector<128x256xf32>
    %bitcast_convert_type3A_44 = tpu.bitcast %get3A_43 : vector<128x256xf32> -> vector<128x256xi32>
    %shift_left3A_45 = arith.constant 16 : i32
    %shift_left3A_46 = vector.broadcast %shift_left3A_45 : i32 to vector<128x256xi32>
    %shift_left3A_47 = arith.shli %bitcast_convert_type3A_44, %shift_left3A_46 : vector<128x256xi32>
    %bitcast_convert_type3A_48 = tpu.bitcast %shift_left3A_47 : vector<128x256xi32> -> vector<128x256xf32>
    %and3A_49 = arith.constant -65536 : i32
    %and3A_50 = vector.broadcast %and3A_49 : i32 to vector<128x256xi32>
    %and3A_51 = arith.andi %bitcast_convert_type3A_44, %and3A_50 : vector<128x256xi32>
    %bitcast_convert_type3A_52 = tpu.bitcast %and3A_51 : vector<128x256xi32> -> vector<128x256xf32>
    %concatenate3A_53 = tpu.concatenate %bitcast_convert_type3A_48, %bitcast_convert_type3A_52 in 1 : vector<128x256xf32>, vector<128x256xf32> -> vector<128x512xf32>
    %convert_element_type3A_54 = arith.truncf %select_n3A : vector<128x512xf32> to vector<128x512xbf16>
    %get3A_55 = arith.constant 0 : index
    %get3A_56 = arith.constant 0 : index
    %get3A_57 = vector.load %arg3[%get3A_55, %get3A_56] : memref<512x512xbf16, #tpu.memory_space<vmem>>, vector<512x512xbf16>
    %dot_general3A_58 = arith.constant dense<0.000000e+00> : vector<128x512xf32>
    %dot_general3A_59 = tpu.matmul %convert_element_type3A_54, %get3A_57, %dot_general3A_58 {dimension_numbers = #tpu.dot_dimension_numbers<[1], [0], [0], [1], [0, 0, 1, 1], [], []>, transpose_lhs_hint = false} : vector<128x512xbf16>, vector<512x512xbf16>, vector<128x512xf32> -> vector<128x512xf32>
    %add3A_60 = arith.addf %concatenate3A_53, %dot_general3A_59 : vector<128x512xf32>
    %max3A_61 = arith.constant 0.000000e+00 : f32
    %max3A_62 = vector.broadcast %max3A_61 : f32 to vector<128x512xf32>
    %max3A_63 = arith.maximumf %add3A_60, %max3A_62 : vector<128x512xf32>
    %get3A_64 = arith.constant 0 : index
    %get3A_65 = arith.constant 0 : index
    %get3A_66 = vector.load %arg1[%get3A_64, %get3A_65] : memref<128x1xi32, #tpu.memory_space<vmem>>, vector<128x1xi32>
    %gt3A_67 = vector.broadcast %add3A_40 : i32 to vector<128x1xi32>
    %gt3A_68 = arith.cmpi sgt, %get3A_66, %gt3A_67 : vector<128x1xi32>
    %broadcast_in_dim3A_69 = vector.shape_cast %gt3A_68 : vector<128x1xi1> to vector<128x1xi1>
    %broadcast_in_dim3A_70 = vector.broadcast %broadcast_in_dim3A_69 : vector<128x1xi1> to vector<128x512xi1>
    %select_n3A_71 = arith.select %broadcast_in_dim3A_70, %max3A_63, %select_n3A : vector<128x512xi1>, vector<128x512xf32>
    %jit3A_72 = arith.constant 0.000000e+00 : f32
    %broadcast_in_dim3A_73 = vector.shape_cast %gt3A_68 : vector<128x1xi1> to vector<128x1xi1>
    %broadcast_in_dim3A_74 = vector.broadcast %broadcast_in_dim3A_73 : vector<128x1xi1> to vector<128x512xi1>
    %broadcast_in_dim3A_75 = vector.broadcast %jit3A_72 : f32 to vector<128x512xf32>
    %select_n3A_76 = arith.select %broadcast_in_dim3A_74, %max3A_63, %broadcast_in_dim3A_75 : vector<128x512xi1>, vector<128x512xf32>
    %convert_element_type3A_77 = arith.truncf %select_n3A_76 : vector<128x512xf32> to vector<128x512xbf16>
    %mul3A_78 = arith.constant 8 : i32
    %mul3A_79 = arith.muli %arg0, %mul3A_78 : i32
    %add3A_80 = arith.constant 0 : i32
    %add3A_81 = arith.addi %add3A_80, %mul3A_79 : i32
    %add3A_82 = arith.constant 2 : i32
    %add3A_83 = arith.addi %add3A_81, %add3A_82 : i32
    %get3A_84 = arith.constant 256 : index
    %get3A_85 = arith.constant 0 : index
    %get3A_86 = vector.load %arg2[%get3A_84, %get3A_85] : memref<1024x256xf32, #tpu.memory_space<vmem>>, vector<128x256xf32>
    %bitcast_convert_type3A_87 = tpu.bitcast %get3A_86 : vector<128x256xf32> -> vector<128x256xi32>
    %shift_left3A_88 = arith.constant 16 : i32
    %shift_left3A_89 = vector.broadcast %shift_left3A_88 : i32 to vector<128x256xi32>
    %shift_left3A_90 = arith.shli %bitcast_convert_type3A_87, %shift_left3A_89 : vector<128x256xi32>
    %bitcast_convert_type3A_91 = tpu.bitcast %shift_left3A_90 : vector<128x256xi32> -> vector<128x256xf32>
    %and3A_92 = arith.constant -65536 : i32
    %and3A_93 = vector.broadcast %and3A_92 : i32 to vector<128x256xi32>
    %and3A_94 = arith.andi %bitcast_convert_type3A_87, %and3A_93 : vector<128x256xi32>
    %bitcast_convert_type3A_95 = tpu.bitcast %and3A_94 : vector<128x256xi32> -> vector<128x256xf32>
    %concatenate3A_96 = tpu.concatenate %bitcast_convert_type3A_91, %bitcast_convert_type3A_95 in 1 : vector<128x256xf32>, vector<128x256xf32> -> vector<128x512xf32>
    %convert_element_type3A_97 = arith.truncf %select_n3A_71 : vector<128x512xf32> to vector<128x512xbf16>
    %get3A_98 = arith.constant 0 : index
    %get3A_99 = arith.constant 0 : index
    %get3A_100 = vector.load %arg3[%get3A_98, %get3A_99] : memref<512x512xbf16, #tpu.memory_space<vmem>>, vector<512x512xbf16>
    %dot_general3A_101 = arith.constant dense<0.000000e+00> : vector<128x512xf32>
    %dot_general3A_102 = tpu.matmul %convert_element_type3A_97, %get3A_100, %dot_general3A_101 {dimension_numbers = #tpu.dot_dimension_numbers<[1], [0], [0], [1], [0, 0, 1, 1], [], []>, transpose_lhs_hint = false} : vector<128x512xbf16>, vector<512x512xbf16>, vector<128x512xf32> -> vector<128x512xf32>
    %add3A_103 = arith.addf %concatenate3A_96, %dot_general3A_102 : vector<128x512xf32>
    %max3A_104 = arith.constant 0.000000e+00 : f32
    %max3A_105 = vector.broadcast %max3A_104 : f32 to vector<128x512xf32>
    %max3A_106 = arith.maximumf %add3A_103, %max3A_105 : vector<128x512xf32>
    %get3A_107 = arith.constant 0 : index
    %get3A_108 = arith.constant 0 : index
    %get3A_109 = vector.load %arg1[%get3A_107, %get3A_108] : memref<128x1xi32, #tpu.memory_space<vmem>>, vector<128x1xi32>
    %gt3A_110 = vector.broadcast %add3A_83 : i32 to vector<128x1xi32>
    %gt3A_111 = arith.cmpi sgt, %get3A_109, %gt3A_110 : vector<128x1xi32>
    %broadcast_in_dim3A_112 = vector.shape_cast %gt3A_111 : vector<128x1xi1> to vector<128x1xi1>
    %broadcast_in_dim3A_113 = vector.broadcast %broadcast_in_dim3A_112 : vector<128x1xi1> to vector<128x512xi1>
    %select_n3A_114 = arith.select %broadcast_in_dim3A_113, %max3A_106, %select_n3A_71 : vector<128x512xi1>, vector<128x512xf32>
    %jit3A_115 = arith.constant 0.000000e+00 : f32
    %broadcast_in_dim3A_116 = vector.shape_cast %gt3A_111 : vector<128x1xi1> to vector<128x1xi1>
    %broadcast_in_dim3A_117 = vector.broadcast %broadcast_in_dim3A_116 : vector<128x1xi1> to vector<128x512xi1>
    %broadcast_in_dim3A_118 = vector.broadcast %jit3A_115 : f32 to vector<128x512xf32>
    %select_n3A_119 = arith.select %broadcast_in_dim3A_117, %max3A_106, %broadcast_in_dim3A_118 : vector<128x512xi1>, vector<128x512xf32>
    %convert_element_type3A_120 = arith.truncf %select_n3A_119 : vector<128x512xf32> to vector<128x512xbf16>
    %mul3A_121 = arith.constant 8 : i32
    %mul3A_122 = arith.muli %arg0, %mul3A_121 : i32
    %add3A_123 = arith.constant 0 : i32
    %add3A_124 = arith.addi %add3A_123, %mul3A_122 : i32
    %add3A_125 = arith.constant 3 : i32
    %add3A_126 = arith.addi %add3A_124, %add3A_125 : i32
    %get3A_127 = arith.constant 384 : index
    %get3A_128 = arith.constant 0 : index
    %get3A_129 = vector.load %arg2[%get3A_127, %get3A_128] : memref<1024x256xf32, #tpu.memory_space<vmem>>, vector<128x256xf32>
    %bitcast_convert_type3A_130 = tpu.bitcast %get3A_129 : vector<128x256xf32> -> vector<128x256xi32>
    %shift_left3A_131 = arith.constant 16 : i32
    %shift_left3A_132 = vector.broadcast %shift_left3A_131 : i32 to vector<128x256xi32>
    %shift_left3A_133 = arith.shli %bitcast_convert_type3A_130, %shift_left3A_132 : vector<128x256xi32>
    %bitcast_convert_type3A_134 = tpu.bitcast %shift_left3A_133 : vector<128x256xi32> -> vector<128x256xf32>
    %and3A_135 = arith.constant -65536 : i32
    %and3A_136 = vector.broadcast %and3A_135 : i32 to vector<128x256xi32>
    %and3A_137 = arith.andi %bitcast_convert_type3A_130, %and3A_136 : vector<128x256xi32>
    %bitcast_convert_type3A_138 = tpu.bitcast %and3A_137 : vector<128x256xi32> -> vector<128x256xf32>
    %concatenate3A_139 = tpu.concatenate %bitcast_convert_type3A_134, %bitcast_convert_type3A_138 in 1 : vector<128x256xf32>, vector<128x256xf32> -> vector<128x512xf32>
    %convert_element_type3A_140 = arith.truncf %select_n3A_114 : vector<128x512xf32> to vector<128x512xbf16>
    %get3A_141 = arith.constant 0 : index
    %get3A_142 = arith.constant 0 : index
    %get3A_143 = vector.load %arg3[%get3A_141, %get3A_142] : memref<512x512xbf16, #tpu.memory_space<vmem>>, vector<512x512xbf16>
    %dot_general3A_144 = arith.constant dense<0.000000e+00> : vector<128x512xf32>
    %dot_general3A_145 = tpu.matmul %convert_element_type3A_140, %get3A_143, %dot_general3A_144 {dimension_numbers = #tpu.dot_dimension_numbers<[1], [0], [0], [1], [0, 0, 1, 1], [], []>, transpose_lhs_hint = false} : vector<128x512xbf16>, vector<512x512xbf16>, vector<128x512xf32> -> vector<128x512xf32>
    %add3A_146 = arith.addf %concatenate3A_139, %dot_general3A_145 : vector<128x512xf32>
    %max3A_147 = arith.constant 0.000000e+00 : f32
    %max3A_148 = vector.broadcast %max3A_147 : f32 to vector<128x512xf32>
    %max3A_149 = arith.maximumf %add3A_146, %max3A_148 : vector<128x512xf32>
    %get3A_150 = arith.constant 0 : index
    %get3A_151 = arith.constant 0 : index
    %get3A_152 = vector.load %arg1[%get3A_150, %get3A_151] : memref<128x1xi32, #tpu.memory_space<vmem>>, vector<128x1xi32>
    %gt3A_153 = vector.broadcast %add3A_126 : i32 to vector<128x1xi32>
    %gt3A_154 = arith.cmpi sgt, %get3A_152, %gt3A_153 : vector<128x1xi32>
    %broadcast_in_dim3A_155 = vector.shape_cast %gt3A_154 : vector<128x1xi1> to vector<128x1xi1>
    %broadcast_in_dim3A_156 = vector.broadcast %broadcast_in_dim3A_155 : vector<128x1xi1> to vector<128x512xi1>
    %select_n3A_157 = arith.select %broadcast_in_dim3A_156, %max3A_149, %select_n3A_114 : vector<128x512xi1>, vector<128x512xf32>
    %jit3A_158 = arith.constant 0.000000e+00 : f32
    %broadcast_in_dim3A_159 = vector.shape_cast %gt3A_154 : vector<128x1xi1> to vector<128x1xi1>
    %broadcast_in_dim3A_160 = vector.broadcast %broadcast_in_dim3A_159 : vector<128x1xi1> to vector<128x512xi1>
    %broadcast_in_dim3A_161 = vector.broadcast %jit3A_158 : f32 to vector<128x512xf32>
    %select_n3A_162 = arith.select %broadcast_in_dim3A_160, %max3A_149, %broadcast_in_dim3A_161 : vector<128x512xi1>, vector<128x512xf32>
    %convert_element_type3A_163 = arith.truncf %select_n3A_162 : vector<128x512xf32> to vector<128x512xbf16>
    %mul3A_164 = arith.constant 8 : i32
    %mul3A_165 = arith.muli %arg0, %mul3A_164 : i32
    %add3A_166 = arith.constant 0 : i32
    %add3A_167 = arith.addi %add3A_166, %mul3A_165 : i32
    %add3A_168 = arith.constant 4 : i32
    %add3A_169 = arith.addi %add3A_167, %add3A_168 : i32
    %get3A_170 = arith.constant 512 : index
    %get3A_171 = arith.constant 0 : index
    %get3A_172 = vector.load %arg2[%get3A_170, %get3A_171] : memref<1024x256xf32, #tpu.memory_space<vmem>>, vector<128x256xf32>
    %bitcast_convert_type3A_173 = tpu.bitcast %get3A_172 : vector<128x256xf32> -> vector<128x256xi32>
    %shift_left3A_174 = arith.constant 16 : i32
    %shift_left3A_175 = vector.broadcast %shift_left3A_174 : i32 to vector<128x256xi32>
    %shift_left3A_176 = arith.shli %bitcast_convert_type3A_173, %shift_left3A_175 : vector<128x256xi32>
    %bitcast_convert_type3A_177 = tpu.bitcast %shift_left3A_176 : vector<128x256xi32> -> vector<128x256xf32>
    %and3A_178 = arith.constant -65536 : i32
    %and3A_179 = vector.broadcast %and3A_178 : i32 to vector<128x256xi32>
    %and3A_180 = arith.andi %bitcast_convert_type3A_173, %and3A_179 : vector<128x256xi32>
    %bitcast_convert_type3A_181 = tpu.bitcast %and3A_180 : vector<128x256xi32> -> vector<128x256xf32>
    %concatenate3A_182 = tpu.concatenate %bitcast_convert_type3A_177, %bitcast_convert_type3A_181 in 1 : vector<128x256xf32>, vector<128x256xf32> -> vector<128x512xf32>
    %convert_element_type3A_183 = arith.truncf %select_n3A_157 : vector<128x512xf32> to vector<128x512xbf16>
    %get3A_184 = arith.constant 0 : index
    %get3A_185 = arith.constant 0 : index
    %get3A_186 = vector.load %arg3[%get3A_184, %get3A_185] : memref<512x512xbf16, #tpu.memory_space<vmem>>, vector<512x512xbf16>
    %dot_general3A_187 = arith.constant dense<0.000000e+00> : vector<128x512xf32>
    %dot_general3A_188 = tpu.matmul %convert_element_type3A_183, %get3A_186, %dot_general3A_187 {dimension_numbers = #tpu.dot_dimension_numbers<[1], [0], [0], [1], [0, 0, 1, 1], [], []>, transpose_lhs_hint = false} : vector<128x512xbf16>, vector<512x512xbf16>, vector<128x512xf32> -> vector<128x512xf32>
    %add3A_189 = arith.addf %concatenate3A_182, %dot_general3A_188 : vector<128x512xf32>
    %max3A_190 = arith.constant 0.000000e+00 : f32
    %max3A_191 = vector.broadcast %max3A_190 : f32 to vector<128x512xf32>
    %max3A_192 = arith.maximumf %add3A_189, %max3A_191 : vector<128x512xf32>
    %get3A_193 = arith.constant 0 : index
    %get3A_194 = arith.constant 0 : index
    %get3A_195 = vector.load %arg1[%get3A_193, %get3A_194] : memref<128x1xi32, #tpu.memory_space<vmem>>, vector<128x1xi32>
    %gt3A_196 = vector.broadcast %add3A_169 : i32 to vector<128x1xi32>
    %gt3A_197 = arith.cmpi sgt, %get3A_195, %gt3A_196 : vector<128x1xi32>
    %broadcast_in_dim3A_198 = vector.shape_cast %gt3A_197 : vector<128x1xi1> to vector<128x1xi1>
    %broadcast_in_dim3A_199 = vector.broadcast %broadcast_in_dim3A_198 : vector<128x1xi1> to vector<128x512xi1>
    %select_n3A_200 = arith.select %broadcast_in_dim3A_199, %max3A_192, %select_n3A_157 : vector<128x512xi1>, vector<128x512xf32>
    %jit3A_201 = arith.constant 0.000000e+00 : f32
    %broadcast_in_dim3A_202 = vector.shape_cast %gt3A_197 : vector<128x1xi1> to vector<128x1xi1>
    %broadcast_in_dim3A_203 = vector.broadcast %broadcast_in_dim3A_202 : vector<128x1xi1> to vector<128x512xi1>
    %broadcast_in_dim3A_204 = vector.broadcast %jit3A_201 : f32 to vector<128x512xf32>
    %select_n3A_205 = arith.select %broadcast_in_dim3A_203, %max3A_192, %broadcast_in_dim3A_204 : vector<128x512xi1>, vector<128x512xf32>
    %convert_element_type3A_206 = arith.truncf %select_n3A_205 : vector<128x512xf32> to vector<128x512xbf16>
    %mul3A_207 = arith.constant 8 : i32
    %mul3A_208 = arith.muli %arg0, %mul3A_207 : i32
    %add3A_209 = arith.constant 0 : i32
    %add3A_210 = arith.addi %add3A_209, %mul3A_208 : i32
    %add3A_211 = arith.constant 5 : i32
    %add3A_212 = arith.addi %add3A_210, %add3A_211 : i32
    %get3A_213 = arith.constant 640 : index
    %get3A_214 = arith.constant 0 : index
    %get3A_215 = vector.load %arg2[%get3A_213, %get3A_214] : memref<1024x256xf32, #tpu.memory_space<vmem>>, vector<128x256xf32>
    %bitcast_convert_type3A_216 = tpu.bitcast %get3A_215 : vector<128x256xf32> -> vector<128x256xi32>
    %shift_left3A_217 = arith.constant 16 : i32
    %shift_left3A_218 = vector.broadcast %shift_left3A_217 : i32 to vector<128x256xi32>
    %shift_left3A_219 = arith.shli %bitcast_convert_type3A_216, %shift_left3A_218 : vector<128x256xi32>
    %bitcast_convert_type3A_220 = tpu.bitcast %shift_left3A_219 : vector<128x256xi32> -> vector<128x256xf32>
    %and3A_221 = arith.constant -65536 : i32
    %and3A_222 = vector.broadcast %and3A_221 : i32 to vector<128x256xi32>
    %and3A_223 = arith.andi %bitcast_convert_type3A_216, %and3A_222 : vector<128x256xi32>
    %bitcast_convert_type3A_224 = tpu.bitcast %and3A_223 : vector<128x256xi32> -> vector<128x256xf32>
    %concatenate3A_225 = tpu.concatenate %bitcast_convert_type3A_220, %bitcast_convert_type3A_224 in 1 : vector<128x256xf32>, vector<128x256xf32> -> vector<128x512xf32>
    %convert_element_type3A_226 = arith.truncf %select_n3A_200 : vector<128x512xf32> to vector<128x512xbf16>
    %get3A_227 = arith.constant 0 : index
    %get3A_228 = arith.constant 0 : index
    %get3A_229 = vector.load %arg3[%get3A_227, %get3A_228] : memref<512x512xbf16, #tpu.memory_space<vmem>>, vector<512x512xbf16>
    %dot_general3A_230 = arith.constant dense<0.000000e+00> : vector<128x512xf32>
    %dot_general3A_231 = tpu.matmul %convert_element_type3A_226, %get3A_229, %dot_general3A_230 {dimension_numbers = #tpu.dot_dimension_numbers<[1], [0], [0], [1], [0, 0, 1, 1], [], []>, transpose_lhs_hint = false} : vector<128x512xbf16>, vector<512x512xbf16>, vector<128x512xf32> -> vector<128x512xf32>
    %add3A_232 = arith.addf %concatenate3A_225, %dot_general3A_231 : vector<128x512xf32>
    %max3A_233 = arith.constant 0.000000e+00 : f32
    %max3A_234 = vector.broadcast %max3A_233 : f32 to vector<128x512xf32>
    %max3A_235 = arith.maximumf %add3A_232, %max3A_234 : vector<128x512xf32>
    %get3A_236 = arith.constant 0 : index
    %get3A_237 = arith.constant 0 : index
    %get3A_238 = vector.load %arg1[%get3A_236, %get3A_237] : memref<128x1xi32, #tpu.memory_space<vmem>>, vector<128x1xi32>
    %gt3A_239 = vector.broadcast %add3A_212 : i32 to vector<128x1xi32>
    %gt3A_240 = arith.cmpi sgt, %get3A_238, %gt3A_239 : vector<128x1xi32>
    %broadcast_in_dim3A_241 = vector.shape_cast %gt3A_240 : vector<128x1xi1> to vector<128x1xi1>
    %broadcast_in_dim3A_242 = vector.broadcast %broadcast_in_dim3A_241 : vector<128x1xi1> to vector<128x512xi1>
    %select_n3A_243 = arith.select %broadcast_in_dim3A_242, %max3A_235, %select_n3A_200 : vector<128x512xi1>, vector<128x512xf32>
    %jit3A_244 = arith.constant 0.000000e+00 : f32
    %broadcast_in_dim3A_245 = vector.shape_cast %gt3A_240 : vector<128x1xi1> to vector<128x1xi1>
    %broadcast_in_dim3A_246 = vector.broadcast %broadcast_in_dim3A_245 : vector<128x1xi1> to vector<128x512xi1>
    %broadcast_in_dim3A_247 = vector.broadcast %jit3A_244 : f32 to vector<128x512xf32>
    %select_n3A_248 = arith.select %broadcast_in_dim3A_246, %max3A_235, %broadcast_in_dim3A_247 : vector<128x512xi1>, vector<128x512xf32>
    %convert_element_type3A_249 = arith.truncf %select_n3A_248 : vector<128x512xf32> to vector<128x512xbf16>
    %mul3A_250 = arith.constant 8 : i32
    %mul3A_251 = arith.muli %arg0, %mul3A_250 : i32
    %add3A_252 = arith.constant 0 : i32
    %add3A_253 = arith.addi %add3A_252, %mul3A_251 : i32
    %add3A_254 = arith.constant 6 : i32
    %add3A_255 = arith.addi %add3A_253, %add3A_254 : i32
    %get3A_256 = arith.constant 768 : index
    %get3A_257 = arith.constant 0 : index
    %get3A_258 = vector.load %arg2[%get3A_256, %get3A_257] : memref<1024x256xf32, #tpu.memory_space<vmem>>, vector<128x256xf32>
    %bitcast_convert_type3A_259 = tpu.bitcast %get3A_258 : vector<128x256xf32> -> vector<128x256xi32>
    %shift_left3A_260 = arith.constant 16 : i32
    %shift_left3A_261 = vector.broadcast %shift_left3A_260 : i32 to vector<128x256xi32>
    %shift_left3A_262 = arith.shli %bitcast_convert_type3A_259, %shift_left3A_261 : vector<128x256xi32>
    %bitcast_convert_type3A_263 = tpu.bitcast %shift_left3A_262 : vector<128x256xi32> -> vector<128x256xf32>
    %and3A_264 = arith.constant -65536 : i32
    %and3A_265 = vector.broadcast %and3A_264 : i32 to vector<128x256xi32>
    %and3A_266 = arith.andi %bitcast_convert_type3A_259, %and3A_265 : vector<128x256xi32>
    %bitcast_convert_type3A_267 = tpu.bitcast %and3A_266 : vector<128x256xi32> -> vector<128x256xf32>
    %concatenate3A_268 = tpu.concatenate %bitcast_convert_type3A_263, %bitcast_convert_type3A_267 in 1 : vector<128x256xf32>, vector<128x256xf32> -> vector<128x512xf32>
    %convert_element_type3A_269 = arith.truncf %select_n3A_243 : vector<128x512xf32> to vector<128x512xbf16>
    %get3A_270 = arith.constant 0 : index
    %get3A_271 = arith.constant 0 : index
    %get3A_272 = vector.load %arg3[%get3A_270, %get3A_271] : memref<512x512xbf16, #tpu.memory_space<vmem>>, vector<512x512xbf16>
    %dot_general3A_273 = arith.constant dense<0.000000e+00> : vector<128x512xf32>
    %dot_general3A_274 = tpu.matmul %convert_element_type3A_269, %get3A_272, %dot_general3A_273 {dimension_numbers = #tpu.dot_dimension_numbers<[1], [0], [0], [1], [0, 0, 1, 1], [], []>, transpose_lhs_hint = false} : vector<128x512xbf16>, vector<512x512xbf16>, vector<128x512xf32> -> vector<128x512xf32>
    %add3A_275 = arith.addf %concatenate3A_268, %dot_general3A_274 : vector<128x512xf32>
    %max3A_276 = arith.constant 0.000000e+00 : f32
    %max3A_277 = vector.broadcast %max3A_276 : f32 to vector<128x512xf32>
    %max3A_278 = arith.maximumf %add3A_275, %max3A_277 : vector<128x512xf32>
    %get3A_279 = arith.constant 0 : index
    %get3A_280 = arith.constant 0 : index
    %get3A_281 = vector.load %arg1[%get3A_279, %get3A_280] : memref<128x1xi32, #tpu.memory_space<vmem>>, vector<128x1xi32>
    %gt3A_282 = vector.broadcast %add3A_255 : i32 to vector<128x1xi32>
    %gt3A_283 = arith.cmpi sgt, %get3A_281, %gt3A_282 : vector<128x1xi32>
    %broadcast_in_dim3A_284 = vector.shape_cast %gt3A_283 : vector<128x1xi1> to vector<128x1xi1>
    %broadcast_in_dim3A_285 = vector.broadcast %broadcast_in_dim3A_284 : vector<128x1xi1> to vector<128x512xi1>
    %select_n3A_286 = arith.select %broadcast_in_dim3A_285, %max3A_278, %select_n3A_243 : vector<128x512xi1>, vector<128x512xf32>
    %jit3A_287 = arith.constant 0.000000e+00 : f32
    %broadcast_in_dim3A_288 = vector.shape_cast %gt3A_283 : vector<128x1xi1> to vector<128x1xi1>
    %broadcast_in_dim3A_289 = vector.broadcast %broadcast_in_dim3A_288 : vector<128x1xi1> to vector<128x512xi1>
    %broadcast_in_dim3A_290 = vector.broadcast %jit3A_287 : f32 to vector<128x512xf32>
    %select_n3A_291 = arith.select %broadcast_in_dim3A_289, %max3A_278, %broadcast_in_dim3A_290 : vector<128x512xi1>, vector<128x512xf32>
    %convert_element_type3A_292 = arith.truncf %select_n3A_291 : vector<128x512xf32> to vector<128x512xbf16>
    %mul3A_293 = arith.constant 8 : i32
    %mul3A_294 = arith.muli %arg0, %mul3A_293 : i32
    %add3A_295 = arith.constant 0 : i32
    %add3A_296 = arith.addi %add3A_295, %mul3A_294 : i32
    %add3A_297 = arith.constant 7 : i32
    %add3A_298 = arith.addi %add3A_296, %add3A_297 : i32
    %get3A_299 = arith.constant 896 : index
    %get3A_300 = arith.constant 0 : index
    %get3A_301 = vector.load %arg2[%get3A_299, %get3A_300] : memref<1024x256xf32, #tpu.memory_space<vmem>>, vector<128x256xf32>
    %bitcast_convert_type3A_302 = tpu.bitcast %get3A_301 : vector<128x256xf32> -> vector<128x256xi32>
    %shift_left3A_303 = arith.constant 16 : i32
    %shift_left3A_304 = vector.broadcast %shift_left3A_303 : i32 to vector<128x256xi32>
    %shift_left3A_305 = arith.shli %bitcast_convert_type3A_302, %shift_left3A_304 : vector<128x256xi32>
    %bitcast_convert_type3A_306 = tpu.bitcast %shift_left3A_305 : vector<128x256xi32> -> vector<128x256xf32>
    %and3A_307 = arith.constant -65536 : i32
    %and3A_308 = vector.broadcast %and3A_307 : i32 to vector<128x256xi32>
    %and3A_309 = arith.andi %bitcast_convert_type3A_302, %and3A_308 : vector<128x256xi32>
    %bitcast_convert_type3A_310 = tpu.bitcast %and3A_309 : vector<128x256xi32> -> vector<128x256xf32>
    %concatenate3A_311 = tpu.concatenate %bitcast_convert_type3A_306, %bitcast_convert_type3A_310 in 1 : vector<128x256xf32>, vector<128x256xf32> -> vector<128x512xf32>
    %convert_element_type3A_312 = arith.truncf %select_n3A_286 : vector<128x512xf32> to vector<128x512xbf16>
    %get3A_313 = arith.constant 0 : index
    %get3A_314 = arith.constant 0 : index
    %get3A_315 = vector.load %arg3[%get3A_313, %get3A_314] : memref<512x512xbf16, #tpu.memory_space<vmem>>, vector<512x512xbf16>
    %dot_general3A_316 = arith.constant dense<0.000000e+00> : vector<128x512xf32>
    %dot_general3A_317 = tpu.matmul %convert_element_type3A_312, %get3A_315, %dot_general3A_316 {dimension_numbers = #tpu.dot_dimension_numbers<[1], [0], [0], [1], [0, 0, 1, 1], [], []>, transpose_lhs_hint = false} : vector<128x512xbf16>, vector<512x512xbf16>, vector<128x512xf32> -> vector<128x512xf32>
    %add3A_318 = arith.addf %concatenate3A_311, %dot_general3A_317 : vector<128x512xf32>
    %max3A_319 = arith.constant 0.000000e+00 : f32
    %max3A_320 = vector.broadcast %max3A_319 : f32 to vector<128x512xf32>
    %max3A_321 = arith.maximumf %add3A_318, %max3A_320 : vector<128x512xf32>
    %get3A_322 = arith.constant 0 : index
    %get3A_323 = arith.constant 0 : index
    %get3A_324 = vector.load %arg1[%get3A_322, %get3A_323] : memref<128x1xi32, #tpu.memory_space<vmem>>, vector<128x1xi32>
    %gt3A_325 = vector.broadcast %add3A_298 : i32 to vector<128x1xi32>
    %gt3A_326 = arith.cmpi sgt, %get3A_324, %gt3A_325 : vector<128x1xi32>
    %broadcast_in_dim3A_327 = vector.shape_cast %gt3A_326 : vector<128x1xi1> to vector<128x1xi1>
    %broadcast_in_dim3A_328 = vector.broadcast %broadcast_in_dim3A_327 : vector<128x1xi1> to vector<128x512xi1>
    %select_n3A_329 = arith.select %broadcast_in_dim3A_328, %max3A_321, %select_n3A_286 : vector<128x512xi1>, vector<128x512xf32>
    %jit3A_330 = arith.constant 0.000000e+00 : f32
    %broadcast_in_dim3A_331 = vector.shape_cast %gt3A_326 : vector<128x1xi1> to vector<128x1xi1>
    %broadcast_in_dim3A_332 = vector.broadcast %broadcast_in_dim3A_331 : vector<128x1xi1> to vector<128x512xi1>
    %broadcast_in_dim3A_333 = vector.broadcast %jit3A_330 : f32 to vector<128x512xf32>
    %select_n3A_334 = arith.select %broadcast_in_dim3A_332, %max3A_321, %broadcast_in_dim3A_333 : vector<128x512xi1>, vector<128x512xf32>
    %convert_element_type3A_335 = arith.truncf %select_n3A_334 : vector<128x512xf32> to vector<128x512xbf16>
    %swap3A = arith.constant 0 : index
    %swap3A_336 = arith.constant 0 : index
    %swap3A_337 = vector.load %arg8[%swap3A, %swap3A_336] : memref<128x512xf32, #tpu.memory_space<vmem>>, vector<128x512xf32>
    tpu.vector_store %arg8[%swap3A, %swap3A_336], %select_n3A_329 {strides = array<i32>} : memref<128x512xf32, #tpu.memory_space<vmem>>, vector<128x512xf32>,
    %swap3A_338 = arith.constant 0 : index
    %swap3A_339 = arith.constant 0 : index
    %swap3A_340 = vector.load %arg7[%swap3A_338, %swap3A_339] : memref<128x512xf32, #tpu.memory_space<vmem>>, vector<128x512xf32>
    tpu.vector_store %arg7[%swap3A_338, %swap3A_339], %select_n3A_329 {strides = array<i32>} : memref<128x512xf32, #tpu.memory_space<vmem>>, vector<128x512xf32>,
    %concatenate3A_341 = tpu.concatenate %convert_element_type3A_34, %convert_element_type3A_77, %convert_element_type3A_120, %convert_element_type3A_163, %convert_element_type3A_206, %convert_element_type3A_249, %convert_element_type3A_292, %convert_element_type3A_335 in 0 : vector<128x512xbf16>, vector<128x512xbf16>, vector<128x512xbf16>, vector<128x512xbf16>, vector<128x512xbf16>, vector<128x512xbf16>, vector<128x512xbf16>, vector<128x512xbf16> -> vector<1024x512xbf16>
    %transpose3A = tpu.transpose %concatenate3A_341, [1, 0] : vector<1024x512xbf16> -> vector<512x1024xbf16>
    %get3A_342 = arith.constant 0 : index
    %get3A_343 = arith.constant 0 : index
    %get3A_344 = vector.load %arg4[%get3A_342, %get3A_343] : memref<1000x512xbf16, #tpu.memory_space<vmem>>, vector<1000x512xbf16>
    %dot_general3A_345 = arith.constant dense<0.000000e+00> : vector<1000x1024xf32>
    %dot_general3A_346 = tpu.matmul %get3A_344, %transpose3A, %dot_general3A_345 {dimension_numbers = #tpu.dot_dimension_numbers<[1], [0], [0], [1], [0, 0, 1, 1], [], []>, transpose_lhs_hint = false} : vector<1000x512xbf16>, vector<512x1024xbf16>, vector<1000x1024xf32> -> vector<1000x1024xf32>
    %get3A_347 = arith.constant 0 : index
    %get3A_348 = arith.constant 0 : index
    %get3A_349 = vector.load %arg5[%get3A_347, %get3A_348] : memref<1000x1xf32, #tpu.memory_space<vmem>>, vector<1000x1xf32>
    %add3A_350 = vector.broadcast %get3A_349 : vector<1000x1xf32> to vector<1000x1024xf32>
    %add3A_351 = arith.addf %dot_general3A_346, %add3A_350 : vector<1000x1024xf32>
    %reduce_max3A = arith.constant dense<0xFF800000> : vector<1024xf32>
    %reduce_max3A_352 = vector.multi_reduction <maximumf>, %add3A_351, %reduce_max3A [0] : vector<1000x1024xf32> to vector<1024xf32>
    %broadcast_in_dim3A_353 = vector.shape_cast %reduce_max3A_352 : vector<1024xf32> to vector<1x1024xf32>
    %sub3A = vector.broadcast %broadcast_in_dim3A_353 : vector<1x1024xf32> to vector<1000x1024xf32>
    %sub3A_354 = arith.subf %add3A_351, %sub3A : vector<1000x1024xf32>
    %exp3A = math.exp %sub3A_354 : vector<1000x1024xf32>
    %reduce_sum3A = arith.constant dense<0.000000e+00> : vector<1024xf32>
    %reduce_sum3A_355 = vector.multi_reduction <add>, %exp3A, %reduce_sum3A [0] : vector<1000x1024xf32> to vector<1024xf32>
    %broadcast_in_dim3A_356 = vector.shape_cast %reduce_sum3A_355 : vector<1024xf32> to vector<1x1024xf32>
    %sub3A_357 = vector.broadcast %broadcast_in_dim3A_353 : vector<1x1024xf32> to vector<1000x1024xf32>
    %sub3A_358 = arith.subf %add3A_351, %sub3A_357 : vector<1000x1024xf32>
    %log3A = math.log %broadcast_in_dim3A_356 : vector<1x1024xf32>
    %sub3A_359 = vector.broadcast %log3A : vector<1x1024xf32> to vector<1000x1024xf32>
    %sub3A_360 = arith.subf %sub3A_358, %sub3A_359 : vector<1000x1024xf32>
    %slice3A = vector.extract_strided_slice %sub3A_360 {offsets = [0, 0], sizes = [1000, 128], strides = [1, 1]} : vector<1000x1024xf32> to vector<1000x128xf32>
    %swap3A_361 = arith.constant 0 : index
    %swap3A_362 = arith.constant 0 : index
    %swap3A_363 = arith.constant 0 : index
    %swap3A_364 = vector.load %arg6[%swap3A_361, %swap3A_362, %swap3A_363] : memref<8x1000x128xf32, #tpu.memory_space<vmem>>, vector<1x1000x128xf32>
    %swap3A_365 = vector.shape_cast %swap3A_364 : vector<1x1000x128xf32> to vector<1000x128xf32>
    %swap3A_366 = vector.shape_cast %slice3A : vector<1000x128xf32> to vector<1x1000x128xf32>
    tpu.vector_store %arg6[%swap3A_361, %swap3A_362, %swap3A_363], %swap3A_366 {strides = array<i32>} : memref<8x1000x128xf32, #tpu.memory_space<vmem>>, vector<1x1000x128xf32>,
    %slice3A_367 = vector.extract_strided_slice %sub3A_360 {offsets = [0, 128], sizes = [1000, 128], strides = [1, 1]} : vector<1000x1024xf32> to vector<1000x128xf32>
    %swap3A_368 = arith.constant 1 : index
    %swap3A_369 = arith.constant 0 : index
    %swap3A_370 = arith.constant 0 : index
    %swap3A_371 = vector.load %arg6[%swap3A_368, %swap3A_369, %swap3A_370] : memref<8x1000x128xf32, #tpu.memory_space<vmem>>, vector<1x1000x128xf32>
    %swap3A_372 = vector.shape_cast %swap3A_371 : vector<1x1000x128xf32> to vector<1000x128xf32>
    %swap3A_373 = vector.shape_cast %slice3A_367 : vector<1000x128xf32> to vector<1x1000x128xf32>
    tpu.vector_store %arg6[%swap3A_368, %swap3A_369, %swap3A_370], %swap3A_373 {strides = array<i32>} : memref<8x1000x128xf32, #tpu.memory_space<vmem>>, vector<1x1000x128xf32>,
    %slice3A_374 = vector.extract_strided_slice %sub3A_360 {offsets = [0, 256], sizes = [1000, 128], strides = [1, 1]} : vector<1000x1024xf32> to vector<1000x128xf32>
    %swap3A_375 = arith.constant 2 : index
    %swap3A_376 = arith.constant 0 : index
    %swap3A_377 = arith.constant 0 : index
    %swap3A_378 = vector.load %arg6[%swap3A_375, %swap3A_376, %swap3A_377] : memref<8x1000x128xf32, #tpu.memory_space<vmem>>, vector<1x1000x128xf32>
    %swap3A_379 = vector.shape_cast %swap3A_378 : vector<1x1000x128xf32> to vector<1000x128xf32>
    %swap3A_380 = vector.shape_cast %slice3A_374 : vector<1000x128xf32> to vector<1x1000x128xf32>
    tpu.vector_store %arg6[%swap3A_375, %swap3A_376, %swap3A_377], %swap3A_380 {strides = array<i32>} : memref<8x1000x128xf32, #tpu.memory_space<vmem>>, vector<1x1000x128xf32>,
    %slice3A_381 = vector.extract_strided_slice %sub3A_360 {offsets = [0, 384], sizes = [1000, 128], strides = [1, 1]} : vector<1000x1024xf32> to vector<1000x128xf32>
    %swap3A_382 = arith.constant 3 : index
    %swap3A_383 = arith.constant 0 : index
    %swap3A_384 = arith.constant 0 : index
    %swap3A_385 = vector.load %arg6[%swap3A_382, %swap3A_383, %swap3A_384] : memref<8x1000x128xf32, #tpu.memory_space<vmem>>, vector<1x1000x128xf32>
    %swap3A_386 = vector.shape_cast %swap3A_385 : vector<1x1000x128xf32> to vector<1000x128xf32>
    %swap3A_387 = vector.shape_cast %slice3A_381 : vector<1000x128xf32> to vector<1x1000x128xf32>
    tpu.vector_store %arg6[%swap3A_382, %swap3A_383, %swap3A_384], %swap3A_387 {strides = array<i32>} : memref<8x1000x128xf32, #tpu.memory_space<vmem>>, vector<1x1000x128xf32>,
    %slice3A_388 = vector.extract_strided_slice %sub3A_360 {offsets = [0, 512], sizes = [1000, 128], strides = [1, 1]} : vector<1000x1024xf32> to vector<1000x128xf32>
    %swap3A_389 = arith.constant 4 : index
    %swap3A_390 = arith.constant 0 : index
    %swap3A_391 = arith.constant 0 : index
    %swap3A_392 = vector.load %arg6[%swap3A_389, %swap3A_390, %swap3A_391] : memref<8x1000x128xf32, #tpu.memory_space<vmem>>, vector<1x1000x128xf32>
    %swap3A_393 = vector.shape_cast %swap3A_392 : vector<1x1000x128xf32> to vector<1000x128xf32>
    %swap3A_394 = vector.shape_cast %slice3A_388 : vector<1000x128xf32> to vector<1x1000x128xf32>
    tpu.vector_store %arg6[%swap3A_389, %swap3A_390, %swap3A_391], %swap3A_394 {strides = array<i32>} : memref<8x1000x128xf32, #tpu.memory_space<vmem>>, vector<1x1000x128xf32>,
    %slice3A_395 = vector.extract_strided_slice %sub3A_360 {offsets = [0, 640], sizes = [1000, 128], strides = [1, 1]} : vector<1000x1024xf32> to vector<1000x128xf32>
    %swap3A_396 = arith.constant 5 : index
    %swap3A_397 = arith.constant 0 : index
    %swap3A_398 = arith.constant 0 : index
    %swap3A_399 = vector.load %arg6[%swap3A_396, %swap3A_397, %swap3A_398] : memref<8x1000x128xf32, #tpu.memory_space<vmem>>, vector<1x1000x128xf32>
    %swap3A_400 = vector.shape_cast %swap3A_399 : vector<1x1000x128xf32> to vector<1000x128xf32>
    %swap3A_401 = vector.shape_cast %slice3A_395 : vector<1000x128xf32> to vector<1x1000x128xf32>
    tpu.vector_store %arg6[%swap3A_396, %swap3A_397, %swap3A_398], %swap3A_401 {strides = array<i32>} : memref<8x1000x128xf32, #tpu.memory_space<vmem>>, vector<1x1000x128xf32>,
    %slice3A_402 = vector.extract_strided_slice %sub3A_360 {offsets = [0, 768], sizes = [1000, 128], strides = [1, 1]} : vector<1000x1024xf32> to vector<1000x128xf32>
    %swap3A_403 = arith.constant 6 : index
    %swap3A_404 = arith.constant 0 : index
    %swap3A_405 = arith.constant 0 : index
    %swap3A_406 = vector.load %arg6[%swap3A_403, %swap3A_404, %swap3A_405] : memref<8x1000x128xf32, #tpu.memory_space<vmem>>, vector<1x1000x128xf32>
    %swap3A_407 = vector.shape_cast %swap3A_406 : vector<1x1000x128xf32> to vector<1000x128xf32>
    %swap3A_408 = vector.shape_cast %slice3A_402 : vector<1000x128xf32> to vector<1x1000x128xf32>
    tpu.vector_store %arg6[%swap3A_403, %swap3A_404, %swap3A_405], %swap3A_408 {strides = array<i32>} : memref<8x1000x128xf32, #tpu.memory_space<vmem>>, vector<1x1000x128xf32>,
    %slice3A_409 = vector.extract_strided_slice %sub3A_360 {offsets = [0, 896], sizes = [1000, 128], strides = [1, 1]} : vector<1000x1024xf32> to vector<1000x128xf32>
    %swap3A_410 = arith.constant 7 : index
    %swap3A_411 = arith.constant 0 : index
    %swap3A_412 = arith.constant 0 : index
    %swap3A_413 = vector.load %arg6[%swap3A_410, %swap3A_411, %swap3A_412] : memref<8x1000x128xf32, #tpu.memory_space<vmem>>, vector<1x1000x128xf32>
    %swap3A_414 = vector.shape_cast %swap3A_413 : vector<1x1000x128xf32> to vector<1000x128xf32>
    %swap3A_415 = vector.shape_cast %slice3A_409 : vector<1000x128xf32> to vector<1x1000x128xf32>
    tpu.vector_store %arg6[%swap3A_410, %swap3A_411, %swap3A_412], %swap3A_415 {strides = array<i32>} : memref<8x1000x128xf32, #tpu.memory_space<vmem>>, vector<1x1000x128xf32>,
    return
  }
  func.func @transform_0(%arg0: i32) -> (i32, i32) {
    %c0_i32 = arith.constant 0 : i32
    %c0_i32_0 = arith.constant 0 : i32
    %c0_i32_1 = arith.constant 0 : i32
    return %c0_i32, %c0_i32_0 : i32, i32
  }
  func.func @transform_1(%arg0: i32) -> (i32, i32) {
    %c0_i32 = arith.constant 0 : i32
    %c0_i32_0 = arith.constant 0 : i32
    return %arg0, %c0_i32 : i32, i32
  }
  func.func @transform_2(%arg0: i32) -> (i32, i32) {
    %c0_i32 = arith.constant 0 : i32
    %c0_i32_0 = arith.constant 0 : i32
    %c0_i32_1 = arith.constant 0 : i32
    return %c0_i32, %c0_i32_0 : i32, i32
  }
  func.func @transform_3(%arg0: i32) -> (i32, i32) {
    %c0_i32 = arith.constant 0 : i32
    %c0_i32_0 = arith.constant 0 : i32
    %c0_i32_1 = arith.constant 0 : i32
    return %c0_i32, %c0_i32_0 : i32, i32
  }
  func.func @transform_4(%arg0: i32) -> (i32, i32) {
    %c0_i32 = arith.constant 0 : i32
    %c0_i32_0 = arith.constant 0 : i32
    %c0_i32_1 = arith.constant 0 : i32
    return %c0_i32, %c0_i32_0 : i32, i32
  }
  func.func @transform_5(%arg0: i32) -> (i32, i32, i32) {
    %c0_i32 = arith.constant 0 : i32
    %c0_i32_0 = arith.constant 0 : i32
    %c0_i32_1 = arith.constant 0 : i32
    return %arg0, %c0_i32, %c0_i32_0 : i32, i32, i32
  }
  func.func @transform_6(%arg0: i32) -> (i32, i32) {
    %c0_i32 = arith.constant 0 : i32
    %c0_i32_0 = arith.constant 0 : i32
    %c0_i32_1 = arith.constant 0 : i32
    return %c0_i32, %c0_i32_0 : i32, i32
  }
}

module attributes {stable_mosaic.version = 14 : i64} {
  func.func @_fused_body(%arg0: i32, %arg1: memref<128x1xi32, #tpu.memory_space<vmem>>, %arg2: memref<1024x256xf32, #tpu.memory_space<vmem>>, %arg3: memref<512x512xbf16, #tpu.memory_space<vmem>>, %arg4: memref<1000x512xbf16, #tpu.memory_space<vmem>>, %arg5: memref<1000x1xf32, #tpu.memory_space<vmem>>, %arg6: memref<128x512xf32, #tpu.memory_space<vmem>>, %arg7: memref<200x1000x128xf32, #tpu.memory_space<any>>, %arg8: memref<8x1000x128xf32, #tpu.memory_space<vmem>>, %arg9: memref<128x512xf32, #tpu.memory_space<vmem>>) attributes {dimension_semantics = [#tpu.dimension_semantics<arbitrary>], iteration_bounds = array<i64: 13>, scalar_prefetch = 0 : i64, scratch_operands = 1 : i64, tpu.core_type = #tpu.core_type<tc>, window_params = [{pipeline_mode = #tpu.pipeline_mode<synchronous>, transform_indices = @transform_0, window_bounds = array<i64: 128, 1>}, {transform_indices = @transform_1, window_bounds = array<i64: 1024, 256>}, {pipeline_mode = #tpu.pipeline_mode<synchronous>, transform_indices = @transform_2, window_bounds = array<i64: 512, 512>}, {pipeline_mode = #tpu.pipeline_mode<synchronous>, transform_indices = @transform_3, window_bounds = array<i64: 1000, 512>}, {pipeline_mode = #tpu.pipeline_mode<synchronous>, transform_indices = @transform_4, window_bounds = array<i64: 1000, 1>}, {pipeline_mode = #tpu.pipeline_mode<synchronous>, transform_indices = @transform_5, window_bounds = array<i64: 128, 512>}, {}, {transform_indices = @transform_7, window_bounds = array<i64: 8, 1000, 128>}]} {
    %eq3A = arith.constant 0 : i32
    %eq3A_0 = arith.cmpi eq, %arg0, %eq3A : i32
    %convert_element_type3A = arith.extui %eq3A_0 : i1 to i32
    %cond3A = arith.constant 0 : i32
    %cond3A_1 = arith.cmpi ne, %convert_element_type3A, %cond3A : i32
    scf.if %cond3A_1 {
      %get3A_413 = arith.constant 0 : index
      %get3A_414 = arith.constant 0 : index
      %get3A_415 = vector.load %arg6[%get3A_413, %get3A_414] : memref<128x512xf32, #tpu.memory_space<vmem>>, vector<128x512xf32>
      %swap3A_416 = arith.constant 0 : index
      %swap3A_417 = arith.constant 0 : index
      %swap3A_418 = vector.load %arg9[%swap3A_416, %swap3A_417] : memref<128x512xf32, #tpu.memory_space<vmem>>, vector<128x512xf32>
      tpu.vector_store %arg9[%swap3A_416, %swap3A_417], %get3A_415 {strides = array<i32>} : memref<128x512xf32, #tpu.memory_space<vmem>>, vector<128x512xf32>,
    } else {
    }
    %get3A = arith.constant 0 : index
    %get3A_2 = arith.constant 0 : index
    %get3A_3 = vector.load %arg9[%get3A, %get3A_2] : memref<128x512xf32, #tpu.memory_space<vmem>>, vector<128x512xf32>
    %mul3A = arith.constant 8 : i32
    %mul3A_4 = arith.muli %arg0, %mul3A : i32
    %add3A = arith.constant 96 : i32
    %add3A_5 = arith.addi %add3A, %mul3A_4 : i32
    %add3A_6 = arith.constant 0 : i32
    %add3A_7 = arith.addi %add3A_5, %add3A_6 : i32
    %get3A_8 = arith.constant 0 : index
    %get3A_9 = arith.constant 0 : index
    %get3A_10 = vector.load %arg2[%get3A_8, %get3A_9] : memref<1024x256xf32, #tpu.memory_space<vmem>>, vector<128x256xf32>
    %bitcast_convert_type3A = tpu.bitcast %get3A_10 : vector<128x256xf32> -> vector<128x256xi32>
    %shift_left3A = arith.constant 16 : i32
    %shift_left3A_11 = vector.broadcast %shift_left3A : i32 to vector<128x256xi32>
    %shift_left3A_12 = arith.shli %bitcast_convert_type3A, %shift_left3A_11 : vector<128x256xi32>
    %bitcast_convert_type3A_13 = tpu.bitcast %shift_left3A_12 : vector<128x256xi32> -> vector<128x256xf32>
    %and3A = arith.constant -65536 : i32
    %and3A_14 = vector.broadcast %and3A : i32 to vector<128x256xi32>
    %and3A_15 = arith.andi %bitcast_convert_type3A, %and3A_14 : vector<128x256xi32>
    %bitcast_convert_type3A_16 = tpu.bitcast %and3A_15 : vector<128x256xi32> -> vector<128x256xf32>
    %concatenate3A = tpu.concatenate %bitcast_convert_type3A_13, %bitcast_convert_type3A_16 in 1 : vector<128x256xf32>, vector<128x256xf32> -> vector<128x512xf32>
    %convert_element_type3A_17 = arith.truncf %get3A_3 : vector<128x512xf32> to vector<128x512xbf16>
    %get3A_18 = arith.constant 0 : index
    %get3A_19 = arith.constant 0 : index
    %get3A_20 = vector.load %arg3[%get3A_18, %get3A_19] : memref<512x512xbf16, #tpu.memory_space<vmem>>, vector<512x512xbf16>
    %dot_general3A = arith.constant dense<0.000000e+00> : vector<128x512xf32>
    %dot_general3A_21 = tpu.matmul %convert_element_type3A_17, %get3A_20, %dot_general3A {dimension_numbers = #tpu.dot_dimension_numbers<[1], [0], [0], [1], [0, 0, 1, 1], [], []>, transpose_lhs_hint = false} : vector<128x512xbf16>, vector<512x512xbf16>, vector<128x512xf32> -> vector<128x512xf32>
    %add3A_22 = arith.addf %concatenate3A, %dot_general3A_21 : vector<128x512xf32>
    %max3A = arith.constant 0.000000e+00 : f32
    %max3A_23 = vector.broadcast %max3A : f32 to vector<128x512xf32>
    %max3A_24 = arith.maximumf %add3A_22, %max3A_23 : vector<128x512xf32>
    %get3A_25 = arith.constant 0 : index
    %get3A_26 = arith.constant 0 : index
    %get3A_27 = vector.load %arg1[%get3A_25, %get3A_26] : memref<128x1xi32, #tpu.memory_space<vmem>>, vector<128x1xi32>
    %gt3A = vector.broadcast %add3A_7 : i32 to vector<128x1xi32>
    %gt3A_28 = arith.cmpi sgt, %get3A_27, %gt3A : vector<128x1xi32>
    %broadcast_in_dim3A = vector.shape_cast %gt3A_28 : vector<128x1xi1> to vector<128x1xi1>
    %broadcast_in_dim3A_29 = vector.broadcast %broadcast_in_dim3A : vector<128x1xi1> to vector<128x512xi1>
    %select_n3A = arith.select %broadcast_in_dim3A_29, %max3A_24, %get3A_3 : vector<128x512xi1>, vector<128x512xf32>
    %jit3A = arith.constant 0.000000e+00 : f32
    %broadcast_in_dim3A_30 = vector.shape_cast %gt3A_28 : vector<128x1xi1> to vector<128x1xi1>
    %broadcast_in_dim3A_31 = vector.broadcast %broadcast_in_dim3A_30 : vector<128x1xi1> to vector<128x512xi1>
    %broadcast_in_dim3A_32 = vector.broadcast %jit3A : f32 to vector<128x512xf32>
    %select_n3A_33 = arith.select %broadcast_in_dim3A_31, %max3A_24, %broadcast_in_dim3A_32 : vector<128x512xi1>, vector<128x512xf32>
    %convert_element_type3A_34 = arith.truncf %select_n3A_33 : vector<128x512xf32> to vector<128x512xbf16>
    %mul3A_35 = arith.constant 8 : i32
    %mul3A_36 = arith.muli %arg0, %mul3A_35 : i32
    %add3A_37 = arith.constant 96 : i32
    %add3A_38 = arith.addi %add3A_37, %mul3A_36 : i32
    %add3A_39 = arith.constant 1 : i32
    %add3A_40 = arith.addi %add3A_38, %add3A_39 : i32
    %get3A_41 = arith.constant 128 : index
    %get3A_42 = arith.constant 0 : index
    %get3A_43 = vector.load %arg2[%get3A_41, %get3A_42] : memref<1024x256xf32, #tpu.memory_space<vmem>>, vector<128x256xf32>
    %bitcast_convert_type3A_44 = tpu.bitcast %get3A_43 : vector<128x256xf32> -> vector<128x256xi32>
    %shift_left3A_45 = arith.constant 16 : i32
    %shift_left3A_46 = vector.broadcast %shift_left3A_45 : i32 to vector<128x256xi32>
    %shift_left3A_47 = arith.shli %bitcast_convert_type3A_44, %shift_left3A_46 : vector<128x256xi32>
    %bitcast_convert_type3A_48 = tpu.bitcast %shift_left3A_47 : vector<128x256xi32> -> vector<128x256xf32>
    %and3A_49 = arith.constant -65536 : i32
    %and3A_50 = vector.broadcast %and3A_49 : i32 to vector<128x256xi32>
    %and3A_51 = arith.andi %bitcast_convert_type3A_44, %and3A_50 : vector<128x256xi32>
    %bitcast_convert_type3A_52 = tpu.bitcast %and3A_51 : vector<128x256xi32> -> vector<128x256xf32>
    %concatenate3A_53 = tpu.concatenate %bitcast_convert_type3A_48, %bitcast_convert_type3A_52 in 1 : vector<128x256xf32>, vector<128x256xf32> -> vector<128x512xf32>
    %convert_element_type3A_54 = arith.truncf %select_n3A : vector<128x512xf32> to vector<128x512xbf16>
    %get3A_55 = arith.constant 0 : index
    %get3A_56 = arith.constant 0 : index
    %get3A_57 = vector.load %arg3[%get3A_55, %get3A_56] : memref<512x512xbf16, #tpu.memory_space<vmem>>, vector<512x512xbf16>
    %dot_general3A_58 = arith.constant dense<0.000000e+00> : vector<128x512xf32>
    %dot_general3A_59 = tpu.matmul %convert_element_type3A_54, %get3A_57, %dot_general3A_58 {dimension_numbers = #tpu.dot_dimension_numbers<[1], [0], [0], [1], [0, 0, 1, 1], [], []>, transpose_lhs_hint = false} : vector<128x512xbf16>, vector<512x512xbf16>, vector<128x512xf32> -> vector<128x512xf32>
    %add3A_60 = arith.addf %concatenate3A_53, %dot_general3A_59 : vector<128x512xf32>
    %max3A_61 = arith.constant 0.000000e+00 : f32
    %max3A_62 = vector.broadcast %max3A_61 : f32 to vector<128x512xf32>
    %max3A_63 = arith.maximumf %add3A_60, %max3A_62 : vector<128x512xf32>
    %get3A_64 = arith.constant 0 : index
    %get3A_65 = arith.constant 0 : index
    %get3A_66 = vector.load %arg1[%get3A_64, %get3A_65] : memref<128x1xi32, #tpu.memory_space<vmem>>, vector<128x1xi32>
    %gt3A_67 = vector.broadcast %add3A_40 : i32 to vector<128x1xi32>
    %gt3A_68 = arith.cmpi sgt, %get3A_66, %gt3A_67 : vector<128x1xi32>
    %broadcast_in_dim3A_69 = vector.shape_cast %gt3A_68 : vector<128x1xi1> to vector<128x1xi1>
    %broadcast_in_dim3A_70 = vector.broadcast %broadcast_in_dim3A_69 : vector<128x1xi1> to vector<128x512xi1>
    %select_n3A_71 = arith.select %broadcast_in_dim3A_70, %max3A_63, %select_n3A : vector<128x512xi1>, vector<128x512xf32>
    %jit3A_72 = arith.constant 0.000000e+00 : f32
    %broadcast_in_dim3A_73 = vector.shape_cast %gt3A_68 : vector<128x1xi1> to vector<128x1xi1>
    %broadcast_in_dim3A_74 = vector.broadcast %broadcast_in_dim3A_73 : vector<128x1xi1> to vector<128x512xi1>
    %broadcast_in_dim3A_75 = vector.broadcast %jit3A_72 : f32 to vector<128x512xf32>
    %select_n3A_76 = arith.select %broadcast_in_dim3A_74, %max3A_63, %broadcast_in_dim3A_75 : vector<128x512xi1>, vector<128x512xf32>
    %convert_element_type3A_77 = arith.truncf %select_n3A_76 : vector<128x512xf32> to vector<128x512xbf16>
    %mul3A_78 = arith.constant 8 : i32
    %mul3A_79 = arith.muli %arg0, %mul3A_78 : i32
    %add3A_80 = arith.constant 96 : i32
    %add3A_81 = arith.addi %add3A_80, %mul3A_79 : i32
    %add3A_82 = arith.constant 2 : i32
    %add3A_83 = arith.addi %add3A_81, %add3A_82 : i32
    %get3A_84 = arith.constant 256 : index
    %get3A_85 = arith.constant 0 : index
    %get3A_86 = vector.load %arg2[%get3A_84, %get3A_85] : memref<1024x256xf32, #tpu.memory_space<vmem>>, vector<128x256xf32>
    %bitcast_convert_type3A_87 = tpu.bitcast %get3A_86 : vector<128x256xf32> -> vector<128x256xi32>
    %shift_left3A_88 = arith.constant 16 : i32
    %shift_left3A_89 = vector.broadcast %shift_left3A_88 : i32 to vector<128x256xi32>
    %shift_left3A_90 = arith.shli %bitcast_convert_type3A_87, %shift_left3A_89 : vector<128x256xi32>
    %bitcast_convert_type3A_91 = tpu.bitcast %shift_left3A_90 : vector<128x256xi32> -> vector<128x256xf32>
    %and3A_92 = arith.constant -65536 : i32
    %and3A_93 = vector.broadcast %and3A_92 : i32 to vector<128x256xi32>
    %and3A_94 = arith.andi %bitcast_convert_type3A_87, %and3A_93 : vector<128x256xi32>
    %bitcast_convert_type3A_95 = tpu.bitcast %and3A_94 : vector<128x256xi32> -> vector<128x256xf32>
    %concatenate3A_96 = tpu.concatenate %bitcast_convert_type3A_91, %bitcast_convert_type3A_95 in 1 : vector<128x256xf32>, vector<128x256xf32> -> vector<128x512xf32>
    %convert_element_type3A_97 = arith.truncf %select_n3A_71 : vector<128x512xf32> to vector<128x512xbf16>
    %get3A_98 = arith.constant 0 : index
    %get3A_99 = arith.constant 0 : index
    %get3A_100 = vector.load %arg3[%get3A_98, %get3A_99] : memref<512x512xbf16, #tpu.memory_space<vmem>>, vector<512x512xbf16>
    %dot_general3A_101 = arith.constant dense<0.000000e+00> : vector<128x512xf32>
    %dot_general3A_102 = tpu.matmul %convert_element_type3A_97, %get3A_100, %dot_general3A_101 {dimension_numbers = #tpu.dot_dimension_numbers<[1], [0], [0], [1], [0, 0, 1, 1], [], []>, transpose_lhs_hint = false} : vector<128x512xbf16>, vector<512x512xbf16>, vector<128x512xf32> -> vector<128x512xf32>
    %add3A_103 = arith.addf %concatenate3A_96, %dot_general3A_102 : vector<128x512xf32>
    %max3A_104 = arith.constant 0.000000e+00 : f32
    %max3A_105 = vector.broadcast %max3A_104 : f32 to vector<128x512xf32>
    %max3A_106 = arith.maximumf %add3A_103, %max3A_105 : vector<128x512xf32>
    %get3A_107 = arith.constant 0 : index
    %get3A_108 = arith.constant 0 : index
    %get3A_109 = vector.load %arg1[%get3A_107, %get3A_108] : memref<128x1xi32, #tpu.memory_space<vmem>>, vector<128x1xi32>
    %gt3A_110 = vector.broadcast %add3A_83 : i32 to vector<128x1xi32>
    %gt3A_111 = arith.cmpi sgt, %get3A_109, %gt3A_110 : vector<128x1xi32>
    %broadcast_in_dim3A_112 = vector.shape_cast %gt3A_111 : vector<128x1xi1> to vector<128x1xi1>
    %broadcast_in_dim3A_113 = vector.broadcast %broadcast_in_dim3A_112 : vector<128x1xi1> to vector<128x512xi1>
    %select_n3A_114 = arith.select %broadcast_in_dim3A_113, %max3A_106, %select_n3A_71 : vector<128x512xi1>, vector<128x512xf32>
    %jit3A_115 = arith.constant 0.000000e+00 : f32
    %broadcast_in_dim3A_116 = vector.shape_cast %gt3A_111 : vector<128x1xi1> to vector<128x1xi1>
    %broadcast_in_dim3A_117 = vector.broadcast %broadcast_in_dim3A_116 : vector<128x1xi1> to vector<128x512xi1>
    %broadcast_in_dim3A_118 = vector.broadcast %jit3A_115 : f32 to vector<128x512xf32>
    %select_n3A_119 = arith.select %broadcast_in_dim3A_117, %max3A_106, %broadcast_in_dim3A_118 : vector<128x512xi1>, vector<128x512xf32>
    %convert_element_type3A_120 = arith.truncf %select_n3A_119 : vector<128x512xf32> to vector<128x512xbf16>
    %mul3A_121 = arith.constant 8 : i32
    %mul3A_122 = arith.muli %arg0, %mul3A_121 : i32
    %add3A_123 = arith.constant 96 : i32
    %add3A_124 = arith.addi %add3A_123, %mul3A_122 : i32
    %add3A_125 = arith.constant 3 : i32
    %add3A_126 = arith.addi %add3A_124, %add3A_125 : i32
    %get3A_127 = arith.constant 384 : index
    %get3A_128 = arith.constant 0 : index
    %get3A_129 = vector.load %arg2[%get3A_127, %get3A_128] : memref<1024x256xf32, #tpu.memory_space<vmem>>, vector<128x256xf32>
    %bitcast_convert_type3A_130 = tpu.bitcast %get3A_129 : vector<128x256xf32> -> vector<128x256xi32>
    %shift_left3A_131 = arith.constant 16 : i32
    %shift_left3A_132 = vector.broadcast %shift_left3A_131 : i32 to vector<128x256xi32>
    %shift_left3A_133 = arith.shli %bitcast_convert_type3A_130, %shift_left3A_132 : vector<128x256xi32>
    %bitcast_convert_type3A_134 = tpu.bitcast %shift_left3A_133 : vector<128x256xi32> -> vector<128x256xf32>
    %and3A_135 = arith.constant -65536 : i32
    %and3A_136 = vector.broadcast %and3A_135 : i32 to vector<128x256xi32>
    %and3A_137 = arith.andi %bitcast_convert_type3A_130, %and3A_136 : vector<128x256xi32>
    %bitcast_convert_type3A_138 = tpu.bitcast %and3A_137 : vector<128x256xi32> -> vector<128x256xf32>
    %concatenate3A_139 = tpu.concatenate %bitcast_convert_type3A_134, %bitcast_convert_type3A_138 in 1 : vector<128x256xf32>, vector<128x256xf32> -> vector<128x512xf32>
    %convert_element_type3A_140 = arith.truncf %select_n3A_114 : vector<128x512xf32> to vector<128x512xbf16>
    %get3A_141 = arith.constant 0 : index
    %get3A_142 = arith.constant 0 : index
    %get3A_143 = vector.load %arg3[%get3A_141, %get3A_142] : memref<512x512xbf16, #tpu.memory_space<vmem>>, vector<512x512xbf16>
    %dot_general3A_144 = arith.constant dense<0.000000e+00> : vector<128x512xf32>
    %dot_general3A_145 = tpu.matmul %convert_element_type3A_140, %get3A_143, %dot_general3A_144 {dimension_numbers = #tpu.dot_dimension_numbers<[1], [0], [0], [1], [0, 0, 1, 1], [], []>, transpose_lhs_hint = false} : vector<128x512xbf16>, vector<512x512xbf16>, vector<128x512xf32> -> vector<128x512xf32>
    %add3A_146 = arith.addf %concatenate3A_139, %dot_general3A_145 : vector<128x512xf32>
    %max3A_147 = arith.constant 0.000000e+00 : f32
    %max3A_148 = vector.broadcast %max3A_147 : f32 to vector<128x512xf32>
    %max3A_149 = arith.maximumf %add3A_146, %max3A_148 : vector<128x512xf32>
    %get3A_150 = arith.constant 0 : index
    %get3A_151 = arith.constant 0 : index
    %get3A_152 = vector.load %arg1[%get3A_150, %get3A_151] : memref<128x1xi32, #tpu.memory_space<vmem>>, vector<128x1xi32>
    %gt3A_153 = vector.broadcast %add3A_126 : i32 to vector<128x1xi32>
    %gt3A_154 = arith.cmpi sgt, %get3A_152, %gt3A_153 : vector<128x1xi32>
    %broadcast_in_dim3A_155 = vector.shape_cast %gt3A_154 : vector<128x1xi1> to vector<128x1xi1>
    %broadcast_in_dim3A_156 = vector.broadcast %broadcast_in_dim3A_155 : vector<128x1xi1> to vector<128x512xi1>
    %select_n3A_157 = arith.select %broadcast_in_dim3A_156, %max3A_149, %select_n3A_114 : vector<128x512xi1>, vector<128x512xf32>
    %jit3A_158 = arith.constant 0.000000e+00 : f32
    %broadcast_in_dim3A_159 = vector.shape_cast %gt3A_154 : vector<128x1xi1> to vector<128x1xi1>
    %broadcast_in_dim3A_160 = vector.broadcast %broadcast_in_dim3A_159 : vector<128x1xi1> to vector<128x512xi1>
    %broadcast_in_dim3A_161 = vector.broadcast %jit3A_158 : f32 to vector<128x512xf32>
    %select_n3A_162 = arith.select %broadcast_in_dim3A_160, %max3A_149, %broadcast_in_dim3A_161 : vector<128x512xi1>, vector<128x512xf32>
    %convert_element_type3A_163 = arith.truncf %select_n3A_162 : vector<128x512xf32> to vector<128x512xbf16>
    %mul3A_164 = arith.constant 8 : i32
    %mul3A_165 = arith.muli %arg0, %mul3A_164 : i32
    %add3A_166 = arith.constant 96 : i32
    %add3A_167 = arith.addi %add3A_166, %mul3A_165 : i32
    %add3A_168 = arith.constant 4 : i32
    %add3A_169 = arith.addi %add3A_167, %add3A_168 : i32
    %get3A_170 = arith.constant 512 : index
    %get3A_171 = arith.constant 0 : index
    %get3A_172 = vector.load %arg2[%get3A_170, %get3A_171] : memref<1024x256xf32, #tpu.memory_space<vmem>>, vector<128x256xf32>
    %bitcast_convert_type3A_173 = tpu.bitcast %get3A_172 : vector<128x256xf32> -> vector<128x256xi32>
    %shift_left3A_174 = arith.constant 16 : i32
    %shift_left3A_175 = vector.broadcast %shift_left3A_174 : i32 to vector<128x256xi32>
    %shift_left3A_176 = arith.shli %bitcast_convert_type3A_173, %shift_left3A_175 : vector<128x256xi32>
    %bitcast_convert_type3A_177 = tpu.bitcast %shift_left3A_176 : vector<128x256xi32> -> vector<128x256xf32>
    %and3A_178 = arith.constant -65536 : i32
    %and3A_179 = vector.broadcast %and3A_178 : i32 to vector<128x256xi32>
    %and3A_180 = arith.andi %bitcast_convert_type3A_173, %and3A_179 : vector<128x256xi32>
    %bitcast_convert_type3A_181 = tpu.bitcast %and3A_180 : vector<128x256xi32> -> vector<128x256xf32>
    %concatenate3A_182 = tpu.concatenate %bitcast_convert_type3A_177, %bitcast_convert_type3A_181 in 1 : vector<128x256xf32>, vector<128x256xf32> -> vector<128x512xf32>
    %convert_element_type3A_183 = arith.truncf %select_n3A_157 : vector<128x512xf32> to vector<128x512xbf16>
    %get3A_184 = arith.constant 0 : index
    %get3A_185 = arith.constant 0 : index
    %get3A_186 = vector.load %arg3[%get3A_184, %get3A_185] : memref<512x512xbf16, #tpu.memory_space<vmem>>, vector<512x512xbf16>
    %dot_general3A_187 = arith.constant dense<0.000000e+00> : vector<128x512xf32>
    %dot_general3A_188 = tpu.matmul %convert_element_type3A_183, %get3A_186, %dot_general3A_187 {dimension_numbers = #tpu.dot_dimension_numbers<[1], [0], [0], [1], [0, 0, 1, 1], [], []>, transpose_lhs_hint = false} : vector<128x512xbf16>, vector<512x512xbf16>, vector<128x512xf32> -> vector<128x512xf32>
    %add3A_189 = arith.addf %concatenate3A_182, %dot_general3A_188 : vector<128x512xf32>
    %max3A_190 = arith.constant 0.000000e+00 : f32
    %max3A_191 = vector.broadcast %max3A_190 : f32 to vector<128x512xf32>
    %max3A_192 = arith.maximumf %add3A_189, %max3A_191 : vector<128x512xf32>
    %get3A_193 = arith.constant 0 : index
    %get3A_194 = arith.constant 0 : index
    %get3A_195 = vector.load %arg1[%get3A_193, %get3A_194] : memref<128x1xi32, #tpu.memory_space<vmem>>, vector<128x1xi32>
    %gt3A_196 = vector.broadcast %add3A_169 : i32 to vector<128x1xi32>
    %gt3A_197 = arith.cmpi sgt, %get3A_195, %gt3A_196 : vector<128x1xi32>
    %broadcast_in_dim3A_198 = vector.shape_cast %gt3A_197 : vector<128x1xi1> to vector<128x1xi1>
    %broadcast_in_dim3A_199 = vector.broadcast %broadcast_in_dim3A_198 : vector<128x1xi1> to vector<128x512xi1>
    %select_n3A_200 = arith.select %broadcast_in_dim3A_199, %max3A_192, %select_n3A_157 : vector<128x512xi1>, vector<128x512xf32>
    %jit3A_201 = arith.constant 0.000000e+00 : f32
    %broadcast_in_dim3A_202 = vector.shape_cast %gt3A_197 : vector<128x1xi1> to vector<128x1xi1>
    %broadcast_in_dim3A_203 = vector.broadcast %broadcast_in_dim3A_202 : vector<128x1xi1> to vector<128x512xi1>
    %broadcast_in_dim3A_204 = vector.broadcast %jit3A_201 : f32 to vector<128x512xf32>
    %select_n3A_205 = arith.select %broadcast_in_dim3A_203, %max3A_192, %broadcast_in_dim3A_204 : vector<128x512xi1>, vector<128x512xf32>
    %convert_element_type3A_206 = arith.truncf %select_n3A_205 : vector<128x512xf32> to vector<128x512xbf16>
    %mul3A_207 = arith.constant 8 : i32
    %mul3A_208 = arith.muli %arg0, %mul3A_207 : i32
    %add3A_209 = arith.constant 96 : i32
    %add3A_210 = arith.addi %add3A_209, %mul3A_208 : i32
    %add3A_211 = arith.constant 5 : i32
    %add3A_212 = arith.addi %add3A_210, %add3A_211 : i32
    %get3A_213 = arith.constant 640 : index
    %get3A_214 = arith.constant 0 : index
    %get3A_215 = vector.load %arg2[%get3A_213, %get3A_214] : memref<1024x256xf32, #tpu.memory_space<vmem>>, vector<128x256xf32>
    %bitcast_convert_type3A_216 = tpu.bitcast %get3A_215 : vector<128x256xf32> -> vector<128x256xi32>
    %shift_left3A_217 = arith.constant 16 : i32
    %shift_left3A_218 = vector.broadcast %shift_left3A_217 : i32 to vector<128x256xi32>
    %shift_left3A_219 = arith.shli %bitcast_convert_type3A_216, %shift_left3A_218 : vector<128x256xi32>
    %bitcast_convert_type3A_220 = tpu.bitcast %shift_left3A_219 : vector<128x256xi32> -> vector<128x256xf32>
    %and3A_221 = arith.constant -65536 : i32
    %and3A_222 = vector.broadcast %and3A_221 : i32 to vector<128x256xi32>
    %and3A_223 = arith.andi %bitcast_convert_type3A_216, %and3A_222 : vector<128x256xi32>
    %bitcast_convert_type3A_224 = tpu.bitcast %and3A_223 : vector<128x256xi32> -> vector<128x256xf32>
    %concatenate3A_225 = tpu.concatenate %bitcast_convert_type3A_220, %bitcast_convert_type3A_224 in 1 : vector<128x256xf32>, vector<128x256xf32> -> vector<128x512xf32>
    %convert_element_type3A_226 = arith.truncf %select_n3A_200 : vector<128x512xf32> to vector<128x512xbf16>
    %get3A_227 = arith.constant 0 : index
    %get3A_228 = arith.constant 0 : index
    %get3A_229 = vector.load %arg3[%get3A_227, %get3A_228] : memref<512x512xbf16, #tpu.memory_space<vmem>>, vector<512x512xbf16>
    %dot_general3A_230 = arith.constant dense<0.000000e+00> : vector<128x512xf32>
    %dot_general3A_231 = tpu.matmul %convert_element_type3A_226, %get3A_229, %dot_general3A_230 {dimension_numbers = #tpu.dot_dimension_numbers<[1], [0], [0], [1], [0, 0, 1, 1], [], []>, transpose_lhs_hint = false} : vector<128x512xbf16>, vector<512x512xbf16>, vector<128x512xf32> -> vector<128x512xf32>
    %add3A_232 = arith.addf %concatenate3A_225, %dot_general3A_231 : vector<128x512xf32>
    %max3A_233 = arith.constant 0.000000e+00 : f32
    %max3A_234 = vector.broadcast %max3A_233 : f32 to vector<128x512xf32>
    %max3A_235 = arith.maximumf %add3A_232, %max3A_234 : vector<128x512xf32>
    %get3A_236 = arith.constant 0 : index
    %get3A_237 = arith.constant 0 : index
    %get3A_238 = vector.load %arg1[%get3A_236, %get3A_237] : memref<128x1xi32, #tpu.memory_space<vmem>>, vector<128x1xi32>
    %gt3A_239 = vector.broadcast %add3A_212 : i32 to vector<128x1xi32>
    %gt3A_240 = arith.cmpi sgt, %get3A_238, %gt3A_239 : vector<128x1xi32>
    %broadcast_in_dim3A_241 = vector.shape_cast %gt3A_240 : vector<128x1xi1> to vector<128x1xi1>
    %broadcast_in_dim3A_242 = vector.broadcast %broadcast_in_dim3A_241 : vector<128x1xi1> to vector<128x512xi1>
    %select_n3A_243 = arith.select %broadcast_in_dim3A_242, %max3A_235, %select_n3A_200 : vector<128x512xi1>, vector<128x512xf32>
    %jit3A_244 = arith.constant 0.000000e+00 : f32
    %broadcast_in_dim3A_245 = vector.shape_cast %gt3A_240 : vector<128x1xi1> to vector<128x1xi1>
    %broadcast_in_dim3A_246 = vector.broadcast %broadcast_in_dim3A_245 : vector<128x1xi1> to vector<128x512xi1>
    %broadcast_in_dim3A_247 = vector.broadcast %jit3A_244 : f32 to vector<128x512xf32>
    %select_n3A_248 = arith.select %broadcast_in_dim3A_246, %max3A_235, %broadcast_in_dim3A_247 : vector<128x512xi1>, vector<128x512xf32>
    %convert_element_type3A_249 = arith.truncf %select_n3A_248 : vector<128x512xf32> to vector<128x512xbf16>
    %mul3A_250 = arith.constant 8 : i32
    %mul3A_251 = arith.muli %arg0, %mul3A_250 : i32
    %add3A_252 = arith.constant 96 : i32
    %add3A_253 = arith.addi %add3A_252, %mul3A_251 : i32
    %add3A_254 = arith.constant 6 : i32
    %add3A_255 = arith.addi %add3A_253, %add3A_254 : i32
    %get3A_256 = arith.constant 768 : index
    %get3A_257 = arith.constant 0 : index
    %get3A_258 = vector.load %arg2[%get3A_256, %get3A_257] : memref<1024x256xf32, #tpu.memory_space<vmem>>, vector<128x256xf32>
    %bitcast_convert_type3A_259 = tpu.bitcast %get3A_258 : vector<128x256xf32> -> vector<128x256xi32>
    %shift_left3A_260 = arith.constant 16 : i32
    %shift_left3A_261 = vector.broadcast %shift_left3A_260 : i32 to vector<128x256xi32>
    %shift_left3A_262 = arith.shli %bitcast_convert_type3A_259, %shift_left3A_261 : vector<128x256xi32>
    %bitcast_convert_type3A_263 = tpu.bitcast %shift_left3A_262 : vector<128x256xi32> -> vector<128x256xf32>
    %and3A_264 = arith.constant -65536 : i32
    %and3A_265 = vector.broadcast %and3A_264 : i32 to vector<128x256xi32>
    %and3A_266 = arith.andi %bitcast_convert_type3A_259, %and3A_265 : vector<128x256xi32>
    %bitcast_convert_type3A_267 = tpu.bitcast %and3A_266 : vector<128x256xi32> -> vector<128x256xf32>
    %concatenate3A_268 = tpu.concatenate %bitcast_convert_type3A_263, %bitcast_convert_type3A_267 in 1 : vector<128x256xf32>, vector<128x256xf32> -> vector<128x512xf32>
    %convert_element_type3A_269 = arith.truncf %select_n3A_243 : vector<128x512xf32> to vector<128x512xbf16>
    %get3A_270 = arith.constant 0 : index
    %get3A_271 = arith.constant 0 : index
    %get3A_272 = vector.load %arg3[%get3A_270, %get3A_271] : memref<512x512xbf16, #tpu.memory_space<vmem>>, vector<512x512xbf16>
    %dot_general3A_273 = arith.constant dense<0.000000e+00> : vector<128x512xf32>
    %dot_general3A_274 = tpu.matmul %convert_element_type3A_269, %get3A_272, %dot_general3A_273 {dimension_numbers = #tpu.dot_dimension_numbers<[1], [0], [0], [1], [0, 0, 1, 1], [], []>, transpose_lhs_hint = false} : vector<128x512xbf16>, vector<512x512xbf16>, vector<128x512xf32> -> vector<128x512xf32>
    %add3A_275 = arith.addf %concatenate3A_268, %dot_general3A_274 : vector<128x512xf32>
    %max3A_276 = arith.constant 0.000000e+00 : f32
    %max3A_277 = vector.broadcast %max3A_276 : f32 to vector<128x512xf32>
    %max3A_278 = arith.maximumf %add3A_275, %max3A_277 : vector<128x512xf32>
    %get3A_279 = arith.constant 0 : index
    %get3A_280 = arith.constant 0 : index
    %get3A_281 = vector.load %arg1[%get3A_279, %get3A_280] : memref<128x1xi32, #tpu.memory_space<vmem>>, vector<128x1xi32>
    %gt3A_282 = vector.broadcast %add3A_255 : i32 to vector<128x1xi32>
    %gt3A_283 = arith.cmpi sgt, %get3A_281, %gt3A_282 : vector<128x1xi32>
    %broadcast_in_dim3A_284 = vector.shape_cast %gt3A_283 : vector<128x1xi1> to vector<128x1xi1>
    %broadcast_in_dim3A_285 = vector.broadcast %broadcast_in_dim3A_284 : vector<128x1xi1> to vector<128x512xi1>
    %select_n3A_286 = arith.select %broadcast_in_dim3A_285, %max3A_278, %select_n3A_243 : vector<128x512xi1>, vector<128x512xf32>
    %jit3A_287 = arith.constant 0.000000e+00 : f32
    %broadcast_in_dim3A_288 = vector.shape_cast %gt3A_283 : vector<128x1xi1> to vector<128x1xi1>
    %broadcast_in_dim3A_289 = vector.broadcast %broadcast_in_dim3A_288 : vector<128x1xi1> to vector<128x512xi1>
    %broadcast_in_dim3A_290 = vector.broadcast %jit3A_287 : f32 to vector<128x512xf32>
    %select_n3A_291 = arith.select %broadcast_in_dim3A_289, %max3A_278, %broadcast_in_dim3A_290 : vector<128x512xi1>, vector<128x512xf32>
    %convert_element_type3A_292 = arith.truncf %select_n3A_291 : vector<128x512xf32> to vector<128x512xbf16>
    %mul3A_293 = arith.constant 8 : i32
    %mul3A_294 = arith.muli %arg0, %mul3A_293 : i32
    %add3A_295 = arith.constant 96 : i32
    %add3A_296 = arith.addi %add3A_295, %mul3A_294 : i32
    %add3A_297 = arith.constant 7 : i32
    %add3A_298 = arith.addi %add3A_296, %add3A_297 : i32
    %get3A_299 = arith.constant 896 : index
    %get3A_300 = arith.constant 0 : index
    %get3A_301 = vector.load %arg2[%get3A_299, %get3A_300] : memref<1024x256xf32, #tpu.memory_space<vmem>>, vector<128x256xf32>
    %bitcast_convert_type3A_302 = tpu.bitcast %get3A_301 : vector<128x256xf32> -> vector<128x256xi32>
    %shift_left3A_303 = arith.constant 16 : i32
    %shift_left3A_304 = vector.broadcast %shift_left3A_303 : i32 to vector<128x256xi32>
    %shift_left3A_305 = arith.shli %bitcast_convert_type3A_302, %shift_left3A_304 : vector<128x256xi32>
    %bitcast_convert_type3A_306 = tpu.bitcast %shift_left3A_305 : vector<128x256xi32> -> vector<128x256xf32>
    %and3A_307 = arith.constant -65536 : i32
    %and3A_308 = vector.broadcast %and3A_307 : i32 to vector<128x256xi32>
    %and3A_309 = arith.andi %bitcast_convert_type3A_302, %and3A_308 : vector<128x256xi32>
    %bitcast_convert_type3A_310 = tpu.bitcast %and3A_309 : vector<128x256xi32> -> vector<128x256xf32>
    %concatenate3A_311 = tpu.concatenate %bitcast_convert_type3A_306, %bitcast_convert_type3A_310 in 1 : vector<128x256xf32>, vector<128x256xf32> -> vector<128x512xf32>
    %convert_element_type3A_312 = arith.truncf %select_n3A_286 : vector<128x512xf32> to vector<128x512xbf16>
    %get3A_313 = arith.constant 0 : index
    %get3A_314 = arith.constant 0 : index
    %get3A_315 = vector.load %arg3[%get3A_313, %get3A_314] : memref<512x512xbf16, #tpu.memory_space<vmem>>, vector<512x512xbf16>
    %dot_general3A_316 = arith.constant dense<0.000000e+00> : vector<128x512xf32>
    %dot_general3A_317 = tpu.matmul %convert_element_type3A_312, %get3A_315, %dot_general3A_316 {dimension_numbers = #tpu.dot_dimension_numbers<[1], [0], [0], [1], [0, 0, 1, 1], [], []>, transpose_lhs_hint = false} : vector<128x512xbf16>, vector<512x512xbf16>, vector<128x512xf32> -> vector<128x512xf32>
    %add3A_318 = arith.addf %concatenate3A_311, %dot_general3A_317 : vector<128x512xf32>
    %max3A_319 = arith.constant 0.000000e+00 : f32
    %max3A_320 = vector.broadcast %max3A_319 : f32 to vector<128x512xf32>
    %max3A_321 = arith.maximumf %add3A_318, %max3A_320 : vector<128x512xf32>
    %get3A_322 = arith.constant 0 : index
    %get3A_323 = arith.constant 0 : index
    %get3A_324 = vector.load %arg1[%get3A_322, %get3A_323] : memref<128x1xi32, #tpu.memory_space<vmem>>, vector<128x1xi32>
    %gt3A_325 = vector.broadcast %add3A_298 : i32 to vector<128x1xi32>
    %gt3A_326 = arith.cmpi sgt, %get3A_324, %gt3A_325 : vector<128x1xi32>
    %broadcast_in_dim3A_327 = vector.shape_cast %gt3A_326 : vector<128x1xi1> to vector<128x1xi1>
    %broadcast_in_dim3A_328 = vector.broadcast %broadcast_in_dim3A_327 : vector<128x1xi1> to vector<128x512xi1>
    %select_n3A_329 = arith.select %broadcast_in_dim3A_328, %max3A_321, %select_n3A_286 : vector<128x512xi1>, vector<128x512xf32>
    %jit3A_330 = arith.constant 0.000000e+00 : f32
    %broadcast_in_dim3A_331 = vector.shape_cast %gt3A_326 : vector<128x1xi1> to vector<128x1xi1>
    %broadcast_in_dim3A_332 = vector.broadcast %broadcast_in_dim3A_331 : vector<128x1xi1> to vector<128x512xi1>
    %broadcast_in_dim3A_333 = vector.broadcast %jit3A_330 : f32 to vector<128x512xf32>
    %select_n3A_334 = arith.select %broadcast_in_dim3A_332, %max3A_321, %broadcast_in_dim3A_333 : vector<128x512xi1>, vector<128x512xf32>
    %convert_element_type3A_335 = arith.truncf %select_n3A_334 : vector<128x512xf32> to vector<128x512xbf16>
    %swap3A = arith.constant 0 : index
    %swap3A_336 = arith.constant 0 : index
    %swap3A_337 = vector.load %arg9[%swap3A, %swap3A_336] : memref<128x512xf32, #tpu.memory_space<vmem>>, vector<128x512xf32>
    tpu.vector_store %arg9[%swap3A, %swap3A_336], %select_n3A_329 {strides = array<i32>} : memref<128x512xf32, #tpu.memory_space<vmem>>, vector<128x512xf32>,
    %concatenate3A_338 = tpu.concatenate %convert_element_type3A_34, %convert_element_type3A_77, %convert_element_type3A_120, %convert_element_type3A_163, %convert_element_type3A_206, %convert_element_type3A_249, %convert_element_type3A_292, %convert_element_type3A_335 in 0 : vector<128x512xbf16>, vector<128x512xbf16>, vector<128x512xbf16>, vector<128x512xbf16>, vector<128x512xbf16>, vector<128x512xbf16>, vector<128x512xbf16>, vector<128x512xbf16> -> vector<1024x512xbf16>
    %transpose3A = tpu.transpose %concatenate3A_338, [1, 0] : vector<1024x512xbf16> -> vector<512x1024xbf16>
    %get3A_339 = arith.constant 0 : index
    %get3A_340 = arith.constant 0 : index
    %get3A_341 = vector.load %arg4[%get3A_339, %get3A_340] : memref<1000x512xbf16, #tpu.memory_space<vmem>>, vector<1000x512xbf16>
    %dot_general3A_342 = arith.constant dense<0.000000e+00> : vector<1000x1024xf32>
    %dot_general3A_343 = tpu.matmul %get3A_341, %transpose3A, %dot_general3A_342 {dimension_numbers = #tpu.dot_dimension_numbers<[1], [0], [0], [1], [0, 0, 1, 1], [], []>, transpose_lhs_hint = false} : vector<1000x512xbf16>, vector<512x1024xbf16>, vector<1000x1024xf32> -> vector<1000x1024xf32>
    %get3A_344 = arith.constant 0 : index
    %get3A_345 = arith.constant 0 : index
    %get3A_346 = vector.load %arg5[%get3A_344, %get3A_345] : memref<1000x1xf32, #tpu.memory_space<vmem>>, vector<1000x1xf32>
    %add3A_347 = vector.broadcast %get3A_346 : vector<1000x1xf32> to vector<1000x1024xf32>
    %add3A_348 = arith.addf %dot_general3A_343, %add3A_347 : vector<1000x1024xf32>
    %reduce_max3A = arith.constant dense<0xFF800000> : vector<1024xf32>
    %reduce_max3A_349 = vector.multi_reduction <maximumf>, %add3A_348, %reduce_max3A [0] : vector<1000x1024xf32> to vector<1024xf32>
    %broadcast_in_dim3A_350 = vector.shape_cast %reduce_max3A_349 : vector<1024xf32> to vector<1x1024xf32>
    %sub3A = vector.broadcast %broadcast_in_dim3A_350 : vector<1x1024xf32> to vector<1000x1024xf32>
    %sub3A_351 = arith.subf %add3A_348, %sub3A : vector<1000x1024xf32>
    %exp3A = math.exp %sub3A_351 : vector<1000x1024xf32>
    %reduce_sum3A = arith.constant dense<0.000000e+00> : vector<1024xf32>
    %reduce_sum3A_352 = vector.multi_reduction <add>, %exp3A, %reduce_sum3A [0] : vector<1000x1024xf32> to vector<1024xf32>
    %broadcast_in_dim3A_353 = vector.shape_cast %reduce_sum3A_352 : vector<1024xf32> to vector<1x1024xf32>
    %sub3A_354 = vector.broadcast %broadcast_in_dim3A_350 : vector<1x1024xf32> to vector<1000x1024xf32>
    %sub3A_355 = arith.subf %add3A_348, %sub3A_354 : vector<1000x1024xf32>
    %log3A = math.log %broadcast_in_dim3A_353 : vector<1x1024xf32>
    %sub3A_356 = vector.broadcast %log3A : vector<1x1024xf32> to vector<1000x1024xf32>
    %sub3A_357 = arith.subf %sub3A_355, %sub3A_356 : vector<1000x1024xf32>
    %slice3A = vector.extract_strided_slice %sub3A_357 {offsets = [0, 0], sizes = [1000, 128], strides = [1, 1]} : vector<1000x1024xf32> to vector<1000x128xf32>
    %swap3A_358 = arith.constant 0 : index
    %swap3A_359 = arith.constant 0 : index
    %swap3A_360 = arith.constant 0 : index
    %swap3A_361 = vector.load %arg8[%swap3A_358, %swap3A_359, %swap3A_360] : memref<8x1000x128xf32, #tpu.memory_space<vmem>>, vector<1x1000x128xf32>
    %swap3A_362 = vector.shape_cast %swap3A_361 : vector<1x1000x128xf32> to vector<1000x128xf32>
    %swap3A_363 = vector.shape_cast %slice3A : vector<1000x128xf32> to vector<1x1000x128xf32>
    tpu.vector_store %arg8[%swap3A_358, %swap3A_359, %swap3A_360], %swap3A_363 {strides = array<i32>} : memref<8x1000x128xf32, #tpu.memory_space<vmem>>, vector<1x1000x128xf32>,
    %slice3A_364 = vector.extract_strided_slice %sub3A_357 {offsets = [0, 128], sizes = [1000, 128], strides = [1, 1]} : vector<1000x1024xf32> to vector<1000x128xf32>
    %swap3A_365 = arith.constant 1 : index
    %swap3A_366 = arith.constant 0 : index
    %swap3A_367 = arith.constant 0 : index
    %swap3A_368 = vector.load %arg8[%swap3A_365, %swap3A_366, %swap3A_367] : memref<8x1000x128xf32, #tpu.memory_space<vmem>>, vector<1x1000x128xf32>
    %swap3A_369 = vector.shape_cast %swap3A_368 : vector<1x1000x128xf32> to vector<1000x128xf32>
    %swap3A_370 = vector.shape_cast %slice3A_364 : vector<1000x128xf32> to vector<1x1000x128xf32>
    tpu.vector_store %arg8[%swap3A_365, %swap3A_366, %swap3A_367], %swap3A_370 {strides = array<i32>} : memref<8x1000x128xf32, #tpu.memory_space<vmem>>, vector<1x1000x128xf32>,
    %slice3A_371 = vector.extract_strided_slice %sub3A_357 {offsets = [0, 256], sizes = [1000, 128], strides = [1, 1]} : vector<1000x1024xf32> to vector<1000x128xf32>
    %swap3A_372 = arith.constant 2 : index
    %swap3A_373 = arith.constant 0 : index
    %swap3A_374 = arith.constant 0 : index
    %swap3A_375 = vector.load %arg8[%swap3A_372, %swap3A_373, %swap3A_374] : memref<8x1000x128xf32, #tpu.memory_space<vmem>>, vector<1x1000x128xf32>
    %swap3A_376 = vector.shape_cast %swap3A_375 : vector<1x1000x128xf32> to vector<1000x128xf32>
    %swap3A_377 = vector.shape_cast %slice3A_371 : vector<1000x128xf32> to vector<1x1000x128xf32>
    tpu.vector_store %arg8[%swap3A_372, %swap3A_373, %swap3A_374], %swap3A_377 {strides = array<i32>} : memref<8x1000x128xf32, #tpu.memory_space<vmem>>, vector<1x1000x128xf32>,
    %slice3A_378 = vector.extract_strided_slice %sub3A_357 {offsets = [0, 384], sizes = [1000, 128], strides = [1, 1]} : vector<1000x1024xf32> to vector<1000x128xf32>
    %swap3A_379 = arith.constant 3 : index
    %swap3A_380 = arith.constant 0 : index
    %swap3A_381 = arith.constant 0 : index
    %swap3A_382 = vector.load %arg8[%swap3A_379, %swap3A_380, %swap3A_381] : memref<8x1000x128xf32, #tpu.memory_space<vmem>>, vector<1x1000x128xf32>
    %swap3A_383 = vector.shape_cast %swap3A_382 : vector<1x1000x128xf32> to vector<1000x128xf32>
    %swap3A_384 = vector.shape_cast %slice3A_378 : vector<1000x128xf32> to vector<1x1000x128xf32>
    tpu.vector_store %arg8[%swap3A_379, %swap3A_380, %swap3A_381], %swap3A_384 {strides = array<i32>} : memref<8x1000x128xf32, #tpu.memory_space<vmem>>, vector<1x1000x128xf32>,
    %slice3A_385 = vector.extract_strided_slice %sub3A_357 {offsets = [0, 512], sizes = [1000, 128], strides = [1, 1]} : vector<1000x1024xf32> to vector<1000x128xf32>
    %swap3A_386 = arith.constant 4 : index
    %swap3A_387 = arith.constant 0 : index
    %swap3A_388 = arith.constant 0 : index
    %swap3A_389 = vector.load %arg8[%swap3A_386, %swap3A_387, %swap3A_388] : memref<8x1000x128xf32, #tpu.memory_space<vmem>>, vector<1x1000x128xf32>
    %swap3A_390 = vector.shape_cast %swap3A_389 : vector<1x1000x128xf32> to vector<1000x128xf32>
    %swap3A_391 = vector.shape_cast %slice3A_385 : vector<1000x128xf32> to vector<1x1000x128xf32>
    tpu.vector_store %arg8[%swap3A_386, %swap3A_387, %swap3A_388], %swap3A_391 {strides = array<i32>} : memref<8x1000x128xf32, #tpu.memory_space<vmem>>, vector<1x1000x128xf32>,
    %slice3A_392 = vector.extract_strided_slice %sub3A_357 {offsets = [0, 640], sizes = [1000, 128], strides = [1, 1]} : vector<1000x1024xf32> to vector<1000x128xf32>
    %swap3A_393 = arith.constant 5 : index
    %swap3A_394 = arith.constant 0 : index
    %swap3A_395 = arith.constant 0 : index
    %swap3A_396 = vector.load %arg8[%swap3A_393, %swap3A_394, %swap3A_395] : memref<8x1000x128xf32, #tpu.memory_space<vmem>>, vector<1x1000x128xf32>
    %swap3A_397 = vector.shape_cast %swap3A_396 : vector<1x1000x128xf32> to vector<1000x128xf32>
    %swap3A_398 = vector.shape_cast %slice3A_392 : vector<1000x128xf32> to vector<1x1000x128xf32>
    tpu.vector_store %arg8[%swap3A_393, %swap3A_394, %swap3A_395], %swap3A_398 {strides = array<i32>} : memref<8x1000x128xf32, #tpu.memory_space<vmem>>, vector<1x1000x128xf32>,
    %slice3A_399 = vector.extract_strided_slice %sub3A_357 {offsets = [0, 768], sizes = [1000, 128], strides = [1, 1]} : vector<1000x1024xf32> to vector<1000x128xf32>
    %swap3A_400 = arith.constant 6 : index
    %swap3A_401 = arith.constant 0 : index
    %swap3A_402 = arith.constant 0 : index
    %swap3A_403 = vector.load %arg8[%swap3A_400, %swap3A_401, %swap3A_402] : memref<8x1000x128xf32, #tpu.memory_space<vmem>>, vector<1x1000x128xf32>
    %swap3A_404 = vector.shape_cast %swap3A_403 : vector<1x1000x128xf32> to vector<1000x128xf32>
    %swap3A_405 = vector.shape_cast %slice3A_399 : vector<1000x128xf32> to vector<1x1000x128xf32>
    tpu.vector_store %arg8[%swap3A_400, %swap3A_401, %swap3A_402], %swap3A_405 {strides = array<i32>} : memref<8x1000x128xf32, #tpu.memory_space<vmem>>, vector<1x1000x128xf32>,
    %slice3A_406 = vector.extract_strided_slice %sub3A_357 {offsets = [0, 896], sizes = [1000, 128], strides = [1, 1]} : vector<1000x1024xf32> to vector<1000x128xf32>
    %swap3A_407 = arith.constant 7 : index
    %swap3A_408 = arith.constant 0 : index
    %swap3A_409 = arith.constant 0 : index
    %swap3A_410 = vector.load %arg8[%swap3A_407, %swap3A_408, %swap3A_409] : memref<8x1000x128xf32, #tpu.memory_space<vmem>>, vector<1x1000x128xf32>
    %swap3A_411 = vector.shape_cast %swap3A_410 : vector<1x1000x128xf32> to vector<1000x128xf32>
    %swap3A_412 = vector.shape_cast %slice3A_406 : vector<1000x128xf32> to vector<1x1000x128xf32>
    tpu.vector_store %arg8[%swap3A_407, %swap3A_408, %swap3A_409], %swap3A_412 {strides = array<i32>} : memref<8x1000x128xf32, #tpu.memory_space<vmem>>, vector<1x1000x128xf32>,
    return
  }
  func.func @transform_0(%arg0: i32) -> (i32, i32) {
    %c0_i32 = arith.constant 0 : i32
    %c0_i32_0 = arith.constant 0 : i32
    %c0_i32_1 = arith.constant 0 : i32
    return %c0_i32, %c0_i32_0 : i32, i32
  }
  func.func @transform_1(%arg0: i32) -> (i32, i32) {
    %c0_i32 = arith.constant 0 : i32
    %c0_i32_0 = arith.constant 0 : i32
    return %arg0, %c0_i32 : i32, i32
  }
  func.func @transform_2(%arg0: i32) -> (i32, i32) {
    %c0_i32 = arith.constant 0 : i32
    %c0_i32_0 = arith.constant 0 : i32
    %c0_i32_1 = arith.constant 0 : i32
    return %c0_i32, %c0_i32_0 : i32, i32
  }
  func.func @transform_3(%arg0: i32) -> (i32, i32) {
    %c0_i32 = arith.constant 0 : i32
    %c0_i32_0 = arith.constant 0 : i32
    %c0_i32_1 = arith.constant 0 : i32
    return %c0_i32, %c0_i32_0 : i32, i32
  }
  func.func @transform_4(%arg0: i32) -> (i32, i32) {
    %c0_i32 = arith.constant 0 : i32
    %c0_i32_0 = arith.constant 0 : i32
    %c0_i32_1 = arith.constant 0 : i32
    return %c0_i32, %c0_i32_0 : i32, i32
  }
  func.func @transform_5(%arg0: i32) -> (i32, i32) {
    %c0_i32 = arith.constant 0 : i32
    %c0_i32_0 = arith.constant 0 : i32
    %c0_i32_1 = arith.constant 0 : i32
    return %c0_i32, %c0_i32_0 : i32, i32
  }
  func.func @transform_7(%arg0: i32) -> (i32, i32, i32) {
    %add3A = arith.constant 12 : i32
    %add3A_0 = arith.addi %arg0, %add3A : i32
    %c0_i32 = arith.constant 0 : i32
    %c0_i32_1 = arith.constant 0 : i32
    %c0_i32_2 = arith.constant 0 : i32
    return %add3A_0, %c0_i32, %c0_i32_1 : i32, i32, i32
  }
}

</mosaic_0001>

<sc_bundles>
// kernel: kernel.10.cloned.1.call-start
scs
__scs_entry_jumppad:
0x0: {  	(pc) =	sbr.rel $0x88, $3  }
0x1: {  	(tag) =	ssettag $0x0;
	lr =	simm.s32 $0x1  }
0x2: {  	[smem:$0x3F98] =	sst lr;
	_ =	strace $0xD0000000  }
0x3: {  	_ = 	snop  }
0x4: {  	_ = 	snop  }
0x5: {  	_ = 	snop  }
0x6: {  	_ = 	snop  }
0x7: {  	_ = 	snop  }
__scs_overlays_trampoline_lowered:
0x8: {  	[smem:$0x3FA7] =	sst s0  }
0x9: {  	[smem:$0x3FA8] =	sst s1  }
0xa: {  	[smem:$0x3FA9] =	sst s2  }
0xb: {  	[smem:$0x3FAA] =	sst s3  }
0xc: {  	[smem:$0x3FAB] =	sst s4  }
0xd: {  	[smem:$0x3FAC] =	sst s5  }
0xe: {  	[smem:$0x3FAD] =	sst s6  }
0xf: {  	[smem:$0x3FAE] =	sst s7  }
0x10: {  	[smem:$0x3FAF] =	sst s8  }
0x11: {  	[smem:$0x3FB0] =	sst s9;
	s0 =	simm.s32 @!p0 $0x0  }
0x12: {  	s1 =	sld [smem:$0x3F96];
	s0 =	simm.s32 @p0 $0x1  }
0x13: {  	[smem:$0x3FB1] =	sst s0;
	s0 =	simm.s32 @!p1 $0x0  }
0x14: {  	s2 =	sld [smem:$0x3F95];
	s0 =	simm.s32 @p1 $0x1  }
0x15: {  	[smem:$0x3FB2] =	sst s0;
	s0 =	simm.s32 @!p2 $0x0  }
0x16: {  	s3 =	sld [smem:$0x3FDB];
	s0 =	simm.s32 @p2 $0x1  }
0x17: {  	s4 =	simm.s32 $0x1BF5;
	[smem:$0x3FB4] =	sst s0  }
0x18: {  	s0 =	sld [smem:$0x3F97];
	_ =	swait.ge [sflag:s4], $0x0  }
0x19: {  	s7 =	sld [smem:$0x3F98]  }
0x1a: {  	s8 =	sadd.s32 $0xFFFFE003, lr  }
0x1b: {  	s9 =	sadd.s32 $0xFFFFFEF7, lr;
	s5 =	simm.s32 $0xFFFFFFFF;
	p2 =	slt.u32 s8, $0xFFFFF086  }
0x1c: {  	p1 =	slt.u32 s9, $0xF7A;
	s5 =	simm.s32 @!p2 $0x0  }
0x1d: {  	s5 =	simm.s32 @p1 $0x1;
	p0 =	seq.s32 s7, s2  }
0x1e: {  	s7 =	smul.u32 @!p0 $0xF7A, s2;
	p2 =	seq.s32 @!p0 s5, $0x0  }
0x1f: {  	s9 =	smul.u32 $0xF7A, s1;
	s8 =	simm.s32 @!p0 $0x1BF5;
	p2 =	por !p2, p0  }
0x20: {  	[sflag:s8] =	ssyncset.s32 @!p0 $0xFFFFF086;
	s6 =	sadd.s32 @!p0 s3, s7;
	s7 =	simm.s32 @!p0 $0x108  }
0x21: {  	s3 =	sadd.s32 s3, s9;
	s6 =	sadd.s32 @!p0 $0x88, s6;
	s7 =	simm.s32 @p2 $0x1082  }
0x22: {  	[simem:s7], [sflag:s8] =	dma.local @!p0 [hbm:s6], $0xF7A  }
0x23: {  	s9 =	sor.u32 $0xD0000000, s2;
	s6 =	simm.s32 $0x108;
	_ =	swait.ge @!p0 [sflag:s8], $0x0  }
0x24: {  	s3 =	sadd.s32 $0x88, s3;
	s6 =	simm.s32 @!p1 $0x1082;
	[sflag:s4] =	ssyncset.s32 $0xFFFFF086  }
0x25: {  	[simem:s6], [sflag:s4] =	dma.local [hbm:s3], $0xF7A  }
0x26: {  	[smem:$0x3F98] =	sst s1;
	(tag) =	ssettag s2;
	_ =	strace s9  }
0x27: {  	s1 =	sld [smem:$0x3FA8]  }
0x28: {  	s2 =	sld [smem:$0x3FA9]  }
0x29: {  	s4 =	sld [smem:$0x3FAB]  }
0x2a: {  	p0 =	seq.s32 s5, $0x0;
	s5 =	sld [smem:$0x3FAC]  }
0x2b: {  	s6 =	sld [smem:$0x3FAD]  }
0x2c: {  	s7 =	sld [smem:$0x3FAE]  }
0x2d: {  	s3 =	simm.s32 $0x108;
	s8 =	sld [smem:$0x3FAF]  }
0x2e: {  	s3 =	simm.s32 @!p0 $0x1082;
	s9 =	sld [smem:$0x3FB0]  }
0x2f: {  	lr =	sadd.s32 s0, s3;
	s0 =	sld [smem:$0x3FA7]  }
0x30: {  	s3 =	sld [smem:$0x3FAA]  }
0x31: {  	[smem:$0x3FB3] =	sst s10  }
0x32: {  	s10 =	sld [smem:$0x3FB1];
	_ =	sdelay $0x3  }
0x33: {  	p0 =	seq.s32 s10, $0x1;
	s10 =	sld [smem:$0x3FB3];
	_ =	sdelay $0x3  }
0x34: {  	[smem:$0x3FB3] =	sst s10  }
0x35: {  	s10 =	sld [smem:$0x3FB2];
	_ =	sdelay $0x3  }
0x36: {  	p1 =	seq.s32 s10, $0x1;
	s10 =	sld [smem:$0x3FB3];
	_ =	sdelay $0x3  }
0x37: {  	[smem:$0x3FB3] =	sst s10  }
0x38: {  	s10 =	sld [smem:$0x3FB4]  }
0x39: {  	_ = 	snop;
	(pc) =	sbr.ind lr, $3  }
0x3a: {  	_ = 	snop  }
0x3b: {  	_ = 	snop  }
0x3c: {  	p2 =	seq.s32 s10, $0x1;
	s10 =	sld [smem:$0x3FB3]  }
0x3d: {  	_ =	shalt  }
0x3e: {  	_ =	shalt  }
0x3f: {  	_ =	shalt  }
0x40: {  	_ =	shalt  }
0x41: {  	_ =	shalt  }
0x42: {  	_ =	shalt  }
0x43: {  	_ =	shalt  }
0x44: {  	_ =	shalt  }
0x45: {  	_ =	shalt  }
0x46: {  	_ =	shalt  }
0x47: {  	_ =	shalt  }
0x48: {  	_ =	shalt  }
0x49: {  	_ =	shalt  }
0x4a: {  	_ =	shalt  }
0x4b: {  	_ =	shalt  }
0x4c: {  	_ =	shalt  }
0x4d: {  	_ =	shalt  }
0x4e: {  	_ =	shalt  }
0x4f: {  	_ =	shalt  }
0x50: {  	_ =	shalt  }
0x51: {  	_ =	shalt  }
0x52: {  	_ =	shalt  }
0x53: {  	_ =	shalt  }
0x54: {  	_ =	shalt  }
0x55: {  	_ =	shalt  }
0x56: {  	_ =	shalt  }
0x57: {  	_ =	shalt  }
0x58: {  	_ =	shalt  }
0x59: {  	_ =	shalt  }
0x5a: {  	_ =	shalt  }
0x5b: {  	_ =	shalt  }
0x5c: {  	_ =	shalt  }
0x5d: {  	_ =	shalt  }
0x5e: {  	_ =	shalt  }
0x5f: {  	_ =	shalt  }
0x60: {  	_ =	shalt  }
0x61: {  	_ =	shalt  }
0x62: {  	_ =	shalt  }
0x63: {  	_ =	shalt  }
0x64: {  	_ =	shalt  }
0x65: {  	_ =	shalt  }
0x66: {  	_ =	shalt  }
0x67: {  	_ =	shalt  }
0x68: {  	_ =	shalt  }
0x69: {  	_ =	shalt  }
0x6a: {  	_ =	shalt  }
0x6b: {  	_ =	shalt  }
0x6c: {  	_ =	shalt  }
0x6d: {  	_ =	shalt  }
0x6e: {  	_ =	shalt  }
0x6f: {  	_ =	shalt  }
0x70: {  	_ =	shalt  }
0x71: {  	_ =	shalt  }
0x72: {  	_ =	shalt  }
0x73: {  	_ =	shalt  }
0x74: {  	_ =	shalt  }
0x75: {  	_ =	shalt  }
0x76: {  	_ =	shalt  }
0x77: {  	_ =	shalt  }
0x78: {  	_ =	shalt  }
0x79: {  	_ =	shalt  }
0x7a: {  	_ =	shalt  }
0x7b: {  	_ =	shalt  }
0x7c: {  	_ =	shalt  }
0x7d: {  	_ =	shalt  }
0x7e: {  	_ =	shalt  }
0x7f: {  	_ =	shalt  }
0x80: {  	_ =	shalt  }
0x81: {  	_ =	shalt  }
0x82: {  	_ =	shalt  }
0x83: {  	_ =	shalt  }
0x84: {  	_ =	shalt  }
0x85: {  	_ =	shalt  }
0x86: {  	_ =	shalt  }
0x87: {  	_ =	shalt  }
.Lfunc_end0:
.L_simem_size_0:
called_computation.1_lowered:
.L_overlay_start_0:
0x88: {  	s2 =	sld [smem:$0x3FD9]  }
0x89: {  	s3 =	sld [smem:$0x3FFE];
	_ =	sdelay $0x1  }
0x8a: {  	s1 =	srdreg.scid  }
0x8b: {  	s0 =	sand.u32 $0x1, s1  }
0x8c: {  	s17 =	sshll.u32 s0, $0xA;
	s2 =	sadd.s32 s3, s2  }
0x8d: {  	s2 =	sadd.s32 s2, s17  }
0x8e: {  	[smem:$0x3FBF] =	sst s2  }
0x8f: {  	_ = 	snop  }
0x90: {  	s18 =	sld [smem:$0x3FC9];
	(tm) =	ssettm $0x1  }
0x91: {  	s19 =	sld [smem:$0x3FFB];
	_ =	sdelay $0x3  }
0x92: {  	_ =	strace s19  }
0x93: {  	s2 =	sld [smem:$0x3FFC];
	_ =	sdelay $0x3  }
0x94: {  	_ =	strace s2  }
0x95: {  	s2 =	sld [smem:$0x3FFD];
	_ =	sdelay $0x3  }
0x96: {  	_ =	strace s2  }
0x97: {  	_ =	strace $0x8FFFFFFF  }
0x98: {  	s20 =	sld [smem:$0x3FDB];
	_ =	sdelay $0x1  }
0x99: {  	s4 =	simm.s32 $_scs_section_size  }
0x9a: {  	s5 =	simm.s32 $_size__tile_overlayer_lowered;
	s6 =	simm.s32 $_tile_overlayer_lowered  }
0x9b: {  	s7 =	simm.s32 $0x1BFF;
	s21 =	sshll.u32 s6, $0x1;
	s4 =	sadd.s32 s4, s20  }
0x9c: {  	s22 =	simm.s32 $0x0;
	s5 =	sshll.u32 s5, $0x1;
	s6 =	sadd.s32 s21, s4  }
0x9d: {  	[timem:s22], [sflag:s7] =	dma.local [hbm:s6], s5  }
0x9e: {  	_ =	swait.ge [sflag:s7], s5  }
0x9f: {  	s5 =	ssub.s32 $0x0, s5;
	[sflag:s7] =	ssyncset.done $0x0  }
0xa0: {  	[sflag:s7] =	ssyncadd.s32 s5;
	_ =	sdelay $0x1  }
0xa1: {  	s23 =	simm.s32 $0x1B8B  }
0xa2: {  	_ =	swait.ge [sflag:s23], $0x1  }
0xa3: {  	[sflag:s23] =	ssyncset.done $0x0  }
0xa4: {  	[sflag:s23] =	ssyncadd.s32 $0xFFFFFFFF  }
0xa5: {  	s5 =	sld [smem:$0x0]  }
0xa6: {  	s6 =	sand.u32 $0xFFFFFFFE, s1  }
0xa7: {  	p0 =	sne.s32 s1, s6  }
0xa8: {  	s6 =	sshll.u32 @p0 s6, $0xE  }
0xa9: {  	s6 =	sadd.s32 @p0 $0x11B8D, s6;
	s7 =	sshll.u32 @p0 s5, $0x11  }
0xaa: {  	s6 =	sor.u32 @p0 s7, s6  }
0xab: {  	[sflag:s6] =	ssyncadd.remote.s32 @p0 $0x1;
	_ =	sdelay $0x1  }
0xac: {  	s6 =	simm.s32 @p0 $0x1B8D  }
0xad: {  	_ =	swait.eq @p0 [sflag:s6], $0x1  }
0xae: {  	[sflag:s6] =	ssyncadd.s32 @p0 $0xFFFFFFFF  }
0xaf: {  	s7 =	sshll.u32 @!p0 s1, $0xE  }
0xb0: {  	s7 =	sor.u32 @!p0 $0x4000, s7;
	s6 =	simm.s32 @!p0 $0x1B8D  }
0xb1: {  	s5 =	sshll.u32 @!p0 s5, $0x11;
	s7 =	sadd.s32 @!p0 $0x11B8D, s7;
	_ =	swait.eq @!p0 [sflag:s6], $0x1  }
0xb2: {  	s5 =	sor.u32 @!p0 s5, s7;
	[sflag:s6] =	ssyncadd.s32 @!p0 $0xFFFFFFFF  }
0xb3: {  	s25 =	simm.s32 $0x1B8E;
	s24 =	sld [smem:$0x3FFE];
	[sflag:s5] =	ssyncadd.remote.s32 @!p0 $0x1  }
0xb4: {  	s26 =	simm.s32 $execute0_lowered;
	[smem:$0x3FD2] =	sst s25  }
0xb5: {  	s6 =	sshll.u32 s26, $0x1;
	_ =	strace $0x80000049;
	[dreg:$0x1] =	wrdreg $0xFFFFFFFF  }
0xb6: {  	s28 =	simm.s32 $_size_execute0_lowered;
	s4 =	sadd.s32 s4, s6;
	[dreg:$0x0] =	wrdreg $0x0  }
0xb7: {  	s6 =	sshll.u32 s28, $0x1;
	[dreg:$0x2] =	wrdreg s4  }
0xb8: {  	[dreg:$0x3] =	wrdreg s6  }
0xb9: {  	[dreg:$0x4] =	wrdreg $0xC0  }
0xba: {  	_ =	task [dreg:s22], $0x5FFFF  }
0xbb: {  	[dreg:$0x1] =	wrdreg $0xFFFFFFFF  }
0xbc: {  	[dreg:$0x0] =	wrdreg $0x60  }
0xbd: {  	[dreg:$0x2] =	wrdreg s24  }
0xbe: {  	[dreg:$0x3] =	wrdreg s18  }
0xbf: {  	[dreg:$0x4] =	wrdreg $0xA  }
0xc0: {  	_ =	task.clear_ibuf [dreg:s22], $0x5FFFF;
	_ =	strace $0x90000049  }
0xc1: {  	s29 =	simm.s32 $0xA;
	_ =	strace $0x8000004B  }
0xc2: {  	_ =	swait.ge [sflag:s29], $0x1  }
0xc3: {  	[sflag:s29] =	ssyncadd.s32 $0xFFFFFFFF  }
0xc4: {  	_ =	strace $0x9000004B  }
0xc5: {  	_ =	sfence  }
0xc6: {  	s30 =	sld [smem:$0x0];
	_ =	sdelay $0x2  }
0xc7: {  	s31 =	sshll.u32 s1, $0xD;
	s1 =	sshrl.u32 s1, $0x2  }
0xc8: {  	s4 =	sand.u32 $0x4000, s31;
	s1 =	sadd.s32 s1, s30  }
0xc9: {  	s0 =	sor.u32 s4, s0;
	s1 =	sshll.u32 s1, $0x11  }
0xca: {  	s0 =	sor.u32 s1, s0  }
0xcb: {  	s0 =	sadd.s32 $0x8F2B, s0  }
0xcc: {  	[sflag:s0] =	ssyncadd.remote.s32 $0x1  }
0xcd: {  	_ =	sfence.sel $0xFFFF  }
0xce: {  	[dreg:$0x0] =	wrdreg $0xFFFFFFFF;
	(pc) =	sbr.abs _section_cstart, $3  }
0xcf: {  	[dreg:$0x1] =	wrdreg $0xFFFFFFFF  }
0xd0: {  	_ =	task.clear_ibuf [dreg:s22], $0x2FFFF;
	_ =	strace $0x9FFFFFFF  }
0xd1: {  	(tm) =	ssettm $0x7FFFFFFF  }
tec
execute0_lowered:
.L_overlay_start_1:
0x0: {  	(tag) =	ssettag $0x1  }
0x1: {  	s1 =	srdreg.scid;
	s0 =	stileid.u32  }
0x2: {  	s3 =	rddreg [dreg:$0x0];
	s1 =	sand.u32 $0x1, s1;
	s2 =	sshll.u32 s0, $0x1  }
0x3: {  	s5 =	rddreg [dreg:$0x1];
	s4 =	sor.u32 s1, s2;
	s2 =	simm.s32 $0x0  }
0x4: {  	s15 =	simm.s32 $0xA00;
	[smem:$0x7FF] =	sst s2  }
0x5: {  	s16 =	simm.s32 $0x1200;
	_ =	strace $0x8000004A;
	[dreg:$0x8] =	wrdreg s15  }
0x6: {  	s17 =	simm.s32 $0x1A00;
	[dreg:$0x9] =	wrdreg s16  }
0x7: {  	s18 =	simm.s32 $0x2200;
	[dreg:$0xa] =	wrdreg s17  }
0x8: {  	s19 =	simm.s32 $0x2A00;
	[dreg:$0xb] =	wrdreg s18  }
0x9: {  	s20 =	simm.s32 $0x3200;
	[dreg:$0xc] =	wrdreg s19  }
0xa: {  	s21 =	simm.s32 $0x3A00;
	[dreg:$0xd] =	wrdreg s20  }
0xb: {  	s22 =	simm.s32 $0x4200;
	[dreg:$0xe] =	wrdreg s21  }
0xc: {  	s23 =	simm.s32 $0x4A00;
	[dreg:$0xf] =	wrdreg s22  }
0xd: {  	s24 =	simm.s32 $0x5200;
	[dreg:$0x10] =	wrdreg s23  }
0xe: {  	s25 =	simm.s32 $0x5A00;
	[dreg:$0x11] =	wrdreg s24  }
0xf: {  	s26 =	simm.s32 $0x6200;
	s8 =	simm.s32 $0x9200;
	[dreg:$0x12] =	wrdreg s25  }
0x10: {  	s9 =	simm.s32 $0x9A00;
	s0 =	simm.s32 $0x7200;
	[dreg:$0x13] =	wrdreg s26  }
0x11: {  	s28 =	simm.s32 $0x4;
	s29 =	simm.s32 $0x5;
	[dreg:$0x14] =	wrdreg s0  }
0x12: {  	s30 =	simm.s32 $0x6;
	s31 =	simm.s32 $0x7;
	[dreg:$0x18] =	wrdreg s8  }
0x13: {  	s10 =	sadd.s32 $0x9E00, s3;
	[dreg:$0x19] =	wrdreg s9;
	s15 =	simm.s32 $0xCA00  }
0x14: {  	s3 =	sadd.s32 $0x2000, s3;
	s16 =	simm.s32 $0xDA00;
	[dreg:$0x1f] =	wrdreg s15  }
0x15: {  	s1 =	ssub.s32 $0x2, s1;
	s17 =	simm.s32 $0xE200;
	[smem:$0x7F4] =	sst s16  }
0x16: {  	s6 =	smul.u32 $0x1A0, s4;
	s18 =	simm.s32 $0xEA00;
	[smem:$0x7F5] =	sst s17  }
0x17: {  	s7 =	smul.u32 $0x1A000, s4;
	s20 =	simm.s32 $0xF200;
	[smem:$0x7F6] =	sst s18  }
0x18: {  	s4 =	smul.u32 $0x3400, s4;
	s21 =	simm.s32 $0xFA00;
	[smem:$0x7F7] =	sst s20  }
0x19: {  	s19 =	sshrl.u32 s1, $0x1;
	s22 =	simm.s32 $0x10200;
	[smem:$0x7F8] =	sst s21  }
0x1a: {  	s23 =	simm.s32 $0x10A00;
	s24 =	simm.s32 $0x11200;
	[smem:$0x7F9] =	sst s22  }
0x1b: {  	s25 =	simm.s32 $0x11A00;
	s8 =	simm.s32 $0xD200;
	[smem:$0x7FA] =	sst s23  }
0x1c: {  	s26 =	simm.s32 $0x12200;
	s6 =	sshrl.u32 s6, $0x3;
	[smem:$0x7FB] =	sst s24  }
0x1d: {  	s7 =	sshrl.u32 s7, $0x3;
	s4 =	sadd.s32 s10, s4;
	[smem:$0x7FC] =	sst s25  }
0x1e: {  	s1 =	ssub.s32 s1, s19;
	[smem:$0x7FD] =	sst s26;
	s15 =	simm.s32 $0x15A00  }
0x1f: {  	s16 =	simm.s32 $0x16200;
	s17 =	simm.s32 $0x16A00;
	s18 =	simm.s32 $0x17200  }
0x20: {  	s19 =	simm.s32 $0x17A00;
	s20 =	simm.s32 $0x18200;
	s21 =	simm.s32 $0x18A00  }
0x21: {  	s5 =	sadd.s32 s5, s6;
	[dreg:$0x4] =	wrdreg s4;
	s6 =	simm.s32 $0x8200  }
0x22: {  	s11 =	sadd.s32 s10, s7;
	s7 =	simm.s32 $0x8A00;
	[dreg:$0x16] =	wrdreg s6  }
0x23: {  	s22 =	simm.s32 $0x19200;
	s10 =	simm.s32 $0xA200;
	[dreg:$0x17] =	wrdreg s7  }
0x24: {  	s23 =	simm.s32 $0x19A00;
	s5 =	sadd.s32 $0x600, s5;
	[dreg:$0x1a] =	wrdreg s10  }
0x25: {  	s24 =	simm.s32 $0x1;
	s12 =	sadd.s32 $0xD00, s11;
	[dreg:$0x3] =	wrdreg s5  }
0x26: {  	s25 =	simm.s32 $0x2;
	s13 =	sadd.s32 $0x1A00, s11;
	[dreg:$0x5] =	wrdreg s12  }
0x27: {  	s26 =	simm.s32 $0x3;
	s14 =	sadd.s32 $0x2700, s11;
	[dreg:$0x6] =	wrdreg s13  }
0x28: {  	s4 =	smax.u32 s1, $0x1;
	s11 =	simm.s32 $0xAA00;
	[dreg:$0x7] =	wrdreg s14  }
0x29: {  	s1 =	simm.s32 $0x8;
	s5 =	simm.s32 $0x7A00;
	[dreg:$0x1b] =	wrdreg s11  }
0x2a: {  	s6 =	simm.s32 $0x200;
	s12 =	simm.s32 $0xB200;
	[dreg:$0x15] =	wrdreg s5  }
0x2b: {  	s7 =	simm.s32 $0x6A00;
	s13 =	simm.s32 $0xBA00;
	[dreg:$0x1c] =	wrdreg s12  }
0x2c: {  	v2 =	vlaneseq.u32;
	s10 =	simm.s32 $0x13200;
	s14 =	simm.s32 $0xC200;
	[dreg:$0x1d] =	wrdreg s13  }
0x2d: {  	vm0 =	vmmov $0xffff;
	v1 =	vshrl.u32 v2, $0x3;
	s11 =	simm.s32 $0x13A00;
	[dreg:$0x1e] =	wrdreg s14;
	s5 =	simm.s32 $0x9  }
0x2e: {  	v0 =	vand.u32 $0x7, v2;
	v2 =	vor.u32 $0x8, v2;
	v1 =	vmul.u32 $0x8, v1;
	s12 =	simm.s32 $0x14200;
	s13 =	simm.s32 $0x14A00;
	s14 =	simm.s32 $0x15200  }
.LBB2_1:
0x2f: {  	s0 =	rddreg [dreg:$0x3]  }
0x30: {  	[tilespmem:s2], [sflag:$0x9] =	stream.linear.gather [hbm4b:s0+s2], $0x1A0, $0x38;
	[tilespmem:$0x1A200] =	vst v63  }
0x31: {  	_ =	swait.ge [sflag:s5], $0x1A0  }
0x32: {  	[sflag:s5] =	ssyncset.done $0x0  }
0x33: {  	[sflag:s5] =	ssyncadd.s32 $0xFFFFFE60  }
0x34: {  	v3 =	vld [tilespmem:$0x0];
	_ =	sdelay $0x4  }
0x35: {  	v4 =	vshll.u32 v3, $0x1  }
0x36: {  	v3 =	vand.u32 $0x7, v3;
	v4 =	vand.u32 $0xFFFFFFF0, v4  }
0x37: {  	v3 =	vor.u32 v3, v4  }
0x38: {  	v4 =	vperm.xlane v3, v0;
	_ =	sdelay $0x1  }
0x39: {  	v3 =	vperm.xlane v3, v2;
	v4 =	vadd.s32 v1, v4;
	_ =	sdelay $0x1  }
0x3a: {  	v3 =	vadd.s32 v1, v3;
	_ =	sdelay $0x2  }
0x3b: {  	[tilespmem:s6], [sflag:$0x1] =	stream.indirect_vreg.gather [hbm4b:s3+s2], $0x80, v4, vm0, $0xb8;
	[tilespmem:$0x1A200] =	vst v63  }
0x3c: {  	s9 =	rddreg [dreg:$0x8]  }
0x3d: {  	[tilespmem:s9], [sflag:$0x1] =	stream.indirect_vreg.gather [hbm4b:s3+s2], $0x80, v3, vm0, $0xb8;
	[tilespmem:$0x1A200] =	vst v63  }
0x3e: {  	v3 =	vld [tilespmem:$0x10];
	_ =	sdelay $0x4  }
0x3f: {  	v37 =	vshll.u32 v3, $0x1  }
0x40: {  	v3 =	vand.u32 $0x7, v3;
	v4 =	vand.u32 $0xFFFFFFF0, v37  }
0x41: {  	v3 =	vor.u32 v3, v4  }
0x42: {  	v4 =	vperm.xlane v3, v0;
	_ =	sdelay $0x1  }
0x43: {  	v3 =	vperm.xlane v3, v2;
	v4 =	vadd.s32 v1, v4;
	_ =	sdelay $0x1  }
0x44: {  	v3 =	vadd.s32 v1, v3;
	_ =	sdelay $0x1  }
0x45: {  	s0 =	rddreg [dreg:$0x9]  }
0x46: {  	[tilespmem:s0], [sflag:$0x1] =	stream.indirect_vreg.gather [hbm4b:s3+s2], $0x80, v4, vm0, $0xb8;
	[tilespmem:$0x1A200] =	vst v63  }
0x47: {  	s9 =	rddreg [dreg:$0xa]  }
0x48: {  	[tilespmem:s9], [sflag:$0x1] =	stream.indirect_vreg.gather [hbm4b:s3+s2], $0x80, v3, vm0, $0xb8;
	[tilespmem:$0x1A200] =	vst v63  }
0x49: {  	v3 =	vld [tilespmem:$0x20];
	_ =	sdelay $0x4  }
0x4a: {  	v38 =	vshll.u32 v3, $0x1  }
0x4b: {  	v3 =	vand.u32 $0x7, v3;
	v4 =	vand.u32 $0xFFFFFFF0, v38  }
0x4c: {  	v3 =	vor.u32 v3, v4  }
0x4d: {  	v4 =	vperm.xlane v3, v0;
	_ =	sdelay $0x1  }
0x4e: {  	v3 =	vperm.xlane v3, v2;
	v4 =	vadd.s32 v1, v4;
	_ =	sdelay $0x1  }
0x4f: {  	v3 =	vadd.s32 v1, v3;
	_ =	sdelay $0x1  }
0x50: {  	s0 =	rddreg [dreg:$0xb]  }
0x51: {  	[tilespmem:s0], [sflag:$0x1] =	stream.indirect_vreg.gather [hbm4b:s3+s2], $0x80, v4, vm0, $0xb8;
	[tilespmem:$0x1A200] =	vst v63  }
0x52: {  	s9 =	rddreg [dreg:$0xc]  }
0x53: {  	[tilespmem:s9], [sflag:$0x1] =	stream.indirect_vreg.gather [hbm4b:s3+s2], $0x80, v3, vm0, $0xb8;
	[tilespmem:$0x1A200] =	vst v63  }
0x54: {  	v3 =	vld [tilespmem:$0x30];
	_ =	sdelay $0x4  }
0x55: {  	v39 =	vshll.u32 v3, $0x1  }
0x56: {  	v3 =	vand.u32 $0x7, v3;
	v4 =	vand.u32 $0xFFFFFFF0, v39  }
0x57: {  	v3 =	vor.u32 v3, v4  }
0x58: {  	v4 =	vperm.xlane v3, v0;
	_ =	sdelay $0x1  }
0x59: {  	v3 =	vperm.xlane v3, v2;
	v4 =	vadd.s32 v1, v4;
	_ =	sdelay $0x1  }
0x5a: {  	v3 =	vadd.s32 v1, v3;
	_ =	sdelay $0x1  }
0x5b: {  	s0 =	rddreg [dreg:$0xd]  }
0x5c: {  	[tilespmem:s0], [sflag:$0x1] =	stream.indirect_vreg.gather [hbm4b:s3+s2], $0x80, v4, vm0, $0xb8;
	[tilespmem:$0x1A200] =	vst v63  }
0x5d: {  	s9 =	rddreg [dreg:$0xe]  }
0x5e: {  	[tilespmem:s9], [sflag:$0x1] =	stream.indirect_vreg.gather [hbm4b:s3+s2], $0x80, v3, vm0, $0xb8;
	[tilespmem:$0x1A200] =	vst v63  }
0x5f: {  	v3 =	vld [tilespmem:$0x40];
	_ =	sdelay $0x4  }
0x60: {  	v40 =	vshll.u32 v3, $0x1  }
0x61: {  	v3 =	vand.u32 $0x7, v3;
	v4 =	vand.u32 $0xFFFFFFF0, v40  }
0x62: {  	v3 =	vor.u32 v3, v4  }
0x63: {  	v4 =	vperm.xlane v3, v0;
	_ =	sdelay $0x1  }
0x64: {  	v3 =	vperm.xlane v3, v2;
	v4 =	vadd.s32 v1, v4;
	_ =	sdelay $0x1  }
0x65: {  	v3 =	vadd.s32 v1, v3;
	_ =	sdelay $0x1  }
0x66: {  	s0 =	rddreg [dreg:$0xf]  }
0x67: {  	[tilespmem:s0], [sflag:$0x1] =	stream.indirect_vreg.gather [hbm4b:s3+s2], $0x80, v4, vm0, $0xb8;
	[tilespmem:$0x1A200] =	vst v63  }
0x68: {  	s9 =	rddreg [dreg:$0x10]  }
0x69: {  	[tilespmem:s9], [sflag:$0x1] =	stream.indirect_vreg.gather [hbm4b:s3+s2], $0x80, v3, vm0, $0xb8;
	[tilespmem:$0x1A200] =	vst v63  }
0x6a: {  	v3 =	vld [tilespmem:$0x50];
	_ =	sdelay $0x4  }
0x6b: {  	v41 =	vshll.u32 v3, $0x1  }
0x6c: {  	v3 =	vand.u32 $0x7, v3;
	v4 =	vand.u32 $0xFFFFFFF0, v41  }
0x6d: {  	v3 =	vor.u32 v3, v4  }
0x6e: {  	v4 =	vperm.xlane v3, v0;
	_ =	sdelay $0x1  }
0x6f: {  	v3 =	vperm.xlane v3, v2;
	v4 =	vadd.s32 v1, v4;
	_ =	sdelay $0x1  }
0x70: {  	v3 =	vadd.s32 v1, v3;
	_ =	sdelay $0x1  }
0x71: {  	s0 =	rddreg [dreg:$0x11]  }
0x72: {  	[tilespmem:s0], [sflag:$0x1] =	stream.indirect_vreg.gather [hbm4b:s3+s2], $0x80, v4, vm0, $0xb8;
	[tilespmem:$0x1A200] =	vst v63  }
0x73: {  	s9 =	rddreg [dreg:$0x12]  }
0x74: {  	[tilespmem:s9], [sflag:$0x1] =	stream.indirect_vreg.gather [hbm4b:s3+s2], $0x80, v3, vm0, $0xb8;
	[tilespmem:$0x1A200] =	vst v63  }
0x75: {  	v3 =	vld.msk [tilespmem:$0x60], $0xff;
	_ =	sdelay $0x4  }
0x76: {  	v42 =	vshll.u32 v3, $0x1  }
0x77: {  	v3 =	vand.u32 $0x7, v3;
	v4 =	vand.u32 $0xFFFFFFF0, v42  }
0x78: {  	v3 =	vor.u32 v3, v4  }
0x79: {  	v3 =	vperm.xlane v3, v0;
	_ =	sdelay $0x1  }
0x7a: {  	v3 =	vadd.s32 v1, v3;
	_ =	sdelay $0x3  }
0x7b: {  	s9 =	rddreg [dreg:$0x13]  }
0x7c: {  	[tilespmem:s9], [sflag:$0x1] =	stream.indirect_vreg.gather [hbm4b:s3+s2], $0x80, v3, vm0, $0xb8;
	[tilespmem:$0x1A200] =	vst v63  }
0x7d: {  	v3 =	vld [tilespmem:$0x68];
	_ =	sdelay $0x4  }
0x7e: {  	v43 =	vshll.u32 v3, $0x1  }
0x7f: {  	v3 =	vand.u32 $0x7, v3;
	v4 =	vand.u32 $0xFFFFFFF0, v43  }
0x80: {  	v3 =	vor.u32 v3, v4  }
0x81: {  	v4 =	vperm.xlane v3, v0;
	_ =	sdelay $0x1  }
0x82: {  	v3 =	vperm.xlane v3, v2;
	v4 =	vadd.s32 v1, v4;
	_ =	sdelay $0x1  }
0x83: {  	v3 =	vadd.s32 v1, v3;
	_ =	sdelay $0x2  }
0x84: {  	[tilespmem:s7], [sflag:$0x2] =	stream.indirect_vreg.gather [hbm4b:s3+s2], $0x80, v4, vm0, $0xb8;
	[tilespmem:$0x1A200] =	vst v63  }
0x85: {  	s9 =	rddreg [dreg:$0x14]  }
0x86: {  	[tilespmem:s9], [sflag:$0x2] =	stream.indirect_vreg.gather [hbm4b:s3+s2], $0x80, v3, vm0, $0xb8;
	[tilespmem:$0x1A200] =	vst v63  }
0x87: {  	v3 =	vld [tilespmem:$0x78];
	_ =	sdelay $0x4  }
0x88: {  	v44 =	vshll.u32 v3, $0x1  }
0x89: {  	v3 =	vand.u32 $0x7, v3;
	v4 =	vand.u32 $0xFFFFFFF0, v44  }
0x8a: {  	v3 =	vor.u32 v3, v4  }
0x8b: {  	v4 =	vperm.xlane v3, v0;
	_ =	sdelay $0x1  }
0x8c: {  	v3 =	vperm.xlane v3, v2;
	v4 =	vadd.s32 v1, v4;
	_ =	sdelay $0x1  }
0x8d: {  	v3 =	vadd.s32 v1, v3;
	_ =	sdelay $0x1  }
0x8e: {  	s0 =	rddreg [dreg:$0x15]  }
0x8f: {  	[tilespmem:s0], [sflag:$0x2] =	stream.indirect_vreg.gather [hbm4b:s3+s2], $0x80, v4, vm0, $0xb8;
	[tilespmem:$0x1A200] =	vst v63  }
0x90: {  	s9 =	rddreg [dreg:$0x16]  }
0x91: {  	[tilespmem:s9], [sflag:$0x2] =	stream.indirect_vreg.gather [hbm4b:s3+s2], $0x80, v3, vm0, $0xb8;
	[tilespmem:$0x1A200] =	vst v63  }
0x92: {  	v3 =	vld [tilespmem:$0x88];
	_ =	sdelay $0x4  }
0x93: {  	v45 =	vshll.u32 v3, $0x1  }
0x94: {  	v3 =	vand.u32 $0x7, v3;
	v4 =	vand.u32 $0xFFFFFFF0, v45  }
0x95: {  	v3 =	vor.u32 v3, v4  }
0x96: {  	v4 =	vperm.xlane v3, v0;
	_ =	sdelay $0x1  }
0x97: {  	v3 =	vperm.xlane v3, v2;
	v4 =	vadd.s32 v1, v4;
	_ =	sdelay $0x1  }
0x98: {  	v3 =	vadd.s32 v1, v3;
	_ =	sdelay $0x1  }
0x99: {  	s0 =	rddreg [dreg:$0x17]  }
0x9a: {  	[tilespmem:s0], [sflag:$0x2] =	stream.indirect_vreg.gather [hbm4b:s3+s2], $0x80, v4, vm0, $0xb8;
	[tilespmem:$0x1A200] =	vst v63  }
0x9b: {  	s9 =	rddreg [dreg:$0x18]  }
0x9c: {  	[tilespmem:s9], [sflag:$0x2] =	stream.indirect_vreg.gather [hbm4b:s3+s2], $0x80, v3, vm0, $0xb8;
	[tilespmem:$0x1A200] =	vst v63  }
0x9d: {  	v3 =	vld [tilespmem:$0x98];
	_ =	sdelay $0x4  }
0x9e: {  	v46 =	vshll.u32 v3, $0x1  }
0x9f: {  	v3 =	vand.u32 $0x7, v3;
	v4 =	vand.u32 $0xFFFFFFF0, v46  }
0xa0: {  	v3 =	vor.u32 v3, v4  }
0xa1: {  	v4 =	vperm.xlane v3, v0;
	_ =	sdelay $0x1  }
0xa2: {  	v3 =	vperm.xlane v3, v2;
	v4 =	vadd.s32 v1, v4;
	_ =	sdelay $0x1  }
0xa3: {  	v3 =	vadd.s32 v1, v3;
	_ =	sdelay $0x1  }
0xa4: {  	s0 =	rddreg [dreg:$0x19]  }
0xa5: {  	[tilespmem:s0], [sflag:$0x2] =	stream.indirect_vreg.gather [hbm4b:s3+s2], $0x80, v4, vm0, $0xb8;
	[tilespmem:$0x1A200] =	vst v63  }
0xa6: {  	s9 =	rddreg [dreg:$0x1a]  }
0xa7: {  	[tilespmem:s9], [sflag:$0x2] =	stream.indirect_vreg.gather [hbm4b:s3+s2], $0x80, v3, vm0, $0xb8;
	[tilespmem:$0x1A200] =	vst v63  }
0xa8: {  	v3 =	vld [tilespmem:$0xA8];
	_ =	sdelay $0x4  }
0xa9: {  	v47 =	vshll.u32 v3, $0x1  }
0xaa: {  	v3 =	vand.u32 $0x7, v3;
	v4 =	vand.u32 $0xFFFFFFF0, v47  }
0xab: {  	v3 =	vor.u32 v3, v4  }
0xac: {  	v4 =	vperm.xlane v3, v0;
	_ =	sdelay $0x1  }
0xad: {  	v3 =	vperm.xlane v3, v2;
	v4 =	vadd.s32 v1, v4;
	_ =	sdelay $0x1  }
0xae: {  	v3 =	vadd.s32 v1, v3;
	_ =	sdelay $0x1  }
0xaf: {  	s0 =	rddreg [dreg:$0x1b]  }
0xb0: {  	[tilespmem:s0], [sflag:$0x2] =	stream.indirect_vreg.gather [hbm4b:s3+s2], $0x80, v4, vm0, $0xb8;
	[tilespmem:$0x1A200] =	vst v63  }
0xb1: {  	s9 =	rddreg [dreg:$0x1c]  }
0xb2: {  	[tilespmem:s9], [sflag:$0x2] =	stream.indirect_vreg.gather [hbm4b:s3+s2], $0x80, v3, vm0, $0xb8;
	[tilespmem:$0x1A200] =	vst v63  }
0xb3: {  	v3 =	vld [tilespmem:$0xB8];
	_ =	sdelay $0x4  }
0xb4: {  	v48 =	vshll.u32 v3, $0x1  }
0xb5: {  	v3 =	vand.u32 $0x7, v3;
	v4 =	vand.u32 $0xFFFFFFF0, v48  }
0xb6: {  	v3 =	vor.u32 v3, v4  }
0xb7: {  	v4 =	vperm.xlane v3, v0;
	_ =	sdelay $0x1  }
0xb8: {  	v3 =	vperm.xlane v3, v2;
	v4 =	vadd.s32 v1, v4;
	_ =	sdelay $0x1  }
0xb9: {  	v3 =	vadd.s32 v1, v3;
	_ =	sdelay $0x1  }
0xba: {  	s0 =	rddreg [dreg:$0x1d]  }
0xbb: {  	[tilespmem:s0], [sflag:$0x2] =	stream.indirect_vreg.gather [hbm4b:s3+s2], $0x80, v4, vm0, $0xb8;
	[tilespmem:$0x1A200] =	vst v63  }
0xbc: {  	s9 =	rddreg [dreg:$0x1e]  }
0xbd: {  	[tilespmem:s9], [sflag:$0x2] =	stream.indirect_vreg.gather [hbm4b:s3+s2], $0x80, v3, vm0, $0xb8;
	[tilespmem:$0x1A200] =	vst v63  }
0xbe: {  	v3 =	vld.msk [tilespmem:$0xC8], $0xff;
	_ =	sdelay $0x4  }
0xbf: {  	v49 =	vshll.u32 v3, $0x1  }
0xc0: {  	v3 =	vand.u32 $0x7, v3;
	v4 =	vand.u32 $0xFFFFFFF0, v49  }
0xc1: {  	v3 =	vor.u32 v3, v4  }
0xc2: {  	v3 =	vperm.xlane v3, v0;
	_ =	sdelay $0x1  }
0xc3: {  	v3 =	vadd.s32 v1, v3;
	_ =	sdelay $0x3  }
0xc4: {  	s9 =	rddreg [dreg:$0x1f]  }
0xc5: {  	[tilespmem:s9], [sflag:$0x2] =	stream.indirect_vreg.gather [hbm4b:s3+s2], $0x80, v3, vm0, $0xb8;
	[tilespmem:$0x1A200] =	vst v63  }
0xc6: {  	v3 =	vld [tilespmem:$0xD0];
	_ =	sdelay $0x4  }
0xc7: {  	v50 =	vshll.u32 v3, $0x1  }
0xc8: {  	v3 =	vand.u32 $0x7, v3;
	v4 =	vand.u32 $0xFFFFFFF0, v50  }
0xc9: {  	v3 =	vor.u32 v3, v4  }
0xca: {  	v4 =	vperm.xlane v3, v0;
	_ =	sdelay $0x1  }
0xcb: {  	v3 =	vperm.xlane v3, v2;
	v4 =	vadd.s32 v1, v4;
	_ =	sdelay $0x1  }
0xcc: {  	v3 =	vadd.s32 v1, v3;
	_ =	sdelay $0x1  }
0xcd: {  	s9 =	sld [smem:$0x7F4]  }
0xce: {  	[tilespmem:s8], [sflag:$0x3] =	stream.indirect_vreg.gather [hbm4b:s3+s2], $0x80, v4, vm0, $0xb8;
	[tilespmem:$0x1A200] =	vst v63  }
0xcf: {  	_ = 	snop  }
0xd0: {  	[tilespmem:s9], [sflag:$0x3] =	stream.indirect_vreg.gather [hbm4b:s3+s2], $0x80, v3, vm0, $0xb8;
	[tilespmem:$0x1A200] =	vst v63  }
0xd1: {  	v3 =	vld [tilespmem:$0xE0];
	_ =	sdelay $0x4  }
0xd2: {  	v51 =	vshll.u32 v3, $0x1  }
0xd3: {  	v3 =	vand.u32 $0x7, v3;
	v4 =	vand.u32 $0xFFFFFFF0, v51  }
0xd4: {  	v3 =	vor.u32 v3, v4  }
0xd5: {  	v4 =	vperm.xlane v3, v0;
	_ =	sdelay $0x1  }
0xd6: {  	v3 =	vperm.xlane v3, v2;
	v4 =	vadd.s32 v1, v4;
	_ =	sdelay $0x1  }
0xd7: {  	s0 =	sld [smem:$0x7F5];
	v3 =	vadd.s32 v1, v3;
	_ =	sdelay $0x1  }
0xd8: {  	s9 =	sld [smem:$0x7F6]  }
0xd9: {  	[tilespmem:s0], [sflag:$0x3] =	stream.indirect_vreg.gather [hbm4b:s3+s2], $0x80, v4, vm0, $0xb8;
	[tilespmem:$0x1A200] =	vst v63  }
0xda: {  	_ = 	snop  }
0xdb: {  	[tilespmem:s9], [sflag:$0x3] =	stream.indirect_vreg.gather [hbm4b:s3+s2], $0x80, v3, vm0, $0xb8;
	[tilespmem:$0x1A200] =	vst v63  }
0xdc: {  	v3 =	vld [tilespmem:$0xF0];
	_ =	sdelay $0x4  }
0xdd: {  	v52 =	vshll.u32 v3, $0x1  }
0xde: {  	v3 =	vand.u32 $0x7, v3;
	v4 =	vand.u32 $0xFFFFFFF0, v52  }
0xdf: {  	v3 =	vor.u32 v3, v4  }
0xe0: {  	v4 =	vperm.xlane v3, v0;
	_ =	sdelay $0x1  }
0xe1: {  	v3 =	vperm.xlane v3, v2;
	v4 =	vadd.s32 v1, v4;
	_ =	sdelay $0x1  }
0xe2: {  	s0 =	sld [smem:$0x7F7];
	v3 =	vadd.s32 v1, v3;
	_ =	sdelay $0x1  }
0xe3: {  	s9 =	sld [smem:$0x7F8]  }
0xe4: {  	[tilespmem:s0], [sflag:$0x3] =	stream.indirect_vreg.gather [hbm4b:s3+s2], $0x80, v4, vm0, $0xb8;
	[tilespmem:$0x1A200] =	vst v63  }
0xe5: {  	_ = 	snop  }
0xe6: {  	[tilespmem:s9], [sflag:$0x3] =	stream.indirect_vreg.gather [hbm4b:s3+s2], $0x80, v3, vm0, $0xb8;
	[tilespmem:$0x1A200] =	vst v63  }
0xe7: {  	v3 =	vld [tilespmem:$0x100];
	_ =	sdelay $0x4  }
0xe8: {  	v53 =	vshll.u32 v3, $0x1  }
0xe9: {  	v3 =	vand.u32 $0x7, v3;
	v4 =	vand.u32 $0xFFFFFFF0, v53  }
0xea: {  	v3 =	vor.u32 v3, v4  }
0xeb: {  	v4 =	vperm.xlane v3, v0;
	_ =	sdelay $0x1  }
0xec: {  	v3 =	vperm.xlane v3, v2;
	v4 =	vadd.s32 v1, v4;
	_ =	sdelay $0x1  }
0xed: {  	s0 =	sld [smem:$0x7F9];
	v3 =	vadd.s32 v1, v3;
	_ =	sdelay $0x1  }
0xee: {  	s9 =	sld [smem:$0x7FA]  }
0xef: {  	[tilespmem:s0], [sflag:$0x3] =	stream.indirect_vreg.gather [hbm4b:s3+s2], $0x80, v4, vm0, $0xb8;
	[tilespmem:$0x1A200] =	vst v63  }
0xf0: {  	_ = 	snop  }
0xf1: {  	[tilespmem:s9], [sflag:$0x3] =	stream.indirect_vreg.gather [hbm4b:s3+s2], $0x80, v3, vm0, $0xb8;
	[tilespmem:$0x1A200] =	vst v63  }
0xf2: {  	v3 =	vld [tilespmem:$0x110];
	_ =	sdelay $0x4  }
0xf3: {  	v54 =	vshll.u32 v3, $0x1  }
0xf4: {  	v3 =	vand.u32 $0x7, v3;
	v4 =	vand.u32 $0xFFFFFFF0, v54  }
0xf5: {  	v3 =	vor.u32 v3, v4  }
0xf6: {  	v4 =	vperm.xlane v3, v0;
	_ =	sdelay $0x1  }
0xf7: {  	v3 =	vperm.xlane v3, v2;
	v4 =	vadd.s32 v1, v4;
	_ =	sdelay $0x1  }
0xf8: {  	s0 =	sld [smem:$0x7FB];
	v3 =	vadd.s32 v1, v3;
	_ =	sdelay $0x1  }
0xf9: {  	s9 =	sld [smem:$0x7FC]  }
0xfa: {  	[tilespmem:s0], [sflag:$0x3] =	stream.indirect_vreg.gather [hbm4b:s3+s2], $0x80, v4, vm0, $0xb8;
	[tilespmem:$0x1A200] =	vst v63  }
0xfb: {  	_ = 	snop  }
0xfc: {  	[tilespmem:s9], [sflag:$0x3] =	stream.indirect_vreg.gather [hbm4b:s3+s2], $0x80, v3, vm0, $0xb8;
	[tilespmem:$0x1A200] =	vst v63  }
0xfd: {  	v3 =	vld [tilespmem:$0x120];
	_ =	sdelay $0x4  }
0xfe: {  	v55 =	vshll.u32 v3, $0x1  }
0xff: {  	v3 =	vand.u32 $0x7, v3;
	v4 =	vand.u32 $0xFFFFFFF0, v55  }
0x100: {  	v3 =	vor.u32 v3, v4  }
0x101: {  	v4 =	vperm.xlane v3, v0;
	_ =	sdelay $0x1  }
0x102: {  	v3 =	vperm.xlane v3, v2;
	v4 =	vadd.s32 v1, v4;
	_ =	sdelay $0x1  }
0x103: {  	s9 =	sld [smem:$0x7FD];
	v3 =	vadd.s32 v1, v3;
	_ =	sdelay $0x2  }
0x104: {  	[tilespmem:s9], [sflag:$0x3] =	stream.indirect_vreg.gather [hbm4b:s3+s2], $0x80, v4, vm0, $0xb8;
	[tilespmem:$0x1A200] =	vst v63  }
0x105: {  	s9 =	simm.s32 $0x12A00  }
0x106: {  	[tilespmem:s9], [sflag:$0x3] =	stream.indirect_vreg.gather [hbm4b:s3+s2], $0x80, v3, vm0, $0xb8;
	[tilespmem:$0x1A200] =	vst v63  }
0x107: {  	v3 =	vld.msk [tilespmem:$0x130], $0xff;
	_ =	sdelay $0x4  }
0x108: {  	v56 =	vshll.u32 v3, $0x1  }
0x109: {  	v3 =	vand.u32 $0x7, v3;
	v4 =	vand.u32 $0xFFFFFFF0, v56  }
0x10a: {  	v3 =	vor.u32 v3, v4  }
0x10b: {  	v3 =	vperm.xlane v3, v0;
	_ =	sdelay $0x1  }
0x10c: {  	v3 =	vadd.s32 v1, v3;
	_ =	sdelay $0x4  }
0x10d: {  	[tilespmem:s10], [sflag:$0x3] =	stream.indirect_vreg.gather [hbm4b:s3+s2], $0x80, v3, vm0, $0xb8;
	[tilespmem:$0x1A200] =	vst v63  }
0x10e: {  	v3 =	vld [tilespmem:$0x138];
	_ =	sdelay $0x4  }
0x10f: {  	v57 =	vshll.u32 v3, $0x1  }
0x110: {  	v3 =	vand.u32 $0x7, v3;
	v4 =	vand.u32 $0xFFFFFFF0, v57  }
0x111: {  	v3 =	vor.u32 v3, v4  }
0x112: {  	v4 =	vperm.xlane v3, v0;
	_ =	sdelay $0x1  }
0x113: {  	v3 =	vperm.xlane v3, v2;
	v4 =	vadd.s32 v1, v4;
	_ =	sdelay $0x1  }
0x114: {  	v3 =	vadd.s32 v1, v3;
	_ =	sdelay $0x2  }
0x115: {  	[tilespmem:s11], [sflag:$0x4] =	stream.indirect_vreg.gather [hbm4b:s3+s2], $0x80, v4, vm0, $0xb8;
	[tilespmem:$0x1A200] =	vst v63  }
0x116: {  	_ = 	snop  }
0x117: {  	[tilespmem:s12], [sflag:$0x4] =	stream.indirect_vreg.gather [hbm4b:s3+s2], $0x80, v3, vm0, $0xb8;
	[tilespmem:$0x1A200] =	vst v63  }
0x118: {  	v3 =	vld [tilespmem:$0x148];
	_ =	sdelay $0x4  }
0x119: {  	v58 =	vshll.u32 v3, $0x1  }
0x11a: {  	v3 =	vand.u32 $0x7, v3;
	v4 =	vand.u32 $0xFFFFFFF0, v58  }
0x11b: {  	v3 =	vor.u32 v3, v4  }
0x11c: {  	v4 =	vperm.xlane v3, v0;
	_ =	sdelay $0x1  }
0x11d: {  	v3 =	vperm.xlane v3, v2;
	v4 =	vadd.s32 v1, v4;
	_ =	sdelay $0x1  }
0x11e: {  	v3 =	vadd.s32 v1, v3;
	_ =	sdelay $0x2  }
0x11f: {  	[tilespmem:s13], [sflag:$0x4] =	stream.indirect_vreg.gather [hbm4b:s3+s2], $0x80, v4, vm0, $0xb8;
	[tilespmem:$0x1A200] =	vst v63  }
0x120: {  	_ = 	snop  }
0x121: {  	[tilespmem:s14], [sflag:$0x4] =	stream.indirect_vreg.gather [hbm4b:s3+s2], $0x80, v3, vm0, $0xb8;
	[tilespmem:$0x1A200] =	vst v63  }
0x122: {  	v3 =	vld [tilespmem:$0x158];
	_ =	sdelay $0x4  }
0x123: {  	v59 =	vshll.u32 v3, $0x1  }
0x124: {  	v3 =	vand.u32 $0x7, v3;
	v4 =	vand.u32 $0xFFFFFFF0, v59  }
0x125: {  	v3 =	vor.u32 v3, v4  }
0x126: {  	v4 =	vperm.xlane v3, v0;
	_ =	sdelay $0x1  }
0x127: {  	v3 =	vperm.xlane v3, v2;
	v4 =	vadd.s32 v1, v4;
	_ =	sdelay $0x1  }
0x128: {  	v3 =	vadd.s32 v1, v3;
	_ =	sdelay $0x2  }
0x129: {  	[tilespmem:s15], [sflag:$0x4] =	stream.indirect_vreg.gather [hbm4b:s3+s2], $0x80, v4, vm0, $0xb8;
	[tilespmem:$0x1A200] =	vst v63  }
0x12a: {  	_ = 	snop  }
0x12b: {  	[tilespmem:s16], [sflag:$0x4] =	stream.indirect_vreg.gather [hbm4b:s3+s2], $0x80, v3, vm0, $0xb8;
	[tilespmem:$0x1A200] =	vst v63  }
0x12c: {  	v3 =	vld [tilespmem:$0x168];
	_ =	sdelay $0x4  }
0x12d: {  	v60 =	vshll.u32 v3, $0x1  }
0x12e: {  	v3 =	vand.u32 $0x7, v3;
	v4 =	vand.u32 $0xFFFFFFF0, v60  }
0x12f: {  	v3 =	vor.u32 v3, v4  }
0x130: {  	v4 =	vperm.xlane v3, v0;
	_ =	sdelay $0x1  }
0x131: {  	v3 =	vperm.xlane v3, v2;
	v4 =	vadd.s32 v1, v4;
	_ =	sdelay $0x1  }
0x132: {  	v3 =	vadd.s32 v1, v3;
	_ =	sdelay $0x2  }
0x133: {  	[tilespmem:s17], [sflag:$0x4] =	stream.indirect_vreg.gather [hbm4b:s3+s2], $0x80, v4, vm0, $0xb8;
	[tilespmem:$0x1A200] =	vst v63  }
0x134: {  	_ = 	snop  }
0x135: {  	[tilespmem:s18], [sflag:$0x4] =	stream.indirect_vreg.gather [hbm4b:s3+s2], $0x80, v3, vm0, $0xb8;
	[tilespmem:$0x1A200] =	vst v63  }
0x136: {  	v3 =	vld [tilespmem:$0x178];
	_ =	sdelay $0x4  }
0x137: {  	v61 =	vshll.u32 v3, $0x1  }
0x138: {  	v3 =	vand.u32 $0x7, v3;
	v4 =	vand.u32 $0xFFFFFFF0, v61  }
0x139: {  	v3 =	vor.u32 v3, v4  }
0x13a: {  	v4 =	vperm.xlane v3, v0;
	_ =	sdelay $0x1  }
0x13b: {  	v3 =	vperm.xlane v3, v2;
	v4 =	vadd.s32 v1, v4;
	_ =	sdelay $0x1  }
0x13c: {  	v3 =	vadd.s32 v1, v3;
	_ =	sdelay $0x2  }
0x13d: {  	[tilespmem:s19], [sflag:$0x4] =	stream.indirect_vreg.gather [hbm4b:s3+s2], $0x80, v4, vm0, $0xb8;
	[tilespmem:$0x1A200] =	vst v63  }
0x13e: {  	_ = 	snop  }
0x13f: {  	[tilespmem:s20], [sflag:$0x4] =	stream.indirect_vreg.gather [hbm4b:s3+s2], $0x80, v3, vm0, $0xb8;
	[tilespmem:$0x1A200] =	vst v63  }
0x140: {  	v3 =	vld [tilespmem:$0x188];
	_ =	sdelay $0x4  }
0x141: {  	v62 =	vshll.u32 v3, $0x1  }
0x142: {  	v3 =	vand.u32 $0x7, v3;
	v4 =	vand.u32 $0xFFFFFFF0, v62  }
0x143: {  	v3 =	vor.u32 v3, v4  }
0x144: {  	v4 =	vperm.xlane v3, v0;
	_ =	sdelay $0x1  }
0x145: {  	v3 =	vperm.xlane v3, v2;
	v4 =	vadd.s32 v1, v4;
	_ =	sdelay $0x1  }
0x146: {  	v3 =	vadd.s32 v1, v3;
	_ =	sdelay $0x2  }
0x147: {  	[tilespmem:s21], [sflag:$0x4] =	stream.indirect_vreg.gather [hbm4b:s3+s2], $0x80, v4, vm0, $0xb8;
	[tilespmem:$0x1A200] =	vst v63  }
0x148: {  	_ = 	snop  }
0x149: {  	[tilespmem:s22], [sflag:$0x4] =	stream.indirect_vreg.gather [hbm4b:s3+s2], $0x80, v3, vm0, $0xb8;
	[tilespmem:$0x1A200] =	vst v63  }
0x14a: {  	v3 =	vld.msk [tilespmem:$0x198], $0xff;
	_ =	sdelay $0x4  }
0x14b: {  	v63 =	vshll.u32 v3, $0x1  }
0x14c: {  	v3 =	vand.u32 $0x7, v3;
	v4 =	vand.u32 $0xFFFFFFF0, v63  }
0x14d: {  	v3 =	vor.u32 v3, v4  }
0x14e: {  	v3 =	vperm.xlane v3, v0;
	_ =	sdelay $0x1  }
0x14f: {  	v3 =	vadd.s32 v1, v3;
	_ =	sdelay $0x4  }
0x150: {  	[tilespmem:s23], [sflag:$0x4] =	stream.indirect_vreg.gather [hbm4b:s3+s2], $0x80, v3, vm0, $0xb8;
	[tilespmem:$0x1A200] =	vst v63  }
0x151: {  	_ =	swait.ge [sflag:s24], $0x6800  }
0x152: {  	[sflag:s24] =	ssyncset.done $0x0  }
0x153: {  	s9 =	rddreg [dreg:$0x4];
	[sflag:s24] =	ssyncadd.s32 $0xFFFF9800  }
0x154: {  	[hbm4b:s9+s2] =	stream.linear.scatter [tilespmem:s6], [sflag:$0x5], $0x6800, $0x38;
	[tilespmem:$0x1A200] =	vst v63  }
0x155: {  	_ =	swait.ge [sflag:s25], $0x6800  }
0x156: {  	[sflag:s25] =	ssyncset.done $0x0  }
0x157: {  	s9 =	rddreg [dreg:$0x5];
	[sflag:s25] =	ssyncadd.s32 $0xFFFF9800  }
0x158: {  	[hbm4b:s9+s2] =	stream.linear.scatter [tilespmem:s7], [sflag:$0x6], $0x6800, $0x38;
	[tilespmem:$0x1A200] =	vst v63  }
0x159: {  	_ =	swait.ge [sflag:s26], $0x6800  }
0x15a: {  	[sflag:s26] =	ssyncset.done $0x0  }
0x15b: {  	s9 =	rddreg [dreg:$0x6];
	[sflag:s26] =	ssyncadd.s32 $0xFFFF9800  }
0x15c: {  	[hbm4b:s9+s2] =	stream.linear.scatter [tilespmem:s8], [sflag:$0x7], $0x6800, $0x38;
	[tilespmem:$0x1A200] =	vst v63  }
0x15d: {  	_ =	swait.ge [sflag:s28], $0x6800  }
0x15e: {  	[sflag:s28] =	ssyncset.done $0x0  }
0x15f: {  	s9 =	rddreg [dreg:$0x7];
	[sflag:s28] =	ssyncadd.s32 $0xFFFF9800  }
0x160: {  	[hbm4b:s9+s2] =	stream.linear.scatter [tilespmem:s11], [sflag:$0x8], $0x6800, $0x38;
	[tilespmem:$0x1A200] =	vst v63  }
0x161: {  	_ =	swait.ge [sflag:s29], $0x6800  }
0x162: {  	[sflag:s29] =	ssyncset.done $0x0  }
0x163: {  	[sflag:s29] =	ssyncadd.s32 $0xFFFF9800  }
0x164: {  	_ =	swait.ge [sflag:s30], $0x6800  }
0x165: {  	[sflag:s30] =	ssyncset.done $0x0  }
0x166: {  	[sflag:s30] =	ssyncadd.s32 $0xFFFF9800  }
0x167: {  	p0 =	sne.s32 s4, $0x1;
	_ =	swait.ge [sflag:s31], $0x6800  }
.Ltmp0:
0x168: {  	[sflag:s31] =	ssyncset.done $0x0;
	(pc) =	sbr.rel @p0 .LBB2_1-.Ltmp0, $4  }
0x169: {  	[sflag:s31] =	ssyncadd.s32 $0xFFFF9800  }
0x16a: {  	_ =	swait.ge [sflag:s1], $0x6800  }
0x16b: {  	[sflag:s1] =	ssyncset.done $0x0  }
0x16c: {  	s4 =	sadd.s32 $0xFFFFFFFF, s4;
	[sflag:s1] =	ssyncadd.s32 $0xFFFF9800  }
0x16d: {  	_ =	sfence.sel $0x180000  }
0x16e: {  	[bflag:$0x0] =	sbarrier.arrive $0xFFFF  }
0x16f: {  	_ =	strace $0x9000004A  }
0x170: {  	s0 =	stileid.u32;
	[bflag:$0x2] =	sbarrier.arrive $0xFFFF  }
0x171: {  	p0 =	sne.s32 s0, $0x0;
	s0 =	rddreg [dreg:$0x2]  }
0x172: {  	s0 =	sadd.s32 @!p0 $0x100000, s0  }
0x173: {  	[sflag:s0] =	ssyncadd.tile.s32 @!p0 $0x1;
	_ =	shalt  }
.Lfunc_end2:
_tile_overlayer_lowered:
.L_overlay_start_2:
0x174: {  	(tag) =	ssettag $0x2  }
0x175: {  	s0 =	rddreg [dreg:$0x0];
	s2 =	stileid.u32  }
0x176: {  	s1 =	rddreg [dreg:$0x1];
	p0 =	sne.s32 s2, $0x0  }
0x177: {  	s3 =	rddreg [dreg:$0x2];
	[bflag:$0x3] =	sbarrier.arrive $0xFFFF;
	s2 =	simm.s32 @!p0 $0x1C09  }
0x178: {  	[timem:s3], [sflag:s2] =	dma.local @!p0 [hbm:s0], s1  }
0x179: {  	s0 =	simm.s32 @!p0 $0x9  }
0x17a: {  	_ =	swait.ge @!p0 [sflag:s0], s1  }
0x17b: {  	s1 =	ssub.s32 @!p0 $0x0, s1;
	[sflag:s0] =	ssyncset.done @!p0 $0x0  }
0x17c: {  	[sflag:s0] =	ssyncadd.s32 @!p0 s1  }
0x17d: {  	[bflag:$0x3] =	sbarrier.arrive $0xFFFF  }
0x17e: {  	_ =	shalt  }

// kernel: kernel.7.cloned.1.call-start
scs
__scs_entry_jumppad:
0x0: {  	(pc) =	sbr.rel $0x88, $3  }
0x1: {  	(tag) =	ssettag $0x0;
	lr =	simm.s32 $0x1  }
0x2: {  	[smem:$0x3F98] =	sst lr;
	_ =	strace $0xD0000000  }
0x3: {  	_ = 	snop  }
0x4: {  	_ = 	snop  }
0x5: {  	_ = 	snop  }
0x6: {  	_ = 	snop  }
0x7: {  	_ = 	snop  }
__scs_overlays_trampoline_lowered:
0x8: {  	[smem:$0x3FA7] =	sst s0  }
0x9: {  	[smem:$0x3FA8] =	sst s1  }
0xa: {  	[smem:$0x3FA9] =	sst s2  }
0xb: {  	[smem:$0x3FAA] =	sst s3  }
0xc: {  	[smem:$0x3FAB] =	sst s4  }
0xd: {  	[smem:$0x3FAC] =	sst s5  }
0xe: {  	[smem:$0x3FAD] =	sst s6  }
0xf: {  	[smem:$0x3FAE] =	sst s7  }
0x10: {  	[smem:$0x3FAF] =	sst s8  }
0x11: {  	[smem:$0x3FB0] =	sst s9;
	s0 =	simm.s32 @!p0 $0x0  }
0x12: {  	s1 =	sld [smem:$0x3F96];
	s0 =	simm.s32 @p0 $0x1  }
0x13: {  	[smem:$0x3FB1] =	sst s0;
	s0 =	simm.s32 @!p1 $0x0  }
0x14: {  	s2 =	sld [smem:$0x3F95];
	s0 =	simm.s32 @p1 $0x1  }
0x15: {  	[smem:$0x3FB2] =	sst s0;
	s0 =	simm.s32 @!p2 $0x0  }
0x16: {  	s3 =	sld [smem:$0x3FDB];
	s0 =	simm.s32 @p2 $0x1  }
0x17: {  	s4 =	simm.s32 $0x1BF5;
	[smem:$0x3FB4] =	sst s0  }
0x18: {  	s0 =	sld [smem:$0x3F97];
	_ =	swait.ge [sflag:s4], $0x0  }
0x19: {  	s7 =	sld [smem:$0x3F98]  }
0x1a: {  	s8 =	sadd.s32 $0xFFFFE003, lr  }
0x1b: {  	s9 =	sadd.s32 $0xFFFFFEF7, lr;
	s5 =	simm.s32 $0xFFFFFFFF;
	p2 =	slt.u32 s8, $0xFFFFF086  }
0x1c: {  	p1 =	slt.u32 s9, $0xF7A;
	s5 =	simm.s32 @!p2 $0x0  }
0x1d: {  	s5 =	simm.s32 @p1 $0x1;
	p0 =	seq.s32 s7, s2  }
0x1e: {  	s7 =	smul.u32 @!p0 $0xF7A, s2;
	p2 =	seq.s32 @!p0 s5, $0x0  }
0x1f: {  	s9 =	smul.u32 $0xF7A, s1;
	s8 =	simm.s32 @!p0 $0x1BF5;
	p2 =	por !p2, p0  }
0x20: {  	[sflag:s8] =	ssyncset.s32 @!p0 $0xFFFFF086;
	s6 =	sadd.s32 @!p0 s3, s7;
	s7 =	simm.s32 @!p0 $0x108  }
0x21: {  	s3 =	sadd.s32 s3, s9;
	s6 =	sadd.s32 @!p0 $0x88, s6;
	s7 =	simm.s32 @p2 $0x1082  }
0x22: {  	[simem:s7], [sflag:s8] =	dma.local @!p0 [hbm:s6], $0xF7A  }
0x23: {  	s9 =	sor.u32 $0xD0000000, s2;
	s6 =	simm.s32 $0x108;
	_ =	swait.ge @!p0 [sflag:s8], $0x0  }
0x24: {  	s3 =	sadd.s32 $0x88, s3;
	s6 =	simm.s32 @!p1 $0x1082;
	[sflag:s4] =	ssyncset.s32 $0xFFFFF086  }
0x25: {  	[simem:s6], [sflag:s4] =	dma.local [hbm:s3], $0xF7A  }
0x26: {  	[smem:$0x3F98] =	sst s1;
	(tag) =	ssettag s2;
	_ =	strace s9  }
0x27: {  	s1 =	sld [smem:$0x3FA8]  }
0x28: {  	s2 =	sld [smem:$0x3FA9]  }
0x29: {  	s4 =	sld [smem:$0x3FAB]  }
0x2a: {  	p0 =	seq.s32 s5, $0x0;
	s5 =	sld [smem:$0x3FAC]  }
0x2b: {  	s6 =	sld [smem:$0x3FAD]  }
0x2c: {  	s7 =	sld [smem:$0x3FAE]  }
0x2d: {  	s3 =	simm.s32 $0x108;
	s8 =	sld [smem:$0x3FAF]  }
0x2e: {  	s3 =	simm.s32 @!p0 $0x1082;
	s9 =	sld [smem:$0x3FB0]  }
0x2f: {  	lr =	sadd.s32 s0, s3;
	s0 =	sld [smem:$0x3FA7]  }
0x30: {  	s3 =	sld [smem:$0x3FAA]  }
0x31: {  	[smem:$0x3FB3] =	sst s10  }
0x32: {  	s10 =	sld [smem:$0x3FB1];
	_ =	sdelay $0x3  }
0x33: {  	p0 =	seq.s32 s10, $0x1;
	s10 =	sld [smem:$0x3FB3];
	_ =	sdelay $0x3  }
0x34: {  	[smem:$0x3FB3] =	sst s10  }
0x35: {  	s10 =	sld [smem:$0x3FB2];
	_ =	sdelay $0x3  }
0x36: {  	p1 =	seq.s32 s10, $0x1;
	s10 =	sld [smem:$0x3FB3];
	_ =	sdelay $0x3  }
0x37: {  	[smem:$0x3FB3] =	sst s10  }
0x38: {  	s10 =	sld [smem:$0x3FB4]  }
0x39: {  	_ = 	snop;
	(pc) =	sbr.ind lr, $3  }
0x3a: {  	_ = 	snop  }
0x3b: {  	_ = 	snop  }
0x3c: {  	p2 =	seq.s32 s10, $0x1;
	s10 =	sld [smem:$0x3FB3]  }
0x3d: {  	_ =	shalt  }
0x3e: {  	_ =	shalt  }
0x3f: {  	_ =	shalt  }
0x40: {  	_ =	shalt  }
0x41: {  	_ =	shalt  }
0x42: {  	_ =	shalt  }
0x43: {  	_ =	shalt  }
0x44: {  	_ =	shalt  }
0x45: {  	_ =	shalt  }
0x46: {  	_ =	shalt  }
0x47: {  	_ =	shalt  }
0x48: {  	_ =	shalt  }
0x49: {  	_ =	shalt  }
0x4a: {  	_ =	shalt  }
0x4b: {  	_ =	shalt  }
0x4c: {  	_ =	shalt  }
0x4d: {  	_ =	shalt  }
0x4e: {  	_ =	shalt  }
0x4f: {  	_ =	shalt  }
0x50: {  	_ =	shalt  }
0x51: {  	_ =	shalt  }
0x52: {  	_ =	shalt  }
0x53: {  	_ =	shalt  }
0x54: {  	_ =	shalt  }
0x55: {  	_ =	shalt  }
0x56: {  	_ =	shalt  }
0x57: {  	_ =	shalt  }
0x58: {  	_ =	shalt  }
0x59: {  	_ =	shalt  }
0x5a: {  	_ =	shalt  }
0x5b: {  	_ =	shalt  }
0x5c: {  	_ =	shalt  }
0x5d: {  	_ =	shalt  }
0x5e: {  	_ =	shalt  }
0x5f: {  	_ =	shalt  }
0x60: {  	_ =	shalt  }
0x61: {  	_ =	shalt  }
0x62: {  	_ =	shalt  }
0x63: {  	_ =	shalt  }
0x64: {  	_ =	shalt  }
0x65: {  	_ =	shalt  }
0x66: {  	_ =	shalt  }
0x67: {  	_ =	shalt  }
0x68: {  	_ =	shalt  }
0x69: {  	_ =	shalt  }
0x6a: {  	_ =	shalt  }
0x6b: {  	_ =	shalt  }
0x6c: {  	_ =	shalt  }
0x6d: {  	_ =	shalt  }
0x6e: {  	_ =	shalt  }
0x6f: {  	_ =	shalt  }
0x70: {  	_ =	shalt  }
0x71: {  	_ =	shalt  }
0x72: {  	_ =	shalt  }
0x73: {  	_ =	shalt  }
0x74: {  	_ =	shalt  }
0x75: {  	_ =	shalt  }
0x76: {  	_ =	shalt  }
0x77: {  	_ =	shalt  }
0x78: {  	_ =	shalt  }
0x79: {  	_ =	shalt  }
0x7a: {  	_ =	shalt  }
0x7b: {  	_ =	shalt  }
0x7c: {  	_ =	shalt  }
0x7d: {  	_ =	shalt  }
0x7e: {  	_ =	shalt  }
0x7f: {  	_ =	shalt  }
0x80: {  	_ =	shalt  }
0x81: {  	_ =	shalt  }
0x82: {  	_ =	shalt  }
0x83: {  	_ =	shalt  }
0x84: {  	_ =	shalt  }
0x85: {  	_ =	shalt  }
0x86: {  	_ =	shalt  }
0x87: {  	_ =	shalt  }
.Lfunc_end0:
.L_simem_size_0:
called_computation_lowered:
.L_overlay_start_0:
0x88: {  	s2 =	sld [smem:$0x3FD9]  }
0x89: {  	s3 =	sld [smem:$0x3FFE];
	_ =	sdelay $0x1  }
0x8a: {  	s1 =	srdreg.scid  }
0x8b: {  	s0 =	sand.u32 $0x1, s1  }
0x8c: {  	s17 =	sshll.u32 s0, $0xA;
	s2 =	sadd.s32 s3, s2  }
0x8d: {  	s2 =	sadd.s32 s2, s17  }
0x8e: {  	[smem:$0x3FBF] =	sst s2  }
0x8f: {  	_ = 	snop  }
0x90: {  	s2 =	sld [smem:$0x3FC9]  }
0x91: {  	s18 =	sld [smem:$0x3FD0];
	(tm) =	ssettm $0x1  }
0x92: {  	s4 =	sld [smem:$0x3FFB];
	_ =	sdelay $0x3  }
0x93: {  	_ =	strace s4  }
0x94: {  	s4 =	sld [smem:$0x3FFC];
	_ =	sdelay $0x3  }
0x95: {  	_ =	strace s4  }
0x96: {  	s4 =	sld [smem:$0x3FFD];
	_ =	sdelay $0x3  }
0x97: {  	_ =	strace s4  }
0x98: {  	_ =	strace $0x8FFFFFFF  }
0x99: {  	s19 =	sld [smem:$0x3FDB];
	_ =	sdelay $0x1  }
0x9a: {  	s5 =	simm.s32 $_scs_section_size  }
0x9b: {  	s6 =	simm.s32 $_size__tile_overlayer_lowered;
	s7 =	simm.s32 $_tile_overlayer_lowered  }
0x9c: {  	s22 =	simm.s32 $0x1BFF;
	s21 =	sshll.u32 s7, $0x1;
	s4 =	sadd.s32 s5, s19  }
0x9d: {  	s8 =	simm.s32 $0x0;
	s20 =	sshll.u32 s6, $0x1;
	s6 =	sadd.s32 s21, s4  }
0x9e: {  	[timem:s8], [sflag:s22] =	dma.local [hbm:s6], s20  }
0x9f: {  	_ =	swait.ge [sflag:s22], s20  }
0xa0: {  	s5 =	ssub.s32 $0x0, s20;
	[sflag:s22] =	ssyncset.done $0x0  }
0xa1: {  	[sflag:s22] =	ssyncadd.s32 s5;
	_ =	sdelay $0x1  }
0xa2: {  	s23 =	simm.s32 $0x1B8B  }
0xa3: {  	_ =	swait.ge [sflag:s23], $0x1  }
0xa4: {  	[sflag:s23] =	ssyncset.done $0x0  }
0xa5: {  	s25 =	simm.s32 $0x1B8E;
	s24 =	sld [smem:$0x3FFE];
	[sflag:s23] =	ssyncadd.s32 $0xFFFFFFFF  }
0xa6: {  	s26 =	simm.s32 $execute0_lowered;
	[smem:$0x3FD2] =	sst s25  }
0xa7: {  	s6 =	sshll.u32 s26, $0x1;
	_ =	strace $0x80000046;
	[dreg:$0x1] =	wrdreg $0xFFFFFFFF  }
0xa8: {  	s28 =	simm.s32 $_size_execute0_lowered;
	s4 =	sadd.s32 s4, s6;
	[dreg:$0x0] =	wrdreg $0x0  }
0xa9: {  	s6 =	sshll.u32 s28, $0x1;
	[dreg:$0x2] =	wrdreg s4  }
0xaa: {  	[dreg:$0x3] =	wrdreg s6  }
0xab: {  	[dreg:$0x4] =	wrdreg $0xC0  }
0xac: {  	_ =	task [dreg:s8], $0x5FFFF  }
0xad: {  	[dreg:$0x1] =	wrdreg $0xFFFFFFFF  }
0xae: {  	[dreg:$0x0] =	wrdreg $0x60  }
0xaf: {  	[dreg:$0x2] =	wrdreg s24  }
0xb0: {  	[dreg:$0x3] =	wrdreg s2  }
0xb1: {  	[dreg:$0x4] =	wrdreg s18  }
0xb2: {  	[dreg:$0x5] =	wrdreg $0x9  }
0xb3: {  	_ =	task.clear_ibuf [dreg:s8], $0x6FFFF;
	_ =	strace $0x90000046  }
0xb4: {  	s29 =	simm.s32 $0x9;
	_ =	strace $0x80000048  }
0xb5: {  	_ =	swait.ge [sflag:s29], $0x1  }
0xb6: {  	[sflag:s29] =	ssyncadd.s32 $0xFFFFFFFF  }
0xb7: {  	_ =	strace $0x90000048  }
0xb8: {  	_ =	sfence  }
0xb9: {  	s30 =	sld [smem:$0x0];
	_ =	sdelay $0x2  }
0xba: {  	s31 =	sshll.u32 s1, $0xD;
	s1 =	sshrl.u32 s1, $0x2  }
0xbb: {  	s3 =	sand.u32 $0x4000, s31;
	s1 =	sadd.s32 s1, s30  }
0xbc: {  	s0 =	sor.u32 s3, s0;
	s1 =	sshll.u32 s1, $0x11  }
0xbd: {  	s0 =	sor.u32 s1, s0  }
0xbe: {  	s0 =	sadd.s32 $0x8F2B, s0  }
0xbf: {  	[sflag:s0] =	ssyncadd.remote.s32 $0x1  }
0xc0: {  	_ =	sfence.sel $0xFFFF  }
0xc1: {  	[dreg:$0x0] =	wrdreg $0xFFFFFFFF;
	(pc) =	sbr.abs _section_cstart, $3  }
0xc2: {  	[dreg:$0x1] =	wrdreg $0xFFFFFFFF  }
0xc3: {  	_ =	task.clear_ibuf [dreg:s8], $0x2FFFF;
	_ =	strace $0x9FFFFFFF  }
0xc4: {  	(tm) =	ssettm $0x7FFFFFFF  }
0xc5: {  	_ =	shalt  }
tec
execute0_lowered:
.L_overlay_start_1:
0x0: {  	(tag) =	ssettag $0x1  }
0x1: {  	s1 =	srdreg.scid  }
0x2: {  	s0 =	stileid.u32;
	s4 =	rddreg [dreg:$0x0]  }
0x3: {  	s3 =	rddreg [dreg:$0x1];
	s1 =	sand.u32 $0x1, s1;
	s2 =	sshll.u32 s0, $0x1  }
0x4: {  	s6 =	rddreg [dreg:$0x2];
	s5 =	sor.u32 s1, s2;
	s2 =	simm.s32 $0x0  }
0x5: {  	s9 =	simm.s32 $0x980;
	[smem:$0x7FF] =	sst s2  }
0x6: {  	s10 =	simm.s32 $0x1180;
	_ =	strace $0x80000047;
	[dreg:$0xc] =	wrdreg s9  }
0x7: {  	s11 =	simm.s32 $0x1980;
	[dreg:$0xd] =	wrdreg s10  }
0x8: {  	s12 =	simm.s32 $0x2180;
	[dreg:$0xe] =	wrdreg s11  }
0x9: {  	s13 =	simm.s32 $0x2980;
	[dreg:$0xf] =	wrdreg s12  }
0xa: {  	s14 =	simm.s32 $0x3980;
	[dreg:$0x10] =	wrdreg s13  }
0xb: {  	s15 =	simm.s32 $0x4180;
	[dreg:$0x11] =	wrdreg s14  }
0xc: {  	s16 =	simm.s32 $0x4980;
	[dreg:$0x12] =	wrdreg s15  }
0xd: {  	s17 =	simm.s32 $0x5180;
	[dreg:$0x13] =	wrdreg s16  }
0xe: {  	s18 =	simm.s32 $0x5980;
	[dreg:$0x14] =	wrdreg s17  }
0xf: {  	s19 =	simm.s32 $0x6980;
	[dreg:$0x15] =	wrdreg s18  }
0x10: {  	s20 =	simm.s32 $0x7180;
	[dreg:$0x16] =	wrdreg s19  }
0x11: {  	s21 =	simm.s32 $0x7980;
	[dreg:$0x17] =	wrdreg s20  }
0x12: {  	s22 =	simm.s32 $0x8180;
	s23 =	simm.s32 $0x8980;
	[dreg:$0x18] =	wrdreg s21  }
0x13: {  	s24 =	simm.s32 $0x9980;
	s28 =	simm.s32 $0xC;
	[dreg:$0x19] =	wrdreg s22  }
0x14: {  	s29 =	simm.s32 $0xD;
	s30 =	simm.s32 $0xE;
	[dreg:$0x1a] =	wrdreg s23  }
0x15: {  	s31 =	simm.s32 $0xF;
	[dreg:$0x1b] =	wrdreg s24;
	s9 =	simm.s32 $0xD980  }
0x16: {  	s4 =	sadd.s32 $0x2000, s4;
	s10 =	simm.s32 $0xE180;
	[smem:$0x7ED] =	sst s9  }
0x17: {  	s1 =	ssub.s32 $0x2, s1;
	s11 =	simm.s32 $0xE980;
	[smem:$0x7EE] =	sst s10  }
0x18: {  	s7 =	smul.u32 $0x30, s5;
	s12 =	simm.s32 $0xF980;
	[smem:$0x7EF] =	sst s11  }
0x19: {  	s8 =	smul.u32 $0x3000, s5;
	s13 =	simm.s32 $0x10180;
	[smem:$0x7F0] =	sst s12  }
0x1a: {  	s5 =	smul.u32 $0x18000, s5;
	s15 =	simm.s32 $0x10980;
	[smem:$0x7F1] =	sst s13  }
0x1b: {  	s14 =	sshrl.u32 s1, $0x1;
	s16 =	simm.s32 $0x11180;
	[smem:$0x7F2] =	sst s15  }
0x1c: {  	s17 =	simm.s32 $0x11980;
	s18 =	simm.s32 $0x12980;
	[smem:$0x7F3] =	sst s16  }
0x1d: {  	s19 =	simm.s32 $0x13180;
	s20 =	simm.s32 $0x13980;
	[smem:$0x7F4] =	sst s17  }
0x1e: {  	s21 =	simm.s32 $0x14180;
	s22 =	simm.s32 $0x14980;
	[smem:$0x7F5] =	sst s18  }
0x1f: {  	s23 =	simm.s32 $0x15980;
	s24 =	simm.s32 $0x16180;
	[smem:$0x7F6] =	sst s19  }
0x20: {  	s7 =	sadd.s32 s3, s7;
	s3 =	sadd.s32 s6, s8;
	[smem:$0x7F7] =	sst s20  }
0x21: {  	s5 =	sshrl.u32 s5, $0x3;
	s1 =	ssub.s32 s1, s14;
	[smem:$0x7F8] =	sst s21  }
0x22: {  	s9 =	simm.s32 $0x6180;
	s10 =	simm.s32 $0x9180;
	[smem:$0x7F9] =	sst s22  }
0x23: {  	s11 =	simm.s32 $0xC180;
	s12 =	simm.s32 $0xF180;
	[smem:$0x7FA] =	sst s23  }
0x24: {  	s13 =	simm.s32 $0x12180;
	[smem:$0x7FB] =	sst s24;
	s14 =	simm.s32 $0x15180  }
0x25: {  	s16 =	simm.s32 $0x1;
	[dreg:$0x4] =	wrdreg s7;
	s25 =	sadd.s32 $0x600, s3  }
0x26: {  	s26 =	sadd.s32 $0xC00, s3;
	s5 =	sadd.s32 s6, s5;
	[dreg:$0x5] =	wrdreg s25  }
0x27: {  	s17 =	simm.s32 $0x2;
	[dreg:$0x6] =	wrdreg s26;
	s6 =	sadd.s32 $0x1200, s5  }
0x28: {  	s18 =	simm.s32 $0x3;
	s0 =	sadd.s32 $0x1800, s5;
	[dreg:$0x7] =	wrdreg s6  }
0x29: {  	s19 =	simm.s32 $0x4;
	s7 =	sadd.s32 $0x1E00, s5;
	[dreg:$0x8] =	wrdreg s0  }
0x2a: {  	s20 =	simm.s32 $0x5;
	s8 =	sadd.s32 $0x2400, s5;
	[dreg:$0x9] =	wrdreg s7  }
0x2b: {  	s21 =	simm.s32 $0x6;
	s5 =	sadd.s32 $0x2A00, s5;
	[dreg:$0xa] =	wrdreg s8  }
0x2c: {  	s22 =	simm.s32 $0x7;
	s25 =	simm.s32 $0xA180;
	[dreg:$0xb] =	wrdreg s5  }
0x2d: {  	s23 =	simm.s32 $0x8;
	s26 =	simm.s32 $0xA980;
	[dreg:$0x1c] =	wrdreg s25  }
0x2e: {  	s24 =	simm.s32 $0x9;
	[dreg:$0x1d] =	wrdreg s26;
	s0 =	simm.s32 $0xB180  }
0x2f: {  	s6 =	simm.s32 $0xB980;
	s7 =	simm.s32 $0xC980;
	[dreg:$0x1e] =	wrdreg s0  }
0x30: {  	s8 =	simm.s32 $0xD180;
	s5 =	smax.u32 s1, $0x1;
	[dreg:$0x1f] =	wrdreg s6  }
0x31: {  	s25 =	simm.s32 $0x16980;
	s26 =	simm.s32 $0x17180;
	[smem:$0x7EB] =	sst s7  }
0x32: {  	v2 =	vlaneseq.u32;
	s1 =	simm.s32 $0x10;
	[smem:$0x7EC] =	sst s8;
	s6 =	simm.s32 $0x11  }
0x33: {  	vm0 =	vmmov $0xffff;
	v1 =	vshrl.u32 v2, $0x3;
	s7 =	simm.s32 $0x180;
	s8 =	simm.s32 $0x3180;
	[smem:$0x7FC] =	sst s25  }
0x34: {  	v0 =	vand.u32 $0x7, v2;
	v2 =	vor.u32 $0x8, v2;
	v1 =	vmul.u32 $0x8, v1;
	[smem:$0x7FD] =	sst s26;
	s25 =	simm.s32 $0xA;
	s26 =	simm.s32 $0xB  }
.LBB2_1:
0x35: {  	s0 =	rddreg [dreg:$0x4]  }
0x36: {  	[tilespmem:s2], [sflag:$0x11] =	stream.linear.gather [hbm4b:s0+s2], $0x180, $0x38;
	[tilespmem:$0x18180] =	vst v63  }
0x37: {  	_ =	swait.ge [sflag:s6], $0x180  }
0x38: {  	[sflag:s6] =	ssyncset.done $0x0  }
0x39: {  	[sflag:s6] =	ssyncadd.s32 $0xFFFFFE80  }
0x3a: {  	v3 =	vld [tilespmem:$0x0];
	_ =	sdelay $0x4  }
0x3b: {  	v4 =	vshll.u32 v3, $0x1  }
0x3c: {  	v3 =	vand.u32 $0x7, v3;
	v4 =	vand.u32 $0xFFFFFFF0, v4  }
0x3d: {  	v3 =	vor.u32 v3, v4  }
0x3e: {  	v4 =	vperm.xlane v3, v0;
	_ =	sdelay $0x1  }
0x3f: {  	v3 =	vperm.xlane v3, v2;
	v4 =	vadd.s32 v1, v4;
	_ =	sdelay $0x1  }
0x40: {  	v3 =	vadd.s32 v1, v3;
	_ =	sdelay $0x2  }
0x41: {  	[tilespmem:s7], [sflag:$0x1] =	stream.indirect_vreg.gather [hbm4b:s4+s2], $0x80, v4, vm0, $0xb8;
	[tilespmem:$0x18180] =	vst v63  }
0x42: {  	s15 =	rddreg [dreg:$0xc]  }
0x43: {  	[tilespmem:s15], [sflag:$0x1] =	stream.indirect_vreg.gather [hbm4b:s4+s2], $0x80, v3, vm0, $0xb8;
	[tilespmem:$0x18180] =	vst v63  }
0x44: {  	v3 =	vld [tilespmem:$0x10];
	_ =	sdelay $0x4  }
0x45: {  	v41 =	vshll.u32 v3, $0x1  }
0x46: {  	v3 =	vand.u32 $0x7, v3;
	v4 =	vand.u32 $0xFFFFFFF0, v41  }
0x47: {  	v3 =	vor.u32 v3, v4  }
0x48: {  	v4 =	vperm.xlane v3, v0;
	_ =	sdelay $0x1  }
0x49: {  	v3 =	vperm.xlane v3, v2;
	v4 =	vadd.s32 v1, v4;
	_ =	sdelay $0x1  }
0x4a: {  	v3 =	vadd.s32 v1, v3;
	_ =	sdelay $0x1  }
0x4b: {  	s0 =	rddreg [dreg:$0xd]  }
0x4c: {  	[tilespmem:s0], [sflag:$0x1] =	stream.indirect_vreg.gather [hbm4b:s4+s2], $0x80, v4, vm0, $0xb8;
	[tilespmem:$0x18180] =	vst v63  }
0x4d: {  	s15 =	rddreg [dreg:$0xe]  }
0x4e: {  	[tilespmem:s15], [sflag:$0x1] =	stream.indirect_vreg.gather [hbm4b:s4+s2], $0x80, v3, vm0, $0xb8;
	[tilespmem:$0x18180] =	vst v63  }
0x4f: {  	v3 =	vld [tilespmem:$0x20];
	_ =	sdelay $0x4  }
0x50: {  	v42 =	vshll.u32 v3, $0x1  }
0x51: {  	v3 =	vand.u32 $0x7, v3;
	v4 =	vand.u32 $0xFFFFFFF0, v42  }
0x52: {  	v3 =	vor.u32 v3, v4  }
0x53: {  	v4 =	vperm.xlane v3, v0;
	_ =	sdelay $0x1  }
0x54: {  	v3 =	vperm.xlane v3, v2;
	v4 =	vadd.s32 v1, v4;
	_ =	sdelay $0x1  }
0x55: {  	v3 =	vadd.s32 v1, v3;
	_ =	sdelay $0x1  }
0x56: {  	s0 =	rddreg [dreg:$0xf]  }
0x57: {  	[tilespmem:s0], [sflag:$0x1] =	stream.indirect_vreg.gather [hbm4b:s4+s2], $0x80, v4, vm0, $0xb8;
	[tilespmem:$0x18180] =	vst v63  }
0x58: {  	s15 =	rddreg [dreg:$0x10]  }
0x59: {  	[tilespmem:s15], [sflag:$0x1] =	stream.indirect_vreg.gather [hbm4b:s4+s2], $0x80, v3, vm0, $0xb8;
	[tilespmem:$0x18180] =	vst v63  }
0x5a: {  	v3 =	vld [tilespmem:$0x30];
	_ =	sdelay $0x4  }
0x5b: {  	v43 =	vshll.u32 v3, $0x1  }
0x5c: {  	v3 =	vand.u32 $0x7, v3;
	v4 =	vand.u32 $0xFFFFFFF0, v43  }
0x5d: {  	v3 =	vor.u32 v3, v4  }
0x5e: {  	v4 =	vperm.xlane v3, v0;
	_ =	sdelay $0x1  }
0x5f: {  	v3 =	vperm.xlane v3, v2;
	v4 =	vadd.s32 v1, v4;
	_ =	sdelay $0x1  }
0x60: {  	v3 =	vadd.s32 v1, v3;
	_ =	sdelay $0x2  }
0x61: {  	[tilespmem:s8], [sflag:$0x2] =	stream.indirect_vreg.gather [hbm4b:s4+s2], $0x80, v4, vm0, $0xb8;
	[tilespmem:$0x18180] =	vst v63  }
0x62: {  	s15 =	rddreg [dreg:$0x11]  }
0x63: {  	[tilespmem:s15], [sflag:$0x2] =	stream.indirect_vreg.gather [hbm4b:s4+s2], $0x80, v3, vm0, $0xb8;
	[tilespmem:$0x18180] =	vst v63  }
0x64: {  	v3 =	vld [tilespmem:$0x40];
	_ =	sdelay $0x4  }
0x65: {  	v44 =	vshll.u32 v3, $0x1  }
0x66: {  	v3 =	vand.u32 $0x7, v3;
	v4 =	vand.u32 $0xFFFFFFF0, v44  }
0x67: {  	v3 =	vor.u32 v3, v4  }
0x68: {  	v4 =	vperm.xlane v3, v0;
	_ =	sdelay $0x1  }
0x69: {  	v3 =	vperm.xlane v3, v2;
	v4 =	vadd.s32 v1, v4;
	_ =	sdelay $0x1  }
0x6a: {  	v3 =	vadd.s32 v1, v3;
	_ =	sdelay $0x1  }
0x6b: {  	s0 =	rddreg [dreg:$0x12]  }
0x6c: {  	[tilespmem:s0], [sflag:$0x2] =	stream.indirect_vreg.gather [hbm4b:s4+s2], $0x80, v4, vm0, $0xb8;
	[tilespmem:$0x18180] =	vst v63  }
0x6d: {  	s15 =	rddreg [dreg:$0x13]  }
0x6e: {  	[tilespmem:s15], [sflag:$0x2] =	stream.indirect_vreg.gather [hbm4b:s4+s2], $0x80, v3, vm0, $0xb8;
	[tilespmem:$0x18180] =	vst v63  }
0x6f: {  	v3 =	vld [tilespmem:$0x50];
	_ =	sdelay $0x4  }
0x70: {  	v45 =	vshll.u32 v3, $0x1  }
0x71: {  	v3 =	vand.u32 $0x7, v3;
	v4 =	vand.u32 $0xFFFFFFF0, v45  }
0x72: {  	v3 =	vor.u32 v3, v4  }
0x73: {  	v4 =	vperm.xlane v3, v0;
	_ =	sdelay $0x1  }
0x74: {  	v3 =	vperm.xlane v3, v2;
	v4 =	vadd.s32 v1, v4;
	_ =	sdelay $0x1  }
0x75: {  	v3 =	vadd.s32 v1, v3;
	_ =	sdelay $0x1  }
0x76: {  	s0 =	rddreg [dreg:$0x14]  }
0x77: {  	[tilespmem:s0], [sflag:$0x2] =	stream.indirect_vreg.gather [hbm4b:s4+s2], $0x80, v4, vm0, $0xb8;
	[tilespmem:$0x18180] =	vst v63  }
0x78: {  	s15 =	rddreg [dreg:$0x15]  }
0x79: {  	[tilespmem:s15], [sflag:$0x2] =	stream.indirect_vreg.gather [hbm4b:s4+s2], $0x80, v3, vm0, $0xb8;
	[tilespmem:$0x18180] =	vst v63  }
0x7a: {  	v3 =	vld [tilespmem:$0x60];
	_ =	sdelay $0x4  }
0x7b: {  	v46 =	vshll.u32 v3, $0x1  }
0x7c: {  	v3 =	vand.u32 $0x7, v3;
	v4 =	vand.u32 $0xFFFFFFF0, v46  }
0x7d: {  	v3 =	vor.u32 v3, v4  }
0x7e: {  	v4 =	vperm.xlane v3, v0;
	_ =	sdelay $0x1  }
0x7f: {  	v3 =	vperm.xlane v3, v2;
	v4 =	vadd.s32 v1, v4;
	_ =	sdelay $0x1  }
0x80: {  	v3 =	vadd.s32 v1, v3;
	_ =	sdelay $0x2  }
0x81: {  	[tilespmem:s9], [sflag:$0x3] =	stream.indirect_vreg.gather [hbm4b:s4+s2], $0x80, v4, vm0, $0xb8;
	[tilespmem:$0x18180] =	vst v63  }
0x82: {  	s15 =	rddreg [dreg:$0x16]  }
0x83: {  	[tilespmem:s15], [sflag:$0x3] =	stream.indirect_vreg.gather [hbm4b:s4+s2], $0x80, v3, vm0, $0xb8;
	[tilespmem:$0x18180] =	vst v63  }
0x84: {  	v3 =	vld [tilespmem:$0x70];
	_ =	sdelay $0x4  }
0x85: {  	v47 =	vshll.u32 v3, $0x1  }
0x86: {  	v3 =	vand.u32 $0x7, v3;
	v4 =	vand.u32 $0xFFFFFFF0, v47  }
0x87: {  	v3 =	vor.u32 v3, v4  }
0x88: {  	v4 =	vperm.xlane v3, v0;
	_ =	sdelay $0x1  }
0x89: {  	v3 =	vperm.xlane v3, v2;
	v4 =	vadd.s32 v1, v4;
	_ =	sdelay $0x1  }
0x8a: {  	v3 =	vadd.s32 v1, v3;
	_ =	sdelay $0x1  }
0x8b: {  	s0 =	rddreg [dreg:$0x17]  }
0x8c: {  	[tilespmem:s0], [sflag:$0x3] =	stream.indirect_vreg.gather [hbm4b:s4+s2], $0x80, v4, vm0, $0xb8;
	[tilespmem:$0x18180] =	vst v63  }
0x8d: {  	s15 =	rddreg [dreg:$0x18]  }
0x8e: {  	[tilespmem:s15], [sflag:$0x3] =	stream.indirect_vreg.gather [hbm4b:s4+s2], $0x80, v3, vm0, $0xb8;
	[tilespmem:$0x18180] =	vst v63  }
0x8f: {  	v3 =	vld [tilespmem:$0x80];
	_ =	sdelay $0x4  }
0x90: {  	v48 =	vshll.u32 v3, $0x1  }
0x91: {  	v3 =	vand.u32 $0x7, v3;
	v4 =	vand.u32 $0xFFFFFFF0, v48  }
0x92: {  	v3 =	vor.u32 v3, v4  }
0x93: {  	v4 =	vperm.xlane v3, v0;
	_ =	sdelay $0x1  }
0x94: {  	v3 =	vperm.xlane v3, v2;
	v4 =	vadd.s32 v1, v4;
	_ =	sdelay $0x1  }
0x95: {  	v3 =	vadd.s32 v1, v3;
	_ =	sdelay $0x1  }
0x96: {  	s0 =	rddreg [dreg:$0x19]  }
0x97: {  	[tilespmem:s0], [sflag:$0x3] =	stream.indirect_vreg.gather [hbm4b:s4+s2], $0x80, v4, vm0, $0xb8;
	[tilespmem:$0x18180] =	vst v63  }
0x98: {  	s15 =	rddreg [dreg:$0x1a]  }
0x99: {  	[tilespmem:s15], [sflag:$0x3] =	stream.indirect_vreg.gather [hbm4b:s4+s2], $0x80, v3, vm0, $0xb8;
	[tilespmem:$0x18180] =	vst v63  }
0x9a: {  	v3 =	vld [tilespmem:$0x90];
	_ =	sdelay $0x4  }
0x9b: {  	v49 =	vshll.u32 v3, $0x1  }
0x9c: {  	v3 =	vand.u32 $0x7, v3;
	v4 =	vand.u32 $0xFFFFFFF0, v49  }
0x9d: {  	v3 =	vor.u32 v3, v4  }
0x9e: {  	v4 =	vperm.xlane v3, v0;
	_ =	sdelay $0x1  }
0x9f: {  	v3 =	vperm.xlane v3, v2;
	v4 =	vadd.s32 v1, v4;
	_ =	sdelay $0x1  }
0xa0: {  	v3 =	vadd.s32 v1, v3;
	_ =	sdelay $0x2  }
0xa1: {  	[tilespmem:s10], [sflag:$0x4] =	stream.indirect_vreg.gather [hbm4b:s4+s2], $0x80, v4, vm0, $0xb8;
	[tilespmem:$0x18180] =	vst v63  }
0xa2: {  	s15 =	rddreg [dreg:$0x1b]  }
0xa3: {  	[tilespmem:s15], [sflag:$0x4] =	stream.indirect_vreg.gather [hbm4b:s4+s2], $0x80, v3, vm0, $0xb8;
	[tilespmem:$0x18180] =	vst v63  }
0xa4: {  	v3 =	vld [tilespmem:$0xA0];
	_ =	sdelay $0x4  }
0xa5: {  	v50 =	vshll.u32 v3, $0x1  }
0xa6: {  	v3 =	vand.u32 $0x7, v3;
	v4 =	vand.u32 $0xFFFFFFF0, v50  }
0xa7: {  	v3 =	vor.u32 v3, v4  }
0xa8: {  	v4 =	vperm.xlane v3, v0;
	_ =	sdelay $0x1  }
0xa9: {  	v3 =	vperm.xlane v3, v2;
	v4 =	vadd.s32 v1, v4;
	_ =	sdelay $0x1  }
0xaa: {  	v3 =	vadd.s32 v1, v3;
	_ =	sdelay $0x1  }
0xab: {  	s0 =	rddreg [dreg:$0x1c]  }
0xac: {  	[tilespmem:s0], [sflag:$0x4] =	stream.indirect_vreg.gather [hbm4b:s4+s2], $0x80, v4, vm0, $0xb8;
	[tilespmem:$0x18180] =	vst v63  }
0xad: {  	s15 =	rddreg [dreg:$0x1d]  }
0xae: {  	[tilespmem:s15], [sflag:$0x4] =	stream.indirect_vreg.gather [hbm4b:s4+s2], $0x80, v3, vm0, $0xb8;
	[tilespmem:$0x18180] =	vst v63  }
0xaf: {  	v3 =	vld [tilespmem:$0xB0];
	_ =	sdelay $0x4  }
0xb0: {  	v51 =	vshll.u32 v3, $0x1  }
0xb1: {  	v3 =	vand.u32 $0x7, v3;
	v4 =	vand.u32 $0xFFFFFFF0, v51  }
0xb2: {  	v3 =	vor.u32 v3, v4  }
0xb3: {  	v4 =	vperm.xlane v3, v0;
	_ =	sdelay $0x1  }
0xb4: {  	v3 =	vperm.xlane v3, v2;
	v4 =	vadd.s32 v1, v4;
	_ =	sdelay $0x1  }
0xb5: {  	v3 =	vadd.s32 v1, v3;
	_ =	sdelay $0x1  }
0xb6: {  	s0 =	rddreg [dreg:$0x1e]  }
0xb7: {  	[tilespmem:s0], [sflag:$0x4] =	stream.indirect_vreg.gather [hbm4b:s4+s2], $0x80, v4, vm0, $0xb8;
	[tilespmem:$0x18180] =	vst v63  }
0xb8: {  	s15 =	rddreg [dreg:$0x1f]  }
0xb9: {  	[tilespmem:s15], [sflag:$0x4] =	stream.indirect_vreg.gather [hbm4b:s4+s2], $0x80, v3, vm0, $0xb8;
	[tilespmem:$0x18180] =	vst v63  }
0xba: {  	v3 =	vld [tilespmem:$0xC0];
	_ =	sdelay $0x4  }
0xbb: {  	v52 =	vshll.u32 v3, $0x1  }
0xbc: {  	v3 =	vand.u32 $0x7, v3;
	v4 =	vand.u32 $0xFFFFFFF0, v52  }
0xbd: {  	v3 =	vor.u32 v3, v4  }
0xbe: {  	v4 =	vperm.xlane v3, v0;
	_ =	sdelay $0x1  }
0xbf: {  	v3 =	vperm.xlane v3, v2;
	v4 =	vadd.s32 v1, v4;
	_ =	sdelay $0x1  }
0xc0: {  	v3 =	vadd.s32 v1, v3;
	_ =	sdelay $0x1  }
0xc1: {  	s15 =	sld [smem:$0x7EB]  }
0xc2: {  	[tilespmem:s11], [sflag:$0x5] =	stream.indirect_vreg.gather [hbm4b:s4+s2], $0x80, v4, vm0, $0xb8;
	[tilespmem:$0x18180] =	vst v63  }
0xc3: {  	_ = 	snop  }
0xc4: {  	[tilespmem:s15], [sflag:$0x5] =	stream.indirect_vreg.gather [hbm4b:s4+s2], $0x80, v3, vm0, $0xb8;
	[tilespmem:$0x18180] =	vst v63  }
0xc5: {  	v3 =	vld [tilespmem:$0xD0];
	_ =	sdelay $0x4  }
0xc6: {  	v53 =	vshll.u32 v3, $0x1  }
0xc7: {  	v3 =	vand.u32 $0x7, v3;
	v4 =	vand.u32 $0xFFFFFFF0, v53  }
0xc8: {  	v3 =	vor.u32 v3, v4  }
0xc9: {  	v4 =	vperm.xlane v3, v0;
	_ =	sdelay $0x1  }
0xca: {  	v3 =	vperm.xlane v3, v2;
	v4 =	vadd.s32 v1, v4;
	_ =	sdelay $0x1  }
0xcb: {  	s0 =	sld [smem:$0x7EC];
	v3 =	vadd.s32 v1, v3;
	_ =	sdelay $0x1  }
0xcc: {  	s15 =	sld [smem:$0x7ED]  }
0xcd: {  	[tilespmem:s0], [sflag:$0x5] =	stream.indirect_vreg.gather [hbm4b:s4+s2], $0x80, v4, vm0, $0xb8;
	[tilespmem:$0x18180] =	vst v63  }
0xce: {  	_ = 	snop  }
0xcf: {  	[tilespmem:s15], [sflag:$0x5] =	stream.indirect_vreg.gather [hbm4b:s4+s2], $0x80, v3, vm0, $0xb8;
	[tilespmem:$0x18180] =	vst v63  }
0xd0: {  	v3 =	vld [tilespmem:$0xE0];
	_ =	sdelay $0x4  }
0xd1: {  	v54 =	vshll.u32 v3, $0x1  }
0xd2: {  	v3 =	vand.u32 $0x7, v3;
	v4 =	vand.u32 $0xFFFFFFF0, v54  }
0xd3: {  	v3 =	vor.u32 v3, v4  }
0xd4: {  	v4 =	vperm.xlane v3, v0;
	_ =	sdelay $0x1  }
0xd5: {  	v3 =	vperm.xlane v3, v2;
	v4 =	vadd.s32 v1, v4;
	_ =	sdelay $0x1  }
0xd6: {  	s0 =	sld [smem:$0x7EE];
	v3 =	vadd.s32 v1, v3;
	_ =	sdelay $0x1  }
0xd7: {  	s15 =	sld [smem:$0x7EF]  }
0xd8: {  	[tilespmem:s0], [sflag:$0x5] =	stream.indirect_vreg.gather [hbm4b:s4+s2], $0x80, v4, vm0, $0xb8;
	[tilespmem:$0x18180] =	vst v63  }
0xd9: {  	_ = 	snop  }
0xda: {  	[tilespmem:s15], [sflag:$0x5] =	stream.indirect_vreg.gather [hbm4b:s4+s2], $0x80, v3, vm0, $0xb8;
	[tilespmem:$0x18180] =	vst v63  }
0xdb: {  	v3 =	vld [tilespmem:$0xF0];
	_ =	sdelay $0x4  }
0xdc: {  	v55 =	vshll.u32 v3, $0x1  }
0xdd: {  	v3 =	vand.u32 $0x7, v3;
	v4 =	vand.u32 $0xFFFFFFF0, v55  }
0xde: {  	v3 =	vor.u32 v3, v4  }
0xdf: {  	v4 =	vperm.xlane v3, v0;
	_ =	sdelay $0x1  }
0xe0: {  	v3 =	vperm.xlane v3, v2;
	v4 =	vadd.s32 v1, v4;
	_ =	sdelay $0x1  }
0xe1: {  	v3 =	vadd.s32 v1, v3;
	_ =	sdelay $0x1  }
0xe2: {  	s15 =	sld [smem:$0x7F0]  }
0xe3: {  	[tilespmem:s12], [sflag:$0x6] =	stream.indirect_vreg.gather [hbm4b:s4+s2], $0x80, v4, vm0, $0xb8;
	[tilespmem:$0x18180] =	vst v63  }
0xe4: {  	_ = 	snop  }
0xe5: {  	[tilespmem:s15], [sflag:$0x6] =	stream.indirect_vreg.gather [hbm4b:s4+s2], $0x80, v3, vm0, $0xb8;
	[tilespmem:$0x18180] =	vst v63  }
0xe6: {  	v3 =	vld [tilespmem:$0x100];
	_ =	sdelay $0x4  }
0xe7: {  	v56 =	vshll.u32 v3, $0x1  }
0xe8: {  	v3 =	vand.u32 $0x7, v3;
	v4 =	vand.u32 $0xFFFFFFF0, v56  }
0xe9: {  	v3 =	vor.u32 v3, v4  }
0xea: {  	v4 =	vperm.xlane v3, v0;
	_ =	sdelay $0x1  }
0xeb: {  	v3 =	vperm.xlane v3, v2;
	v4 =	vadd.s32 v1, v4;
	_ =	sdelay $0x1  }
0xec: {  	s0 =	sld [smem:$0x7F1];
	v3 =	vadd.s32 v1, v3;
	_ =	sdelay $0x1  }
0xed: {  	s15 =	sld [smem:$0x7F2]  }
0xee: {  	[tilespmem:s0], [sflag:$0x6] =	stream.indirect_vreg.gather [hbm4b:s4+s2], $0x80, v4, vm0, $0xb8;
	[tilespmem:$0x18180] =	vst v63  }
0xef: {  	_ = 	snop  }
0xf0: {  	[tilespmem:s15], [sflag:$0x6] =	stream.indirect_vreg.gather [hbm4b:s4+s2], $0x80, v3, vm0, $0xb8;
	[tilespmem:$0x18180] =	vst v63  }
0xf1: {  	v3 =	vld [tilespmem:$0x110];
	_ =	sdelay $0x4  }
0xf2: {  	v57 =	vshll.u32 v3, $0x1  }
0xf3: {  	v3 =	vand.u32 $0x7, v3;
	v4 =	vand.u32 $0xFFFFFFF0, v57  }
0xf4: {  	v3 =	vor.u32 v3, v4  }
0xf5: {  	v4 =	vperm.xlane v3, v0;
	_ =	sdelay $0x1  }
0xf6: {  	v3 =	vperm.xlane v3, v2;
	v4 =	vadd.s32 v1, v4;
	_ =	sdelay $0x1  }
0xf7: {  	s0 =	sld [smem:$0x7F3];
	v3 =	vadd.s32 v1, v3;
	_ =	sdelay $0x1  }
0xf8: {  	s15 =	sld [smem:$0x7F4]  }
0xf9: {  	[tilespmem:s0], [sflag:$0x6] =	stream.indirect_vreg.gather [hbm4b:s4+s2], $0x80, v4, vm0, $0xb8;
	[tilespmem:$0x18180] =	vst v63  }
0xfa: {  	_ = 	snop  }
0xfb: {  	[tilespmem:s15], [sflag:$0x6] =	stream.indirect_vreg.gather [hbm4b:s4+s2], $0x80, v3, vm0, $0xb8;
	[tilespmem:$0x18180] =	vst v63  }
0xfc: {  	v3 =	vld [tilespmem:$0x120];
	_ =	sdelay $0x4  }
0xfd: {  	v58 =	vshll.u32 v3, $0x1  }
0xfe: {  	v3 =	vand.u32 $0x7, v3;
	v4 =	vand.u32 $0xFFFFFFF0, v58  }
0xff: {  	v3 =	vor.u32 v3, v4  }
0x100: {  	v4 =	vperm.xlane v3, v0;
	_ =	sdelay $0x1  }
0x101: {  	v3 =	vperm.xlane v3, v2;
	v4 =	vadd.s32 v1, v4;
	_ =	sdelay $0x1  }
0x102: {  	v3 =	vadd.s32 v1, v3;
	_ =	sdelay $0x1  }
0x103: {  	s15 =	sld [smem:$0x7F5]  }
0x104: {  	[tilespmem:s13], [sflag:$0x7] =	stream.indirect_vreg.gather [hbm4b:s4+s2], $0x80, v4, vm0, $0xb8;
	[tilespmem:$0x18180] =	vst v63  }
0x105: {  	_ = 	snop  }
0x106: {  	[tilespmem:s15], [sflag:$0x7] =	stream.indirect_vreg.gather [hbm4b:s4+s2], $0x80, v3, vm0, $0xb8;
	[tilespmem:$0x18180] =	vst v63  }
0x107: {  	v3 =	vld [tilespmem:$0x130];
	_ =	sdelay $0x4  }
0x108: {  	v59 =	vshll.u32 v3, $0x1  }
0x109: {  	v3 =	vand.u32 $0x7, v3;
	v4 =	vand.u32 $0xFFFFFFF0, v59  }
0x10a: {  	v3 =	vor.u32 v3, v4  }
0x10b: {  	v4 =	vperm.xlane v3, v0;
	_ =	sdelay $0x1  }
0x10c: {  	v3 =	vperm.xlane v3, v2;
	v4 =	vadd.s32 v1, v4;
	_ =	sdelay $0x1  }
0x10d: {  	s0 =	sld [smem:$0x7F6];
	v3 =	vadd.s32 v1, v3;
	_ =	sdelay $0x1  }
0x10e: {  	s15 =	sld [smem:$0x7F7]  }
0x10f: {  	[tilespmem:s0], [sflag:$0x7] =	stream.indirect_vreg.gather [hbm4b:s4+s2], $0x80, v4, vm0, $0xb8;
	[tilespmem:$0x18180] =	vst v63  }
0x110: {  	_ = 	snop  }
0x111: {  	[tilespmem:s15], [sflag:$0x7] =	stream.indirect_vreg.gather [hbm4b:s4+s2], $0x80, v3, vm0, $0xb8;
	[tilespmem:$0x18180] =	vst v63  }
0x112: {  	v3 =	vld [tilespmem:$0x140];
	_ =	sdelay $0x4  }
0x113: {  	v60 =	vshll.u32 v3, $0x1  }
0x114: {  	v3 =	vand.u32 $0x7, v3;
	v4 =	vand.u32 $0xFFFFFFF0, v60  }
0x115: {  	v3 =	vor.u32 v3, v4  }
0x116: {  	v4 =	vperm.xlane v3, v0;
	_ =	sdelay $0x1  }
0x117: {  	v3 =	vperm.xlane v3, v2;
	v4 =	vadd.s32 v1, v4;
	_ =	sdelay $0x1  }
0x118: {  	s0 =	sld [smem:$0x7F8];
	v3 =	vadd.s32 v1, v3;
	_ =	sdelay $0x1  }
0x119: {  	s15 =	sld [smem:$0x7F9]  }
0x11a: {  	[tilespmem:s0], [sflag:$0x7] =	stream.indirect_vreg.gather [hbm4b:s4+s2], $0x80, v4, vm0, $0xb8;
	[tilespmem:$0x18180] =	vst v63  }
0x11b: {  	_ = 	snop  }
0x11c: {  	[tilespmem:s15], [sflag:$0x7] =	stream.indirect_vreg.gather [hbm4b:s4+s2], $0x80, v3, vm0, $0xb8;
	[tilespmem:$0x18180] =	vst v63  }
0x11d: {  	v3 =	vld [tilespmem:$0x150];
	_ =	sdelay $0x4  }
0x11e: {  	v61 =	vshll.u32 v3, $0x1  }
0x11f: {  	v3 =	vand.u32 $0x7, v3;
	v4 =	vand.u32 $0xFFFFFFF0, v61  }
0x120: {  	v3 =	vor.u32 v3, v4  }
0x121: {  	v4 =	vperm.xlane v3, v0;
	_ =	sdelay $0x1  }
0x122: {  	v3 =	vperm.xlane v3, v2;
	v4 =	vadd.s32 v1, v4;
	_ =	sdelay $0x1  }
0x123: {  	v3 =	vadd.s32 v1, v3;
	_ =	sdelay $0x1  }
0x124: {  	s15 =	sld [smem:$0x7FA]  }
0x125: {  	[tilespmem:s14], [sflag:$0x8] =	stream.indirect_vreg.gather [hbm4b:s4+s2], $0x80, v4, vm0, $0xb8;
	[tilespmem:$0x18180] =	vst v63  }
0x126: {  	_ = 	snop  }
0x127: {  	[tilespmem:s15], [sflag:$0x8] =	stream.indirect_vreg.gather [hbm4b:s4+s2], $0x80, v3, vm0, $0xb8;
	[tilespmem:$0x18180] =	vst v63  }
0x128: {  	v3 =	vld [tilespmem:$0x160];
	_ =	sdelay $0x4  }
0x129: {  	v62 =	vshll.u32 v3, $0x1  }
0x12a: {  	v3 =	vand.u32 $0x7, v3;
	v4 =	vand.u32 $0xFFFFFFF0, v62  }
0x12b: {  	v3 =	vor.u32 v3, v4  }
0x12c: {  	v4 =	vperm.xlane v3, v0;
	_ =	sdelay $0x1  }
0x12d: {  	v3 =	vperm.xlane v3, v2;
	v4 =	vadd.s32 v1, v4;
	_ =	sdelay $0x1  }
0x12e: {  	s0 =	sld [smem:$0x7FB];
	v3 =	vadd.s32 v1, v3;
	_ =	sdelay $0x1  }
0x12f: {  	s15 =	sld [smem:$0x7FC]  }
0x130: {  	[tilespmem:s0], [sflag:$0x8] =	stream.indirect_vreg.gather [hbm4b:s4+s2], $0x80, v4, vm0, $0xb8;
	[tilespmem:$0x18180] =	vst v63  }
0x131: {  	_ = 	snop  }
0x132: {  	[tilespmem:s15], [sflag:$0x8] =	stream.indirect_vreg.gather [hbm4b:s4+s2], $0x80, v3, vm0, $0xb8;
	[tilespmem:$0x18180] =	vst v63  }
0x133: {  	v3 =	vld [tilespmem:$0x170];
	_ =	sdelay $0x4  }
0x134: {  	v63 =	vshll.u32 v3, $0x1  }
0x135: {  	v3 =	vand.u32 $0x7, v3;
	v4 =	vand.u32 $0xFFFFFFF0, v63  }
0x136: {  	v3 =	vor.u32 v3, v4  }
0x137: {  	v4 =	vperm.xlane v3, v0;
	_ =	sdelay $0x1  }
0x138: {  	v3 =	vperm.xlane v3, v2;
	v4 =	vadd.s32 v1, v4;
	_ =	sdelay $0x1  }
0x139: {  	s15 =	sld [smem:$0x7FD];
	v3 =	vadd.s32 v1, v3;
	_ =	sdelay $0x2  }
0x13a: {  	[tilespmem:s15], [sflag:$0x8] =	stream.indirect_vreg.gather [hbm4b:s4+s2], $0x80, v4, vm0, $0xb8;
	[tilespmem:$0x18180] =	vst v63  }
0x13b: {  	s15 =	simm.s32 $0x17980  }
0x13c: {  	[tilespmem:s15], [sflag:$0x8] =	stream.indirect_vreg.gather [hbm4b:s4+s2], $0x80, v3, vm0, $0xb8;
	[tilespmem:$0x18180] =	vst v63  }
0x13d: {  	_ =	swait.ge [sflag:s16], $0x3000  }
0x13e: {  	[sflag:s16] =	ssyncset.done $0x0  }
0x13f: {  	[sflag:s16] =	ssyncadd.s32 $0xFFFFD000  }
0x140: {  	[hbm4b:s3+s2] =	stream.linear.scatter [tilespmem:s7], [sflag:$0x9], $0x3000, $0x38;
	[tilespmem:$0x18180] =	vst v63  }
0x141: {  	_ =	swait.ge [sflag:s17], $0x3000  }
0x142: {  	[sflag:s17] =	ssyncset.done $0x0  }
0x143: {  	s15 =	rddreg [dreg:$0x5];
	[sflag:s17] =	ssyncadd.s32 $0xFFFFD000  }
0x144: {  	[hbm4b:s15+s2] =	stream.linear.scatter [tilespmem:s8], [sflag:$0xA], $0x3000, $0x38;
	[tilespmem:$0x18180] =	vst v63  }
0x145: {  	_ =	swait.ge [sflag:s18], $0x3000  }
0x146: {  	[sflag:s18] =	ssyncset.done $0x0  }
0x147: {  	s15 =	rddreg [dreg:$0x6];
	[sflag:s18] =	ssyncadd.s32 $0xFFFFD000  }
0x148: {  	[hbm4b:s15+s2] =	stream.linear.scatter [tilespmem:s9], [sflag:$0xB], $0x3000, $0x38;
	[tilespmem:$0x18180] =	vst v63  }
0x149: {  	_ =	swait.ge [sflag:s19], $0x3000  }
0x14a: {  	[sflag:s19] =	ssyncset.done $0x0  }
0x14b: {  	s15 =	rddreg [dreg:$0x7];
	[sflag:s19] =	ssyncadd.s32 $0xFFFFD000  }
0x14c: {  	[hbm4b:s15+s2] =	stream.linear.scatter [tilespmem:s10], [sflag:$0xC], $0x3000, $0x38;
	[tilespmem:$0x18180] =	vst v63  }
0x14d: {  	_ =	swait.ge [sflag:s20], $0x3000  }
0x14e: {  	[sflag:s20] =	ssyncset.done $0x0  }
0x14f: {  	s15 =	rddreg [dreg:$0x8];
	[sflag:s20] =	ssyncadd.s32 $0xFFFFD000  }
0x150: {  	[hbm4b:s15+s2] =	stream.linear.scatter [tilespmem:s11], [sflag:$0xD], $0x3000, $0x38;
	[tilespmem:$0x18180] =	vst v63  }
0x151: {  	_ =	swait.ge [sflag:s21], $0x3000  }
0x152: {  	[sflag:s21] =	ssyncset.done $0x0  }
0x153: {  	s15 =	rddreg [dreg:$0x9];
	[sflag:s21] =	ssyncadd.s32 $0xFFFFD000  }
0x154: {  	[hbm4b:s15+s2] =	stream.linear.scatter [tilespmem:s12], [sflag:$0xE], $0x3000, $0x38;
	[tilespmem:$0x18180] =	vst v63  }
0x155: {  	_ =	swait.ge [sflag:s22], $0x3000  }
0x156: {  	[sflag:s22] =	ssyncset.done $0x0  }
0x157: {  	s15 =	rddreg [dreg:$0xa];
	[sflag:s22] =	ssyncadd.s32 $0xFFFFD000  }
0x158: {  	[hbm4b:s15+s2] =	stream.linear.scatter [tilespmem:s13], [sflag:$0xF], $0x3000, $0x38;
	[tilespmem:$0x18180] =	vst v63  }
0x159: {  	_ =	swait.ge [sflag:s23], $0x3000  }
0x15a: {  	[sflag:s23] =	ssyncset.done $0x0  }
0x15b: {  	s15 =	rddreg [dreg:$0xb];
	[sflag:s23] =	ssyncadd.s32 $0xFFFFD000  }
0x15c: {  	[hbm4b:s15+s2] =	stream.linear.scatter [tilespmem:s14], [sflag:$0x10], $0x3000, $0x38;
	[tilespmem:$0x18180] =	vst v63  }
0x15d: {  	_ =	swait.ge [sflag:s24], $0x3000  }
0x15e: {  	[sflag:s24] =	ssyncset.done $0x0  }
0x15f: {  	[sflag:s24] =	ssyncadd.s32 $0xFFFFD000  }
0x160: {  	_ =	swait.ge [sflag:s25], $0x3000  }
0x161: {  	[sflag:s25] =	ssyncset.done $0x0  }
0x162: {  	[sflag:s25] =	ssyncadd.s32 $0xFFFFD000  }
0x163: {  	_ =	swait.ge [sflag:s26], $0x3000  }
0x164: {  	[sflag:s26] =	ssyncset.done $0x0  }
0x165: {  	[sflag:s26] =	ssyncadd.s32 $0xFFFFD000  }
0x166: {  	_ =	swait.ge [sflag:s28], $0x3000  }
0x167: {  	[sflag:s28] =	ssyncset.done $0x0  }
0x168: {  	[sflag:s28] =	ssyncadd.s32 $0xFFFFD000  }
0x169: {  	_ =	swait.ge [sflag:s29], $0x3000  }
0x16a: {  	[sflag:s29] =	ssyncset.done $0x0  }
0x16b: {  	[sflag:s29] =	ssyncadd.s32 $0xFFFFD000  }
0x16c: {  	_ =	swait.ge [sflag:s30], $0x3000  }
0x16d: {  	[sflag:s30] =	ssyncset.done $0x0  }
0x16e: {  	[sflag:s30] =	ssyncadd.s32 $0xFFFFD000  }
0x16f: {  	p0 =	sne.s32 s5, $0x1;
	_ =	swait.ge [sflag:s31], $0x3000  }
.Ltmp0:
0x170: {  	[sflag:s31] =	ssyncset.done $0x0;
	(pc) =	sbr.rel @p0 .LBB2_1-.Ltmp0, $4  }
0x171: {  	[sflag:s31] =	ssyncadd.s32 $0xFFFFD000  }
0x172: {  	_ =	swait.ge [sflag:s1], $0x3000  }
0x173: {  	[sflag:s1] =	ssyncset.done $0x0  }
0x174: {  	s5 =	sadd.s32 $0xFFFFFFFF, s5;
	[sflag:s1] =	ssyncadd.s32 $0xFFFFD000  }
0x175: {  	_ =	sfence.sel $0x180000  }
0x176: {  	[bflag:$0x0] =	sbarrier.arrive $0xFFFF  }
0x177: {  	_ =	strace $0x90000047  }
0x178: {  	s0 =	stileid.u32;
	[bflag:$0x2] =	sbarrier.arrive $0xFFFF  }
0x179: {  	p0 =	sne.s32 s0, $0x0;
	s0 =	rddreg [dreg:$0x3]  }
0x17a: {  	s0 =	sadd.s32 @!p0 $0x100000, s0  }
0x17b: {  	[sflag:s0] =	ssyncadd.tile.s32 @!p0 $0x1;
	_ =	shalt  }
.Lfunc_end2:
_tile_overlayer_lowered:
.L_overlay_start_2:
0x17c: {  	(tag) =	ssettag $0x2  }
0x17d: {  	s0 =	rddreg [dreg:$0x0];
	s2 =	stileid.u32  }
0x17e: {  	s1 =	rddreg [dreg:$0x1];
	p0 =	sne.s32 s2, $0x0  }
0x17f: {  	s3 =	rddreg [dreg:$0x2];
	[bflag:$0x3] =	sbarrier.arrive $0xFFFF;
	s2 =	simm.s32 @!p0 $0x1C11  }
0x180: {  	[timem:s3], [sflag:s2] =	dma.local @!p0 [hbm:s0], s1  }
0x181: {  	s0 =	simm.s32 @!p0 $0x11  }
0x182: {  	_ =	swait.ge @!p0 [sflag:s0], s1  }
0x183: {  	s1 =	ssub.s32 @!p0 $0x0, s1;
	[sflag:s0] =	ssyncset.done @!p0 $0x0  }
0x184: {  	[sflag:s0] =	ssyncadd.s32 @!p0 s1  }
0x185: {  	[bflag:$0x3] =	sbarrier.arrive $0xFFFF  }
0x186: {  	_ =	shalt  }

</sc_bundles>
